<compile_context>
chip_gen: v7x
topology: tpu7x:2x2x1
jax: 0.10.2.dev20260603
libtpu: 0.0.44.dev20260713+nightly
codegen_flags: <defaults>
</compile_context>

<pallas_src>
import functools

import jax
import jax.numpy as jnp
from jax import lax
from jax.experimental import pallas as pl
from jax.experimental.pallas import tpu as pltpu
from jax.experimental.pallas import tpu_sc as plsc

N = 10000
D = 128
QD = D // 4
E = 320000
NC = 2
NS = 16
NW = NC * NS
L = 16

CB = 128
CH = 160
EPT = E // NS
EPP = CH * CB
DCH = (NS * EPP) // (NW * CB)
ACC_ROWS = 10112
RPT = ACC_ROWS // NS
NPT = N // NS
DUMMY = 10016

_mesh = plsc.VectorSubcoreMesh(
    core_axis_name="c", subcore_axis_name="s", num_cores=NC, num_subcores=NS)
_sc_params = pltpu.CompilerParams(
    needs_layout_passes=False, use_tc_tiling_on_sc=False)


@functools.partial(
    pl.kernel,
    out_type=jax.ShapeDtypeStruct((NW, ACC_ROWS), jnp.float32),
    mesh=_mesh,
    compiler_params=_sc_params,
    scratch_types=[
        pltpu.VMEM((DCH, CB), jnp.int32),
        pltpu.VMEM((ACC_ROWS,), jnp.float32),
    ],
)
def _deg_kernel(dstr_hbm, deg_out, dst_v, deg_v):
    wid = lax.axis_index("s") * NC + lax.axis_index("c")
    pltpu.sync_copy(dstr_hbm.at[wid], dst_v)

    zeros16 = jnp.zeros((L,), jnp.float32)

    def zero_body(i, _):
        deg_v[pl.ds(i * L, L)] = zeros16
        return 0

    lax.fori_loop(0, ACC_ROWS // L, zero_body, 0)

    ones16 = jnp.full((L,), 1.0, jnp.float32)

    def acc_body(t, _):
        j = t >> 3
        k = t & 7
        idx = dst_v[j, pl.ds(k * L, L)]
        plsc.addupdate_scatter(deg_v, [idx], ones16)
        return 0

    lax.fori_loop(0, DCH * (CB // L), acc_body, 0)
    pltpu.sync_copy(deg_v, deg_out.at[wid])


@functools.partial(
    pl.kernel,
    out_type=jax.ShapeDtypeStruct((ACC_ROWS, D), jnp.float32),
    mesh=_mesh,
    compiler_params=_sc_params,
    scratch_types=[
        pltpu.VMEM((CH, CB), jnp.int32),
        pltpu.VMEM((CH, CB), jnp.int32),
        [pltpu.VMEM((CB, QD), jnp.float32) for _ in range(2)],
        pltpu.VMEM((CB, QD), jnp.float32),
        pltpu.VMEM_SHARED((N, QD), jnp.float32),
        [pltpu.VMEM_SHARED((ACC_ROWS, QD), jnp.float32)
         for _ in range(2)],
        [pltpu.SemaphoreType.DMA for _ in range(2)],
        pltpu.SemaphoreType.DMA,
    ],
)
def _mp_kernel(hp_hbm, srcr_hbm, dstr_hbm, agg_out,
               src_v, dst_v, bufs, zbuf, hp_s, accs, gsems, dsem):
    c = lax.axis_index("c")
    s = lax.axis_index("s")

    r0, r1 = bufs
    sem0, sem1 = gsems
    idx0 = pltpu.async_copy(srcr_hbm.at[s], src_v, sem0)
    idx1 = pltpu.async_copy(dstr_hbm.at[s], dst_v, sem1)
    zeros16 = jnp.zeros((L,), jnp.float32)

    def zero_body(t, _):
        j = t >> 1
        k = t & 1
        zbuf[j, pl.ds(k * L, L)] = zeros16
        return 0

    lax.fori_loop(0, CB * (QD // L), zero_body, 0)
    idx0.wait()
    idx1.wait()

    for h in range(2):
        acc = accs[h]
        for q in range(4):
            pltpu.sync_copy(zbuf, acc.at[pl.ds(s * RPT + q * CB, CB)])
        pltpu.sync_copy(zbuf.at[pl.ds(0, RPT - 4 * CB)],
                        acc.at[pl.ds(s * RPT + 4 * CB, RPT - 4 * CB)])
        qoff = (2 * c + h) * QD
        pltpu.sync_copy(hp_hbm.at[pl.ds(s * NPT, NPT), pl.ds(qoff, QD)],
                        hp_s.at[pl.ds(s * NPT, NPT)])
        plsc.subcore_barrier()

        pltpu.async_copy(hp_s.at[src_v.at[0]], r0, sem0)
        pltpu.async_copy(hp_s.at[src_v.at[1]], r1, sem1)

        def body(t, _):
            j0 = 2 * t
            j1 = j0 + 1
            pltpu.make_async_copy(hp_s.at[src_v.at[j0]], r0, sem0).wait()
            pltpu.sync_copy(r0, acc.at[dst_v.at[j0]], add=True)
            n0 = jnp.minimum(j0 + 2, CH - 2)
            pltpu.async_copy(hp_s.at[src_v.at[n0]], r0, sem0)
            pltpu.make_async_copy(hp_s.at[src_v.at[j1]], r1, sem1).wait()
            pltpu.sync_copy(r1, acc.at[dst_v.at[j1]], add=True)
            n1 = jnp.minimum(j1 + 2, CH - 1)
            pltpu.async_copy(hp_s.at[src_v.at[n1]], r1, sem1)
            return 0

        lax.fori_loop(0, CH // 2, body, 0)

        pltpu.make_async_copy(hp_s.at[src_v.at[CH - 2]], r0, sem0).wait()
        pltpu.make_async_copy(hp_s.at[src_v.at[CH - 1]], r1, sem1).wait()

        plsc.subcore_barrier()
        dump = pltpu.async_copy(
            acc.at[pl.ds(s * RPT, RPT)],
            agg_out.at[pl.ds(s * RPT, RPT), pl.ds(qoff, QD)], dsem)
        if h == 1:
            dump.wait()

    pltpu.make_async_copy(
        accs[0].at[pl.ds(s * RPT, RPT)],
        agg_out.at[pl.ds(s * RPT, RPT), pl.ds(0 * QD, QD)], dsem).wait()


def _dinv_body(deg_ref, out_ref):
    deg = jnp.sum(deg_ref[...], axis=0, keepdims=True) + 1.0
    out_ref[...] = lax.rsqrt(deg)


def _scale_mm_body(x_ref, w_ref, dinv_ref, out_ref):
    h = jnp.dot(x_ref[...], w_ref[...], preferred_element_type=jnp.float32)
    out_ref[...] = h * dinv_ref[...]


def _mid_body(agg_ref, hp_ref, dinv_ref, b_ref, g_ref, bt_ref, w_ref, out_ref):
    t = (agg_ref[:N, :] + hp_ref[...]) * dinv_ref[...] + b_ref[...]
    t = t * g_ref[...] + bt_ref[...]
    t = jnp.maximum(t, 0.0)
    h2 = jnp.dot(t, w_ref[...], preferred_element_type=jnp.float32)
    out_ref[...] = h2 * dinv_ref[...]


def _final_body(agg_ref, hp_ref, dinv_ref, b_ref, out_ref):
    out_ref[...] = (agg_ref[:N, :] + hp_ref[...]) * dinv_ref[...] + b_ref[...]


def kernel(x, edge_index, W1, b1, bn_gamma, bn_beta, W2, b2):
    src = edge_index[0].reshape(NS, EPT)
    dst = edge_index[1].reshape(NS, EPT)
    srcr = jnp.pad(src, ((0, 0), (0, EPP - EPT))).reshape(NS, CH, CB)
    dstr = jnp.pad(dst, ((0, 0), (0, EPP - EPT)),
                   constant_values=DUMMY).reshape(NS, CH, CB)

    deg_parts = _deg_kernel(dstr.reshape(NW, DCH, CB))

    dinv_row = pl.pallas_call(
        _dinv_body,
        out_shape=jax.ShapeDtypeStruct((1, ACC_ROWS), jnp.float32),
    )(deg_parts)
    dinv_col = dinv_row.reshape(ACC_ROWS, 1)[:N]

    h1p = pl.pallas_call(
        _scale_mm_body,
        out_shape=jax.ShapeDtypeStruct((N, D), jnp.float32),
    )(x, W1, dinv_col)

    agg1 = _mp_kernel(h1p, srcr, dstr)

    bn_scale = (bn_gamma / jnp.sqrt(1.0 + 1e-5)).reshape(1, D)
    h2p = pl.pallas_call(
        _mid_body,
        out_shape=jax.ShapeDtypeStruct((N, D), jnp.float32),
    )(agg1, h1p, dinv_col, b1.reshape(1, D), bn_scale,
      bn_beta.reshape(1, D), W2)

    agg2 = _mp_kernel(h2p, srcr, dstr)

    out = pl.pallas_call(
        _final_body,
        out_shape=jax.ShapeDtypeStruct((N, D), jnp.float32),
    )(agg2, h2p, dinv_col, b2.reshape(1, D))
    return out

# --- scband reference (transcript-rebuilt; emitter-appended) ---
"""Pipeline reference for scband-gnn-53291954209279 (READ-ONLY COPY).

The authoritative reference and input builder live on the scoring server;
editing this copy changes nothing except your own understanding.
"""

import jax, jax.numpy as jnp
import numpy as np

N = 10000
E = 320000
D = 128


def setup_inputs(seed: int = 0) -> dict:
    key = jax.random.key(seed)
    ks = jax.random.split(key, 8)
    x = jax.random.normal(ks[0], (N, D), dtype=jnp.float32)
    edge_index = jax.random.randint(ks[1], (2, E), 0, N, dtype=jnp.int32)
    # layer 0: GCNConv(128->128) + BatchNorm + ReLU (dropout inactive at eval)
    W1 = jax.random.normal(ks[2], (D, D), dtype=jnp.float32) * (1.0 / np.sqrt(D))
    b1 = jnp.zeros((D,), dtype=jnp.float32)
    bn_gamma = jnp.ones((D,), dtype=jnp.float32)
    bn_beta = jnp.zeros((D,), dtype=jnp.float32)
    # layer 1: GCNConv(128->128), no activation / no BN
    W2 = jax.random.normal(ks[3], (D, D), dtype=jnp.float32) * (1.0 / np.sqrt(D))
    b2 = jnp.zeros((D,), dtype=jnp.float32)
    return {"x": x, "edge_index": edge_index, "W1": W1, "b1": b1,
            "bn_gamma": bn_gamma, "bn_beta": bn_beta, "W2": W2, "b2": b2}


def _gcn_conv(x, src, dst, W, b):
    # GCN layer with added self-loops and symmetric normalization
    h = x @ W
    n = x.shape[0]
    deg = jnp.zeros((n,), dtype=x.dtype).at[dst].add(1.0)
    dinv = jnp.where(deg > 0, jax.lax.rsqrt(jnp.maximum(deg, 1.0)), 0.0)
    norm = dinv[src] * dinv[dst]
    msg = h[src] * norm[:, None]
    out = jnp.zeros((n, h.shape[1]), dtype=x.dtype).at[dst].add(msg)
    return out + b


def _batchnorm_eval(h, gamma, beta, eps=1e-5):
    # eval-mode BN with default running stats (mean=0, var=1)
    return gamma * h / jnp.sqrt(1.0 + eps) + beta


def reference(x, edge_index, W1, b1, bn_gamma, bn_beta, W2, b2):
    loops = jnp.arange(x.shape[0], dtype=edge_index.dtype)
    src = jnp.concatenate([edge_index[0], loops])
    dst = jnp.concatenate([edge_index[1], loops])
    h = _gcn_conv(x, src, dst, W1, b1)
    h = _batchnorm_eval(h, bn_gamma, bn_beta)
    h = jax.nn.relu(h)
    out = _gcn_conv(h, src, dst, W2, b2)
    return out

if __name__ == "__main__":
    import jax
    _d = setup_inputs()
    print(jax.jit(kernel)(*tuple(_d.values())))

</pallas_src>

<mosaic_0001>
#map = affine_map<(d0, d1) -> (0, 0, 0)>
#map1 = affine_map<(d0, d1) -> (0, 0)>
module attributes {stable_mosaic.version = 14 : i64} {
  func.func @_deg_kernel(%arg0: i32, %arg1: i32, %arg2: memref<32x80x128xi32, #tpu.memory_space<hbm>>, %arg3: memref<32x10112xf32, #tpu.memory_space<hbm>>, %arg4: memref<80x128xi32, #tpu.memory_space<vmem>>, %arg5: memref<10112xf32, #tpu.memory_space<vmem>>) attributes {dimension_semantics = [#tpu.dimension_semantics<core_parallel>, #tpu.dimension_semantics<subcore_parallel>], iteration_bounds = array<i64: 2, 16>, scalar_prefetch = 0 : i64, scratch_operands = 2 : i64, tpu.core_type = #tpu.core_type<sc_vector_subcore>, window_params = [{transform_indices = #map}, {transform_indices = #map1}]} {
    %mul3A = arith.constant 2 : i32
    %mul3A_0 = arith.muli %arg1, %mul3A : i32
    %add3A = arith.addi %mul3A_0, %arg0 : i32
    "tpu.region"() ({
      %run_scoped3A = tpu.sem_alloc : memref<!tpu.dma_semaphore, #tpu.memory_space<semaphore_mem>>
      %dma_start3A = arith.constant 0 : i32
      %dma_start3A_17 = arith.constant 0 : i32
      %dma_start3A_18 = tpu.memref_slice %arg2[%add3A, %dma_start3A, %dma_start3A_17] : memref<32x80x128xi32, #tpu.memory_space<hbm>> -> memref<1x80x128xi32, #tpu.memory_space<hbm>>
      %dma_start3A_19 = tpu.memref_squeeze %dma_start3A_18 : memref<1x80x128xi32, #tpu.memory_space<hbm>> -> memref<80x128xi32, #tpu.memory_space<hbm>>
      %dma_start3A_20 = arith.constant 0 : i32
      %dma_start3A_21 = arith.constant 0 : i32
      %dma_start3A_22 = tpu.memref_slice %arg2[%add3A, %dma_start3A_20, %dma_start3A_21] : memref<32x80x128xi32, #tpu.memory_space<hbm>> -> memref<1x80x128xi32, #tpu.memory_space<hbm>>
      %dma_start3A_23 = tpu.memref_squeeze %dma_start3A_22 : memref<1x80x128xi32, #tpu.memory_space<hbm>> -> memref<80x128xi32, #tpu.memory_space<hbm>>
      tpu.enqueue_dma source(%dma_start3A_23 : memref<80x128xi32, #tpu.memory_space<hbm>>) target(%arg4 : memref<80x128xi32, #tpu.memory_space<vmem>>) target_semaphore(%run_scoped3A : memref<!tpu.dma_semaphore, #tpu.memory_space<semaphore_mem>>)
      %dma_wait3A = arith.constant 0 : i32
      %dma_wait3A_24 = arith.constant 0 : i32
      %dma_wait3A_25 = tpu.memref_slice %arg2[%add3A, %dma_wait3A, %dma_wait3A_24] : memref<32x80x128xi32, #tpu.memory_space<hbm>> -> memref<1x80x128xi32, #tpu.memory_space<hbm>>
      %dma_wait3A_26 = tpu.memref_squeeze %dma_wait3A_25 : memref<1x80x128xi32, #tpu.memory_space<hbm>> -> memref<80x128xi32, #tpu.memory_space<hbm>>
      %dma_wait3A_27 = arith.constant 0 : i32
      %dma_wait3A_28 = arith.constant 0 : i32
      %dma_wait3A_29 = tpu.memref_slice %arg2[%add3A, %dma_wait3A_27, %dma_wait3A_28] : memref<32x80x128xi32, #tpu.memory_space<hbm>> -> memref<1x80x128xi32, #tpu.memory_space<hbm>>
      %dma_wait3A_30 = tpu.memref_squeeze %dma_wait3A_29 : memref<1x80x128xi32, #tpu.memory_space<hbm>> -> memref<80x128xi32, #tpu.memory_space<hbm>>
      tpu.wait_dma2 semaphore(%run_scoped3A : memref<!tpu.dma_semaphore, #tpu.memory_space<semaphore_mem>>) src(%dma_wait3A_30 : memref<80x128xi32, #tpu.memory_space<hbm>>) dst(%arg4 : memref<80x128xi32, #tpu.memory_space<vmem>>)
      tpu.yield
    }) : () -> ()
    %broadcast_in_dim3A = arith.constant 0.000000e+00 : f32
    %broadcast_in_dim3A_1 = vector.broadcast %broadcast_in_dim3A : f32 to vector<16xf32>
    %scan3A = arith.constant 0 : i32
    %scan3A_2 = arith.constant 0 : i32
    %scan3A_3 = arith.constant 632 : i32
    %scan3A_4 = arith.addi %scan3A_2, %scan3A_3 : i32
    %scan3A_5 = arith.constant 1 : i32
    %scan3A_6 = scf.for %scan3A_17 = %scan3A_2 to %scan3A_4 step %scan3A_5 iter_args(%scan3A_18 = %scan3A) -> (i32)  : i32 {
      %mul3A_19 = arith.constant 16 : i32
      %mul3A_20 = arith.muli %scan3A_17, %mul3A_19 : i32
      %swap3A = arith.index_cast %mul3A_20 : i32 to index
      %swap3A_21 = tpu.vector_load %arg5[%swap3A] {strides = array<i32>} : memref<10112xf32, #tpu.memory_space<vmem>>, vector<16xf32>,
      tpu.vector_store %arg5[%swap3A], %broadcast_in_dim3A_1 {strides = array<i32>} : memref<10112xf32, #tpu.memory_space<vmem>>, vector<16xf32>,
      %scan3A_22 = arith.constant 0 : i32
      scf.yield %scan3A_22 : i32
    }
    %scan3A_7 = arith.constant 632 : i32
    %broadcast_in_dim3A_8 = arith.constant 1.000000e+00 : f32
    %broadcast_in_dim3A_9 = vector.broadcast %broadcast_in_dim3A_8 : f32 to vector<16xf32>
    %scan3A_10 = arith.constant 0 : i32
    %scan3A_11 = arith.constant 0 : i32
    %scan3A_12 = arith.constant 640 : i32
    %scan3A_13 = arith.addi %scan3A_11, %scan3A_12 : i32
    %scan3A_14 = arith.constant 1 : i32
    %scan3A_15 = scf.for %scan3A_17 = %scan3A_11 to %scan3A_13 step %scan3A_14 iter_args(%scan3A_18 = %scan3A_10) -> (i32)  : i32 {
      %shift_right_arithmetic3A = arith.constant 3 : i32
      %shift_right_arithmetic3A_19 = arith.shrsi %scan3A_17, %shift_right_arithmetic3A : i32
      %and3A = arith.constant 7 : i32
      %and3A_20 = arith.andi %scan3A_17, %and3A : i32
      %mul3A_21 = arith.constant 16 : i32
      %mul3A_22 = arith.muli %and3A_20, %mul3A_21 : i32
      %get3A = arith.index_cast %shift_right_arithmetic3A_19 : i32 to index
      %get3A_23 = arith.index_cast %mul3A_22 : i32 to index
      %get3A_24 = tpu.vector_load %arg4[%get3A, %get3A_23] {strides = array<i32>} : memref<80x128xi32, #tpu.memory_space<vmem>>, vector<16xi32>,
      tpu.vector_store_idx %arg5[%get3A_24], %broadcast_in_dim3A_9 {add = true} : memref<10112xf32, #tpu.memory_space<vmem>>[vector<16xi32>], vector<16xf32>,
      %scan3A_25 = arith.constant 0 : i32
      scf.yield %scan3A_25 : i32
    }
    %scan3A_16 = arith.constant 640 : i32
    "tpu.region"() ({
      %run_scoped3A = tpu.sem_alloc : memref<!tpu.dma_semaphore, #tpu.memory_space<semaphore_mem>>
      %dma_start3A = arith.constant 0 : i32
      %dma_start3A_17 = tpu.memref_slice %arg3[%add3A, %dma_start3A] : memref<32x10112xf32, #tpu.memory_space<hbm>> -> memref<1x10112xf32, #tpu.memory_space<hbm>>
      %dma_start3A_18 = tpu.memref_squeeze %dma_start3A_17 : memref<1x10112xf32, #tpu.memory_space<hbm>> -> memref<10112xf32, #tpu.memory_space<hbm>>
      %dma_start3A_19 = arith.constant 0 : i32
      %dma_start3A_20 = tpu.memref_slice %arg3[%add3A, %dma_start3A_19] : memref<32x10112xf32, #tpu.memory_space<hbm>> -> memref<1x10112xf32, #tpu.memory_space<hbm>>
      %dma_start3A_21 = tpu.memref_squeeze %dma_start3A_20 : memref<1x10112xf32, #tpu.memory_space<hbm>> -> memref<10112xf32, #tpu.memory_space<hbm>>
      tpu.enqueue_dma source(%arg5 : memref<10112xf32, #tpu.memory_space<vmem>>) target(%dma_start3A_21 : memref<10112xf32, #tpu.memory_space<hbm>>) target_semaphore(%run_scoped3A : memref<!tpu.dma_semaphore, #tpu.memory_space<semaphore_mem>>)
      %dma_wait3A = arith.constant 0 : i32
      %dma_wait3A_22 = tpu.memref_slice %arg3[%add3A, %dma_wait3A] : memref<32x10112xf32, #tpu.memory_space<hbm>> -> memref<1x10112xf32, #tpu.memory_space<hbm>>
      %dma_wait3A_23 = tpu.memref_squeeze %dma_wait3A_22 : memref<1x10112xf32, #tpu.memory_space<hbm>> -> memref<10112xf32, #tpu.memory_space<hbm>>
      %dma_wait3A_24 = arith.constant 0 : i32
      %dma_wait3A_25 = tpu.memref_slice %arg3[%add3A, %dma_wait3A_24] : memref<32x10112xf32, #tpu.memory_space<hbm>> -> memref<1x10112xf32, #tpu.memory_space<hbm>>
      %dma_wait3A_26 = tpu.memref_squeeze %dma_wait3A_25 : memref<1x10112xf32, #tpu.memory_space<hbm>> -> memref<10112xf32, #tpu.memory_space<hbm>>
      tpu.wait_dma2 semaphore(%run_scoped3A : memref<!tpu.dma_semaphore, #tpu.memory_space<semaphore_mem>>) src(%arg5 : memref<10112xf32, #tpu.memory_space<vmem>>) dst(%dma_wait3A_26 : memref<10112xf32, #tpu.memory_space<hbm>>)
      tpu.yield
    }) : () -> ()
    return
  }
}

#map = affine_map<(d0, d1) -> (0, 0)>
#map1 = affine_map<(d0, d1) -> (0, 0, 0)>
module attributes {stable_mosaic.version = 14 : i64} {
  func.func @_mp_kernel(%arg0: i32, %arg1: i32, %arg2: memref<10000x128xf32, #tpu.memory_space<hbm>>, %arg3: memref<16x160x128xi32, #tpu.memory_space<hbm>>, %arg4: memref<16x160x128xi32, #tpu.memory_space<hbm>>, %arg5: memref<10112x128xf32, #tpu.memory_space<hbm>>, %arg6: memref<160x128xi32, #tpu.memory_space<vmem>>, %arg7: memref<160x128xi32, #tpu.memory_space<vmem>>, %arg8: memref<128x32xf32, #tpu.memory_space<vmem>>, %arg9: memref<128x32xf32, #tpu.memory_space<vmem>>, %arg10: memref<128x32xf32, #tpu.memory_space<vmem>>, %arg11: memref<10000x32xf32, #tpu.memory_space<vmem_shared>>, %arg12: memref<10112x32xf32, #tpu.memory_space<vmem_shared>>, %arg13: memref<10112x32xf32, #tpu.memory_space<vmem_shared>>, %arg14: memref<!tpu.dma_semaphore, #tpu.memory_space<semaphore_mem>>, %arg15: memref<!tpu.dma_semaphore, #tpu.memory_space<semaphore_mem>>, %arg16: memref<!tpu.dma_semaphore, #tpu.memory_space<semaphore_mem>>) attributes {dimension_semantics = [#tpu.dimension_semantics<core_parallel>, #tpu.dimension_semantics<subcore_parallel>], iteration_bounds = array<i64: 2, 16>, scalar_prefetch = 0 : i64, scratch_operands = 11 : i64, tpu.core_type = #tpu.core_type<sc_vector_subcore>, window_params = [{transform_indices = #map}, {transform_indices = #map1}, {transform_indices = #map1}, {transform_indices = #map}]} {
    %dma_start3A = arith.constant 0 : i32
    %dma_start3A_0 = arith.constant 0 : i32
    %dma_start3A_1 = tpu.memref_slice %arg3[%arg1, %dma_start3A, %dma_start3A_0] : memref<16x160x128xi32, #tpu.memory_space<hbm>> -> memref<1x160x128xi32, #tpu.memory_space<hbm>>
    %dma_start3A_2 = tpu.memref_squeeze %dma_start3A_1 : memref<1x160x128xi32, #tpu.memory_space<hbm>> -> memref<160x128xi32, #tpu.memory_space<hbm>>
    %dma_start3A_3 = arith.constant 0 : i32
    %dma_start3A_4 = arith.constant 0 : i32
    %dma_start3A_5 = tpu.memref_slice %arg3[%arg1, %dma_start3A_3, %dma_start3A_4] : memref<16x160x128xi32, #tpu.memory_space<hbm>> -> memref<1x160x128xi32, #tpu.memory_space<hbm>>
    %dma_start3A_6 = tpu.memref_squeeze %dma_start3A_5 : memref<1x160x128xi32, #tpu.memory_space<hbm>> -> memref<160x128xi32, #tpu.memory_space<hbm>>
    tpu.enqueue_dma source(%dma_start3A_6 : memref<160x128xi32, #tpu.memory_space<hbm>>) target(%arg6 : memref<160x128xi32, #tpu.memory_space<vmem>>) target_semaphore(%arg14 : memref<!tpu.dma_semaphore, #tpu.memory_space<semaphore_mem>>)
    %dma_start3A_7 = arith.constant 0 : i32
    %dma_start3A_8 = arith.constant 0 : i32
    %dma_start3A_9 = tpu.memref_slice %arg4[%arg1, %dma_start3A_7, %dma_start3A_8] : memref<16x160x128xi32, #tpu.memory_space<hbm>> -> memref<1x160x128xi32, #tpu.memory_space<hbm>>
    %dma_start3A_10 = tpu.memref_squeeze %dma_start3A_9 : memref<1x160x128xi32, #tpu.memory_space<hbm>> -> memref<160x128xi32, #tpu.memory_space<hbm>>
    %dma_start3A_11 = arith.constant 0 : i32
    %dma_start3A_12 = arith.constant 0 : i32
    %dma_start3A_13 = tpu.memref_slice %arg4[%arg1, %dma_start3A_11, %dma_start3A_12] : memref<16x160x128xi32, #tpu.memory_space<hbm>> -> memref<1x160x128xi32, #tpu.memory_space<hbm>>
    %dma_start3A_14 = tpu.memref_squeeze %dma_start3A_13 : memref<1x160x128xi32, #tpu.memory_space<hbm>> -> memref<160x128xi32, #tpu.memory_space<hbm>>
    tpu.enqueue_dma source(%dma_start3A_14 : memref<160x128xi32, #tpu.memory_space<hbm>>) target(%arg7 : memref<160x128xi32, #tpu.memory_space<vmem>>) target_semaphore(%arg15 : memref<!tpu.dma_semaphore, #tpu.memory_space<semaphore_mem>>)
    %broadcast_in_dim3A = arith.constant 0.000000e+00 : f32
    %broadcast_in_dim3A_15 = vector.broadcast %broadcast_in_dim3A : f32 to vector<16xf32>
    %scan3A = arith.constant 0 : i32
    %scan3A_16 = arith.constant 0 : i32
    %scan3A_17 = arith.constant 256 : i32
    %scan3A_18 = arith.addi %scan3A_16, %scan3A_17 : i32
    %scan3A_19 = arith.constant 1 : i32
    %scan3A_20 = scf.for %scan3A_193 = %scan3A_16 to %scan3A_18 step %scan3A_19 iter_args(%scan3A_194 = %scan3A) -> (i32)  : i32 {
      %shift_right_arithmetic3A = arith.constant 1 : i32
      %shift_right_arithmetic3A_195 = arith.shrsi %scan3A_193, %shift_right_arithmetic3A : i32
      %and3A = arith.constant 1 : i32
      %and3A_196 = arith.andi %scan3A_193, %and3A : i32
      %mul3A_197 = arith.constant 16 : i32
      %mul3A_198 = arith.muli %and3A_196, %mul3A_197 : i32
      %swap3A = arith.index_cast %shift_right_arithmetic3A_195 : i32 to index
      %swap3A_199 = arith.index_cast %mul3A_198 : i32 to index
      %swap3A_200 = tpu.vector_load %arg10[%swap3A, %swap3A_199] {strides = array<i32>} : memref<128x32xf32, #tpu.memory_space<vmem>>, vector<16xf32>,
      tpu.vector_store %arg10[%swap3A, %swap3A_199], %broadcast_in_dim3A_15 {strides = array<i32>} : memref<128x32xf32, #tpu.memory_space<vmem>>, vector<16xf32>,
      %scan3A_201 = arith.constant 0 : i32
      scf.yield %scan3A_201 : i32
    }
    %scan3A_21 = arith.constant 256 : i32
    %dma_wait3A = arith.constant 0 : i32
    %dma_wait3A_22 = arith.constant 0 : i32
    %dma_wait3A_23 = tpu.memref_slice %arg3[%arg1, %dma_wait3A, %dma_wait3A_22] : memref<16x160x128xi32, #tpu.memory_space<hbm>> -> memref<1x160x128xi32, #tpu.memory_space<hbm>>
    %dma_wait3A_24 = tpu.memref_squeeze %dma_wait3A_23 : memref<1x160x128xi32, #tpu.memory_space<hbm>> -> memref<160x128xi32, #tpu.memory_space<hbm>>
    %dma_wait3A_25 = arith.constant 0 : i32
    %dma_wait3A_26 = arith.constant 0 : i32
    %dma_wait3A_27 = tpu.memref_slice %arg3[%arg1, %dma_wait3A_25, %dma_wait3A_26] : memref<16x160x128xi32, #tpu.memory_space<hbm>> -> memref<1x160x128xi32, #tpu.memory_space<hbm>>
    %dma_wait3A_28 = tpu.memref_squeeze %dma_wait3A_27 : memref<1x160x128xi32, #tpu.memory_space<hbm>> -> memref<160x128xi32, #tpu.memory_space<hbm>>
    tpu.wait_dma2 semaphore(%arg14 : memref<!tpu.dma_semaphore, #tpu.memory_space<semaphore_mem>>) src(%dma_wait3A_28 : memref<160x128xi32, #tpu.memory_space<hbm>>) dst(%arg6 : memref<160x128xi32, #tpu.memory_space<vmem>>)
    %dma_wait3A_29 = arith.constant 0 : i32
    %dma_wait3A_30 = arith.constant 0 : i32
    %dma_wait3A_31 = tpu.memref_slice %arg4[%arg1, %dma_wait3A_29, %dma_wait3A_30] : memref<16x160x128xi32, #tpu.memory_space<hbm>> -> memref<1x160x128xi32, #tpu.memory_space<hbm>>
    %dma_wait3A_32 = tpu.memref_squeeze %dma_wait3A_31 : memref<1x160x128xi32, #tpu.memory_space<hbm>> -> memref<160x128xi32, #tpu.memory_space<hbm>>
    %dma_wait3A_33 = arith.constant 0 : i32
    %dma_wait3A_34 = arith.constant 0 : i32
    %dma_wait3A_35 = tpu.memref_slice %arg4[%arg1, %dma_wait3A_33, %dma_wait3A_34] : memref<16x160x128xi32, #tpu.memory_space<hbm>> -> memref<1x160x128xi32, #tpu.memory_space<hbm>>
    %dma_wait3A_36 = tpu.memref_squeeze %dma_wait3A_35 : memref<1x160x128xi32, #tpu.memory_space<hbm>> -> memref<160x128xi32, #tpu.memory_space<hbm>>
    tpu.wait_dma2 semaphore(%arg15 : memref<!tpu.dma_semaphore, #tpu.memory_space<semaphore_mem>>) src(%dma_wait3A_36 : memref<160x128xi32, #tpu.memory_space<hbm>>) dst(%arg7 : memref<160x128xi32, #tpu.memory_space<vmem>>)
    %mul3A = arith.constant 632 : i32
    %mul3A_37 = arith.muli %arg1, %mul3A : i32
    %add3A = arith.constant 0 : i32
    %add3A_38 = arith.addi %mul3A_37, %add3A : i32
    "tpu.region"() ({
      %run_scoped3A = tpu.sem_alloc : memref<!tpu.dma_semaphore, #tpu.memory_space<semaphore_mem>>
      %dma_start3A_193 = arith.constant 0 : i32
      %dma_start3A_194 = tpu.memref_slice %arg12[%add3A_38, %dma_start3A_193] : memref<10112x32xf32, #tpu.memory_space<vmem_shared>> -> memref<128x32xf32, #tpu.memory_space<vmem_shared>>
      %dma_start3A_195 = arith.constant 0 : i32
      %dma_start3A_196 = tpu.memref_slice %arg12[%add3A_38, %dma_start3A_195] : memref<10112x32xf32, #tpu.memory_space<vmem_shared>> -> memref<128x32xf32, #tpu.memory_space<vmem_shared>>
      tpu.enqueue_dma source(%arg10 : memref<128x32xf32, #tpu.memory_space<vmem>>) target(%dma_start3A_196 : memref<128x32xf32, #tpu.memory_space<vmem_shared>>) target_semaphore(%run_scoped3A : memref<!tpu.dma_semaphore, #tpu.memory_space<semaphore_mem>>)
      %dma_wait3A_197 = arith.constant 0 : i32
      %dma_wait3A_198 = tpu.memref_slice %arg12[%add3A_38, %dma_wait3A_197] : memref<10112x32xf32, #tpu.memory_space<vmem_shared>> -> memref<128x32xf32, #tpu.memory_space<vmem_shared>>
      %dma_wait3A_199 = arith.constant 0 : i32
      %dma_wait3A_200 = tpu.memref_slice %arg12[%add3A_38, %dma_wait3A_199] : memref<10112x32xf32, #tpu.memory_space<vmem_shared>> -> memref<128x32xf32, #tpu.memory_space<vmem_shared>>
      tpu.wait_dma2 semaphore(%run_scoped3A : memref<!tpu.dma_semaphore, #tpu.memory_space<semaphore_mem>>) src(%arg10 : memref<128x32xf32, #tpu.memory_space<vmem>>) dst(%dma_wait3A_200 : memref<128x32xf32, #tpu.memory_space<vmem_shared>>)
      tpu.yield
    }) : () -> ()
    %mul3A_39 = arith.constant 632 : i32
    %mul3A_40 = arith.muli %arg1, %mul3A_39 : i32
    %add3A_41 = arith.constant 128 : i32
    %add3A_42 = arith.addi %mul3A_40, %add3A_41 : i32
    "tpu.region"() ({
      %run_scoped3A = tpu.sem_alloc : memref<!tpu.dma_semaphore, #tpu.memory_space<semaphore_mem>>
      %dma_start3A_193 = arith.constant 0 : i32
      %dma_start3A_194 = tpu.memref_slice %arg12[%add3A_42, %dma_start3A_193] : memref<10112x32xf32, #tpu.memory_space<vmem_shared>> -> memref<128x32xf32, #tpu.memory_space<vmem_shared>>
      %dma_start3A_195 = arith.constant 0 : i32
      %dma_start3A_196 = tpu.memref_slice %arg12[%add3A_42, %dma_start3A_195] : memref<10112x32xf32, #tpu.memory_space<vmem_shared>> -> memref<128x32xf32, #tpu.memory_space<vmem_shared>>
      tpu.enqueue_dma source(%arg10 : memref<128x32xf32, #tpu.memory_space<vmem>>) target(%dma_start3A_196 : memref<128x32xf32, #tpu.memory_space<vmem_shared>>) target_semaphore(%run_scoped3A : memref<!tpu.dma_semaphore, #tpu.memory_space<semaphore_mem>>)
      %dma_wait3A_197 = arith.constant 0 : i32
      %dma_wait3A_198 = tpu.memref_slice %arg12[%add3A_42, %dma_wait3A_197] : memref<10112x32xf32, #tpu.memory_space<vmem_shared>> -> memref<128x32xf32, #tpu.memory_space<vmem_shared>>
      %dma_wait3A_199 = arith.constant 0 : i32
      %dma_wait3A_200 = tpu.memref_slice %arg12[%add3A_42, %dma_wait3A_199] : memref<10112x32xf32, #tpu.memory_space<vmem_shared>> -> memref<128x32xf32, #tpu.memory_space<vmem_shared>>
      tpu.wait_dma2 semaphore(%run_scoped3A : memref<!tpu.dma_semaphore, #tpu.memory_space<semaphore_mem>>) src(%arg10 : memref<128x32xf32, #tpu.memory_space<vmem>>) dst(%dma_wait3A_200 : memref<128x32xf32, #tpu.memory_space<vmem_shared>>)
      tpu.yield
    }) : () -> ()
    %mul3A_43 = arith.constant 632 : i32
    %mul3A_44 = arith.muli %arg1, %mul3A_43 : i32
    %add3A_45 = arith.constant 256 : i32
    %add3A_46 = arith.addi %mul3A_44, %add3A_45 : i32
    "tpu.region"() ({
      %run_scoped3A = tpu.sem_alloc : memref<!tpu.dma_semaphore, #tpu.memory_space<semaphore_mem>>
      %dma_start3A_193 = arith.constant 0 : i32
      %dma_start3A_194 = tpu.memref_slice %arg12[%add3A_46, %dma_start3A_193] : memref<10112x32xf32, #tpu.memory_space<vmem_shared>> -> memref<128x32xf32, #tpu.memory_space<vmem_shared>>
      %dma_start3A_195 = arith.constant 0 : i32
      %dma_start3A_196 = tpu.memref_slice %arg12[%add3A_46, %dma_start3A_195] : memref<10112x32xf32, #tpu.memory_space<vmem_shared>> -> memref<128x32xf32, #tpu.memory_space<vmem_shared>>
      tpu.enqueue_dma source(%arg10 : memref<128x32xf32, #tpu.memory_space<vmem>>) target(%dma_start3A_196 : memref<128x32xf32, #tpu.memory_space<vmem_shared>>) target_semaphore(%run_scoped3A : memref<!tpu.dma_semaphore, #tpu.memory_space<semaphore_mem>>)
      %dma_wait3A_197 = arith.constant 0 : i32
      %dma_wait3A_198 = tpu.memref_slice %arg12[%add3A_46, %dma_wait3A_197] : memref<10112x32xf32, #tpu.memory_space<vmem_shared>> -> memref<128x32xf32, #tpu.memory_space<vmem_shared>>
      %dma_wait3A_199 = arith.constant 0 : i32
      %dma_wait3A_200 = tpu.memref_slice %arg12[%add3A_46, %dma_wait3A_199] : memref<10112x32xf32, #tpu.memory_space<vmem_shared>> -> memref<128x32xf32, #tpu.memory_space<vmem_shared>>
      tpu.wait_dma2 semaphore(%run_scoped3A : memref<!tpu.dma_semaphore, #tpu.memory_space<semaphore_mem>>) src(%arg10 : memref<128x32xf32, #tpu.memory_space<vmem>>) dst(%dma_wait3A_200 : memref<128x32xf32, #tpu.memory_space<vmem_shared>>)
      tpu.yield
    }) : () -> ()
    %mul3A_47 = arith.constant 632 : i32
    %mul3A_48 = arith.muli %arg1, %mul3A_47 : i32
    %add3A_49 = arith.constant 384 : i32
    %add3A_50 = arith.addi %mul3A_48, %add3A_49 : i32
    "tpu.region"() ({
      %run_scoped3A = tpu.sem_alloc : memref<!tpu.dma_semaphore, #tpu.memory_space<semaphore_mem>>
      %dma_start3A_193 = arith.constant 0 : i32
      %dma_start3A_194 = tpu.memref_slice %arg12[%add3A_50, %dma_start3A_193] : memref<10112x32xf32, #tpu.memory_space<vmem_shared>> -> memref<128x32xf32, #tpu.memory_space<vmem_shared>>
      %dma_start3A_195 = arith.constant 0 : i32
      %dma_start3A_196 = tpu.memref_slice %arg12[%add3A_50, %dma_start3A_195] : memref<10112x32xf32, #tpu.memory_space<vmem_shared>> -> memref<128x32xf32, #tpu.memory_space<vmem_shared>>
      tpu.enqueue_dma source(%arg10 : memref<128x32xf32, #tpu.memory_space<vmem>>) target(%dma_start3A_196 : memref<128x32xf32, #tpu.memory_space<vmem_shared>>) target_semaphore(%run_scoped3A : memref<!tpu.dma_semaphore, #tpu.memory_space<semaphore_mem>>)
      %dma_wait3A_197 = arith.constant 0 : i32
      %dma_wait3A_198 = tpu.memref_slice %arg12[%add3A_50, %dma_wait3A_197] : memref<10112x32xf32, #tpu.memory_space<vmem_shared>> -> memref<128x32xf32, #tpu.memory_space<vmem_shared>>
      %dma_wait3A_199 = arith.constant 0 : i32
      %dma_wait3A_200 = tpu.memref_slice %arg12[%add3A_50, %dma_wait3A_199] : memref<10112x32xf32, #tpu.memory_space<vmem_shared>> -> memref<128x32xf32, #tpu.memory_space<vmem_shared>>
      tpu.wait_dma2 semaphore(%run_scoped3A : memref<!tpu.dma_semaphore, #tpu.memory_space<semaphore_mem>>) src(%arg10 : memref<128x32xf32, #tpu.memory_space<vmem>>) dst(%dma_wait3A_200 : memref<128x32xf32, #tpu.memory_space<vmem_shared>>)
      tpu.yield
    }) : () -> ()
    %mul3A_51 = arith.constant 632 : i32
    %mul3A_52 = arith.muli %arg1, %mul3A_51 : i32
    %add3A_53 = arith.constant 512 : i32
    %add3A_54 = arith.addi %mul3A_52, %add3A_53 : i32
    "tpu.region"() ({
      %run_scoped3A = tpu.sem_alloc : memref<!tpu.dma_semaphore, #tpu.memory_space<semaphore_mem>>
      %dma_start3A_193 = arith.constant 0 : i32
      %dma_start3A_194 = arith.constant 0 : i32
      %dma_start3A_195 = tpu.memref_slice %arg10[%dma_start3A_193, %dma_start3A_194] : memref<128x32xf32, #tpu.memory_space<vmem>> -> memref<120x32xf32, #tpu.memory_space<vmem>>
      %dma_start3A_196 = arith.constant 0 : i32
      %dma_start3A_197 = tpu.memref_slice %arg12[%add3A_54, %dma_start3A_196] : memref<10112x32xf32, #tpu.memory_space<vmem_shared>> -> memref<120x32xf32, #tpu.memory_space<vmem_shared>>
      %dma_start3A_198 = arith.constant 0 : i32
      %dma_start3A_199 = tpu.memref_slice %arg12[%add3A_54, %dma_start3A_198] : memref<10112x32xf32, #tpu.memory_space<vmem_shared>> -> memref<120x32xf32, #tpu.memory_space<vmem_shared>>
      %dma_start3A_200 = arith.constant 0 : i32
      %dma_start3A_201 = arith.constant 0 : i32
      %dma_start3A_202 = tpu.memref_slice %arg10[%dma_start3A_200, %dma_start3A_201] : memref<128x32xf32, #tpu.memory_space<vmem>> -> memref<120x32xf32, #tpu.memory_space<vmem>>
      tpu.enqueue_dma source(%dma_start3A_202 : memref<120x32xf32, #tpu.memory_space<vmem>>) target(%dma_start3A_199 : memref<120x32xf32, #tpu.memory_space<vmem_shared>>) target_semaphore(%run_scoped3A : memref<!tpu.dma_semaphore, #tpu.memory_space<semaphore_mem>>)
      %dma_wait3A_203 = arith.constant 0 : i32
      %dma_wait3A_204 = arith.constant 0 : i32
      %dma_wait3A_205 = tpu.memref_slice %arg10[%dma_wait3A_203, %dma_wait3A_204] : memref<128x32xf32, #tpu.memory_space<vmem>> -> memref<120x32xf32, #tpu.memory_space<vmem>>
      %dma_wait3A_206 = arith.constant 0 : i32
      %dma_wait3A_207 = tpu.memref_slice %arg12[%add3A_54, %dma_wait3A_206] : memref<10112x32xf32, #tpu.memory_space<vmem_shared>> -> memref<120x32xf32, #tpu.memory_space<vmem_shared>>
      %dma_wait3A_208 = arith.constant 0 : i32
      %dma_wait3A_209 = tpu.memref_slice %arg12[%add3A_54, %dma_wait3A_208] : memref<10112x32xf32, #tpu.memory_space<vmem_shared>> -> memref<120x32xf32, #tpu.memory_space<vmem_shared>>
      %dma_wait3A_210 = arith.constant 0 : i32
      %dma_wait3A_211 = arith.constant 0 : i32
      %dma_wait3A_212 = tpu.memref_slice %arg10[%dma_wait3A_210, %dma_wait3A_211] : memref<128x32xf32, #tpu.memory_space<vmem>> -> memref<120x32xf32, #tpu.memory_space<vmem>>
      tpu.wait_dma2 semaphore(%run_scoped3A : memref<!tpu.dma_semaphore, #tpu.memory_space<semaphore_mem>>) src(%dma_wait3A_212 : memref<120x32xf32, #tpu.memory_space<vmem>>) dst(%dma_wait3A_209 : memref<120x32xf32, #tpu.memory_space<vmem_shared>>)
      tpu.yield
    }) : () -> ()
    %mul3A_55 = arith.constant 2 : i32
    %mul3A_56 = arith.muli %mul3A_55, %arg0 : i32
    %add3A_57 = arith.constant 0 : i32
    %add3A_58 = arith.addi %mul3A_56, %add3A_57 : i32
    %mul3A_59 = arith.constant 32 : i32
    %mul3A_60 = arith.muli %add3A_58, %mul3A_59 : i32
    %mul3A_61 = arith.constant 625 : i32
    %mul3A_62 = arith.muli %arg1, %mul3A_61 : i32
    %mul3A_63 = arith.constant 625 : i32
    %mul3A_64 = arith.muli %arg1, %mul3A_63 : i32
    "tpu.region"() ({
      %run_scoped3A = tpu.sem_alloc : memref<!tpu.dma_semaphore, #tpu.memory_space<semaphore_mem>>
      %dma_start3A_193 = arith.constant 0 : i32
      %dma_start3A_194 = tpu.memref_slice %arg11[%mul3A_64, %dma_start3A_193] : memref<10000x32xf32, #tpu.memory_space<vmem_shared>> -> memref<625x32xf32, #tpu.memory_space<vmem_shared>>
      %dma_start3A_195 = tpu.memref_slice %arg2[%mul3A_62, %mul3A_60] : memref<10000x128xf32, #tpu.memory_space<hbm>> -> memref<625x32xf32, #tpu.memory_space<hbm>>
      tpu.enqueue_dma source(%dma_start3A_195 : memref<625x32xf32, #tpu.memory_space<hbm>>) target(%dma_start3A_194 : memref<625x32xf32, #tpu.memory_space<vmem_shared>>) target_semaphore(%run_scoped3A : memref<!tpu.dma_semaphore, #tpu.memory_space<semaphore_mem>>)
      %dma_wait3A_196 = arith.constant 0 : i32
      %dma_wait3A_197 = tpu.memref_slice %arg11[%mul3A_64, %dma_wait3A_196] : memref<10000x32xf32, #tpu.memory_space<vmem_shared>> -> memref<625x32xf32, #tpu.memory_space<vmem_shared>>
      %dma_wait3A_198 = tpu.memref_slice %arg2[%mul3A_62, %mul3A_60] : memref<10000x128xf32, #tpu.memory_space<hbm>> -> memref<625x32xf32, #tpu.memory_space<hbm>>
      tpu.wait_dma2 semaphore(%run_scoped3A : memref<!tpu.dma_semaphore, #tpu.memory_space<semaphore_mem>>) src(%dma_wait3A_198 : memref<625x32xf32, #tpu.memory_space<hbm>>) dst(%dma_wait3A_197 : memref<625x32xf32, #tpu.memory_space<vmem_shared>>)
      tpu.yield
    }) : () -> ()
    %barrier3A = arith.constant 0 : index
    tpu.barrier barrier_id(%barrier3A)
    %dma_start3A_65 = arith.constant 0 : i32
    %dma_start3A_66 = arith.constant 0 : i32
    %dma_start3A_67 = tpu.memref_slice %arg6[%dma_start3A_65, %dma_start3A_66] : memref<160x128xi32, #tpu.memory_space<vmem>> -> memref<1x128xi32, #tpu.memory_space<vmem>>
    %dma_start3A_68 = tpu.memref_squeeze %dma_start3A_67 : memref<1x128xi32, #tpu.memory_space<vmem>> -> memref<128xi32, #tpu.memory_space<vmem>>
    %dma_start3A_69 = arith.constant 0 : i32
    %dma_start3A_70 = arith.constant 0 : i32
    %dma_start3A_71 = tpu.memref_slice %arg11[%dma_start3A_69, %dma_start3A_70] : memref<10000x32xf32, #tpu.memory_space<vmem_shared>> -> memref<10000x32xf32, #tpu.memory_space<vmem_shared>>
    tpu.enqueue_indirect_dma source(%dma_start3A_71 : memref<10000x32xf32, #tpu.memory_space<vmem_shared>>) target(%arg8 : memref<128x32xf32, #tpu.memory_space<vmem>>) offsets(%dma_start3A_68 : memref<128xi32, #tpu.memory_space<vmem>>) semaphore(%arg14 : memref<!tpu.dma_semaphore, #tpu.memory_space<semaphore_mem>>)
    %dma_start3A_72 = arith.constant 1 : i32
    %dma_start3A_73 = arith.constant 0 : i32
    %dma_start3A_74 = tpu.memref_slice %arg6[%dma_start3A_72, %dma_start3A_73] : memref<160x128xi32, #tpu.memory_space<vmem>> -> memref<1x128xi32, #tpu.memory_space<vmem>>
    %dma_start3A_75 = tpu.memref_squeeze %dma_start3A_74 : memref<1x128xi32, #tpu.memory_space<vmem>> -> memref<128xi32, #tpu.memory_space<vmem>>
    %dma_start3A_76 = arith.constant 0 : i32
    %dma_start3A_77 = arith.constant 0 : i32
    %dma_start3A_78 = tpu.memref_slice %arg11[%dma_start3A_76, %dma_start3A_77] : memref<10000x32xf32, #tpu.memory_space<vmem_shared>> -> memref<10000x32xf32, #tpu.memory_space<vmem_shared>>
    tpu.enqueue_indirect_dma source(%dma_start3A_78 : memref<10000x32xf32, #tpu.memory_space<vmem_shared>>) target(%arg9 : memref<128x32xf32, #tpu.memory_space<vmem>>) offsets(%dma_start3A_75 : memref<128xi32, #tpu.memory_space<vmem>>) semaphore(%arg15 : memref<!tpu.dma_semaphore, #tpu.memory_space<semaphore_mem>>)
    %scan3A_79 = arith.constant 0 : i32
    %scan3A_80 = arith.constant 0 : i32
    %scan3A_81 = arith.constant 80 : i32
    %scan3A_82 = arith.addi %scan3A_80, %scan3A_81 : i32
    %scan3A_83 = arith.constant 1 : i32
    %scan3A_84 = scf.for %scan3A_193 = %scan3A_80 to %scan3A_82 step %scan3A_83 iter_args(%scan3A_194 = %scan3A_79) -> (i32)  : i32 {
      %mul3A_195 = arith.constant 2 : i32
      %mul3A_196 = arith.muli %mul3A_195, %scan3A_193 : i32
      %add3A_197 = arith.constant 1 : i32
      %add3A_198 = arith.addi %mul3A_196, %add3A_197 : i32
      %dma_wait3A_199 = arith.constant 0 : i32
      %dma_wait3A_200 = tpu.memref_slice %arg6[%mul3A_196, %dma_wait3A_199] : memref<160x128xi32, #tpu.memory_space<vmem>> -> memref<1x128xi32, #tpu.memory_space<vmem>>
      %dma_wait3A_201 = tpu.memref_squeeze %dma_wait3A_200 : memref<1x128xi32, #tpu.memory_space<vmem>> -> memref<128xi32, #tpu.memory_space<vmem>>
      %dma_wait3A_202 = arith.constant 0 : i32
      %dma_wait3A_203 = arith.constant 0 : i32
      %dma_wait3A_204 = tpu.memref_slice %arg11[%dma_wait3A_202, %dma_wait3A_203] : memref<10000x32xf32, #tpu.memory_space<vmem_shared>> -> memref<10000x32xf32, #tpu.memory_space<vmem_shared>>
      tpu.wait_indirect_dma semaphore(%arg14 : memref<!tpu.dma_semaphore, #tpu.memory_space<semaphore_mem>>) src(%dma_wait3A_204 : memref<10000x32xf32, #tpu.memory_space<vmem_shared>>) dst(%arg8 : memref<128x32xf32, #tpu.memory_space<vmem>>)
      "tpu.region"() ({
        %run_scoped3A = tpu.sem_alloc : memref<!tpu.dma_semaphore, #tpu.memory_space<semaphore_mem>>
        %dma_start3A_231 = arith.constant 0 : i32
        %dma_start3A_232 = tpu.memref_slice %arg7[%mul3A_196, %dma_start3A_231] : memref<160x128xi32, #tpu.memory_space<vmem>> -> memref<1x128xi32, #tpu.memory_space<vmem>>
        %dma_start3A_233 = tpu.memref_squeeze %dma_start3A_232 : memref<1x128xi32, #tpu.memory_space<vmem>> -> memref<128xi32, #tpu.memory_space<vmem>>
        %dma_start3A_234 = arith.constant 0 : i32
        %dma_start3A_235 = arith.constant 0 : i32
        %dma_start3A_236 = tpu.memref_slice %arg12[%dma_start3A_234, %dma_start3A_235] : memref<10112x32xf32, #tpu.memory_space<vmem_shared>> -> memref<10112x32xf32, #tpu.memory_space<vmem_shared>>
        tpu.enqueue_indirect_dma source(%arg8 : memref<128x32xf32, #tpu.memory_space<vmem>>) target(%dma_start3A_236 : memref<10112x32xf32, #tpu.memory_space<vmem_shared>>) offsets(%dma_start3A_233 : memref<128xi32, #tpu.memory_space<vmem>>) semaphore(%run_scoped3A : memref<!tpu.dma_semaphore, #tpu.memory_space<semaphore_mem>>) {add = true}
        %dma_wait3A_237 = arith.constant 0 : i32
        %dma_wait3A_238 = tpu.memref_slice %arg7[%mul3A_196, %dma_wait3A_237] : memref<160x128xi32, #tpu.memory_space<vmem>> -> memref<1x128xi32, #tpu.memory_space<vmem>>
        %dma_wait3A_239 = tpu.memref_squeeze %dma_wait3A_238 : memref<1x128xi32, #tpu.memory_space<vmem>> -> memref<128xi32, #tpu.memory_space<vmem>>
        %dma_wait3A_240 = arith.constant 0 : i32
        %dma_wait3A_241 = arith.constant 0 : i32
        %dma_wait3A_242 = tpu.memref_slice %arg12[%dma_wait3A_240, %dma_wait3A_241] : memref<10112x32xf32, #tpu.memory_space<vmem_shared>> -> memref<10112x32xf32, #tpu.memory_space<vmem_shared>>
        tpu.wait_indirect_dma semaphore(%run_scoped3A : memref<!tpu.dma_semaphore, #tpu.memory_space<semaphore_mem>>) src(%arg8 : memref<128x32xf32, #tpu.memory_space<vmem>>) dst(%dma_wait3A_242 : memref<10112x32xf32, #tpu.memory_space<vmem_shared>>)
        tpu.yield
      }) : () -> ()
      %add3A_205 = arith.constant 2 : i32
      %add3A_206 = arith.addi %mul3A_196, %add3A_205 : i32
      %min3A = arith.constant 158 : i32
      %min3A_207 = arith.minsi %add3A_206, %min3A : i32
      %dma_start3A_208 = arith.constant 0 : i32
      %dma_start3A_209 = tpu.memref_slice %arg6[%min3A_207, %dma_start3A_208] : memref<160x128xi32, #tpu.memory_space<vmem>> -> memref<1x128xi32, #tpu.memory_space<vmem>>
      %dma_start3A_210 = tpu.memref_squeeze %dma_start3A_209 : memref<1x128xi32, #tpu.memory_space<vmem>> -> memref<128xi32, #tpu.memory_space<vmem>>
      %dma_start3A_211 = arith.constant 0 : i32
      %dma_start3A_212 = arith.constant 0 : i32
      %dma_start3A_213 = tpu.memref_slice %arg11[%dma_start3A_211, %dma_start3A_212] : memref<10000x32xf32, #tpu.memory_space<vmem_shared>> -> memref<10000x32xf32, #tpu.memory_space<vmem_shared>>
      tpu.enqueue_indirect_dma source(%dma_start3A_213 : memref<10000x32xf32, #tpu.memory_space<vmem_shared>>) target(%arg8 : memref<128x32xf32, #tpu.memory_space<vmem>>) offsets(%dma_start3A_210 : memref<128xi32, #tpu.memory_space<vmem>>) semaphore(%arg14 : memref<!tpu.dma_semaphore, #tpu.memory_space<semaphore_mem>>)
      %dma_wait3A_214 = arith.constant 0 : i32
      %dma_wait3A_215 = tpu.memref_slice %arg6[%add3A_198, %dma_wait3A_214] : memref<160x128xi32, #tpu.memory_space<vmem>> -> memref<1x128xi32, #tpu.memory_space<vmem>>
      %dma_wait3A_216 = tpu.memref_squeeze %dma_wait3A_215 : memref<1x128xi32, #tpu.memory_space<vmem>> -> memref<128xi32, #tpu.memory_space<vmem>>
      %dma_wait3A_217 = arith.constant 0 : i32
      %dma_wait3A_218 = arith.constant 0 : i32
      %dma_wait3A_219 = tpu.memref_slice %arg11[%dma_wait3A_217, %dma_wait3A_218] : memref<10000x32xf32, #tpu.memory_space<vmem_shared>> -> memref<10000x32xf32, #tpu.memory_space<vmem_shared>>
      tpu.wait_indirect_dma semaphore(%arg15 : memref<!tpu.dma_semaphore, #tpu.memory_space<semaphore_mem>>) src(%dma_wait3A_219 : memref<10000x32xf32, #tpu.memory_space<vmem_shared>>) dst(%arg9 : memref<128x32xf32, #tpu.memory_space<vmem>>)
      "tpu.region"() ({
        %run_scoped3A = tpu.sem_alloc : memref<!tpu.dma_semaphore, #tpu.memory_space<semaphore_mem>>
        %dma_start3A_231 = arith.constant 0 : i32
        %dma_start3A_232 = tpu.memref_slice %arg7[%add3A_198, %dma_start3A_231] : memref<160x128xi32, #tpu.memory_space<vmem>> -> memref<1x128xi32, #tpu.memory_space<vmem>>
        %dma_start3A_233 = tpu.memref_squeeze %dma_start3A_232 : memref<1x128xi32, #tpu.memory_space<vmem>> -> memref<128xi32, #tpu.memory_space<vmem>>
        %dma_start3A_234 = arith.constant 0 : i32
        %dma_start3A_235 = arith.constant 0 : i32
        %dma_start3A_236 = tpu.memref_slice %arg12[%dma_start3A_234, %dma_start3A_235] : memref<10112x32xf32, #tpu.memory_space<vmem_shared>> -> memref<10112x32xf32, #tpu.memory_space<vmem_shared>>
        tpu.enqueue_indirect_dma source(%arg9 : memref<128x32xf32, #tpu.memory_space<vmem>>) target(%dma_start3A_236 : memref<10112x32xf32, #tpu.memory_space<vmem_shared>>) offsets(%dma_start3A_233 : memref<128xi32, #tpu.memory_space<vmem>>) semaphore(%run_scoped3A : memref<!tpu.dma_semaphore, #tpu.memory_space<semaphore_mem>>) {add = true}
        %dma_wait3A_237 = arith.constant 0 : i32
        %dma_wait3A_238 = tpu.memref_slice %arg7[%add3A_198, %dma_wait3A_237] : memref<160x128xi32, #tpu.memory_space<vmem>> -> memref<1x128xi32, #tpu.memory_space<vmem>>
        %dma_wait3A_239 = tpu.memref_squeeze %dma_wait3A_238 : memref<1x128xi32, #tpu.memory_space<vmem>> -> memref<128xi32, #tpu.memory_space<vmem>>
        %dma_wait3A_240 = arith.constant 0 : i32
        %dma_wait3A_241 = arith.constant 0 : i32
        %dma_wait3A_242 = tpu.memref_slice %arg12[%dma_wait3A_240, %dma_wait3A_241] : memref<10112x32xf32, #tpu.memory_space<vmem_shared>> -> memref<10112x32xf32, #tpu.memory_space<vmem_shared>>
        tpu.wait_indirect_dma semaphore(%run_scoped3A : memref<!tpu.dma_semaphore, #tpu.memory_space<semaphore_mem>>) src(%arg9 : memref<128x32xf32, #tpu.memory_space<vmem>>) dst(%dma_wait3A_242 : memref<10112x32xf32, #tpu.memory_space<vmem_shared>>)
        tpu.yield
      }) : () -> ()
      %add3A_220 = arith.constant 2 : i32
      %add3A_221 = arith.addi %add3A_198, %add3A_220 : i32
      %min3A_222 = arith.constant 159 : i32
      %min3A_223 = arith.minsi %add3A_221, %min3A_222 : i32
      %dma_start3A_224 = arith.constant 0 : i32
      %dma_start3A_225 = tpu.memref_slice %arg6[%min3A_223, %dma_start3A_224] : memref<160x128xi32, #tpu.memory_space<vmem>> -> memref<1x128xi32, #tpu.memory_space<vmem>>
      %dma_start3A_226 = tpu.memref_squeeze %dma_start3A_225 : memref<1x128xi32, #tpu.memory_space<vmem>> -> memref<128xi32, #tpu.memory_space<vmem>>
      %dma_start3A_227 = arith.constant 0 : i32
      %dma_start3A_228 = arith.constant 0 : i32
      %dma_start3A_229 = tpu.memref_slice %arg11[%dma_start3A_227, %dma_start3A_228] : memref<10000x32xf32, #tpu.memory_space<vmem_shared>> -> memref<10000x32xf32, #tpu.memory_space<vmem_shared>>
      tpu.enqueue_indirect_dma source(%dma_start3A_229 : memref<10000x32xf32, #tpu.memory_space<vmem_shared>>) target(%arg9 : memref<128x32xf32, #tpu.memory_space<vmem>>) offsets(%dma_start3A_226 : memref<128xi32, #tpu.memory_space<vmem>>) semaphore(%arg15 : memref<!tpu.dma_semaphore, #tpu.memory_space<semaphore_mem>>)
      %scan3A_230 = arith.constant 0 : i32
      scf.yield %scan3A_230 : i32
    }
    %scan3A_85 = arith.constant 80 : i32
    %dma_wait3A_86 = arith.constant 158 : i32
    %dma_wait3A_87 = arith.constant 0 : i32
    %dma_wait3A_88 = tpu.memref_slice %arg6[%dma_wait3A_86, %dma_wait3A_87] : memref<160x128xi32, #tpu.memory_space<vmem>> -> memref<1x128xi32, #tpu.memory_space<vmem>>
    %dma_wait3A_89 = tpu.memref_squeeze %dma_wait3A_88 : memref<1x128xi32, #tpu.memory_space<vmem>> -> memref<128xi32, #tpu.memory_space<vmem>>
    %dma_wait3A_90 = arith.constant 0 : i32
    %dma_wait3A_91 = arith.constant 0 : i32
    %dma_wait3A_92 = tpu.memref_slice %arg11[%dma_wait3A_90, %dma_wait3A_91] : memref<10000x32xf32, #tpu.memory_space<vmem_shared>> -> memref<10000x32xf32, #tpu.memory_space<vmem_shared>>
    tpu.wait_indirect_dma semaphore(%arg14 : memref<!tpu.dma_semaphore, #tpu.memory_space<semaphore_mem>>) src(%dma_wait3A_92 : memref<10000x32xf32, #tpu.memory_space<vmem_shared>>) dst(%arg8 : memref<128x32xf32, #tpu.memory_space<vmem>>)
    %dma_wait3A_93 = arith.constant 159 : i32
    %dma_wait3A_94 = arith.constant 0 : i32
    %dma_wait3A_95 = tpu.memref_slice %arg6[%dma_wait3A_93, %dma_wait3A_94] : memref<160x128xi32, #tpu.memory_space<vmem>> -> memref<1x128xi32, #tpu.memory_space<vmem>>
    %dma_wait3A_96 = tpu.memref_squeeze %dma_wait3A_95 : memref<1x128xi32, #tpu.memory_space<vmem>> -> memref<128xi32, #tpu.memory_space<vmem>>
    %dma_wait3A_97 = arith.constant 0 : i32
    %dma_wait3A_98 = arith.constant 0 : i32
    %dma_wait3A_99 = tpu.memref_slice %arg11[%dma_wait3A_97, %dma_wait3A_98] : memref<10000x32xf32, #tpu.memory_space<vmem_shared>> -> memref<10000x32xf32, #tpu.memory_space<vmem_shared>>
    tpu.wait_indirect_dma semaphore(%arg15 : memref<!tpu.dma_semaphore, #tpu.memory_space<semaphore_mem>>) src(%dma_wait3A_99 : memref<10000x32xf32, #tpu.memory_space<vmem_shared>>) dst(%arg9 : memref<128x32xf32, #tpu.memory_space<vmem>>)
    %barrier3A_100 = arith.constant 0 : index
    tpu.barrier barrier_id(%barrier3A_100)
    %mul3A_101 = arith.constant 632 : i32
    %mul3A_102 = arith.muli %arg1, %mul3A_101 : i32
    %mul3A_103 = arith.constant 632 : i32
    %mul3A_104 = arith.muli %arg1, %mul3A_103 : i32
    %dma_start3A_105 = tpu.memref_slice %arg5[%mul3A_104, %mul3A_60] : memref<10112x128xf32, #tpu.memory_space<hbm>> -> memref<632x32xf32, #tpu.memory_space<hbm>>
    %dma_start3A_106 = arith.constant 0 : i32
    %dma_start3A_107 = tpu.memref_slice %arg12[%mul3A_102, %dma_start3A_106] : memref<10112x32xf32, #tpu.memory_space<vmem_shared>> -> memref<632x32xf32, #tpu.memory_space<vmem_shared>>
    tpu.enqueue_dma source(%dma_start3A_107 : memref<632x32xf32, #tpu.memory_space<vmem_shared>>) target(%dma_start3A_105 : memref<632x32xf32, #tpu.memory_space<hbm>>) target_semaphore(%arg16 : memref<!tpu.dma_semaphore, #tpu.memory_space<semaphore_mem>>)
    %mul3A_108 = arith.constant 632 : i32
    %mul3A_109 = arith.muli %arg1, %mul3A_108 : i32
    %add3A_110 = arith.constant 0 : i32
    %add3A_111 = arith.addi %mul3A_109, %add3A_110 : i32
    "tpu.region"() ({
      %run_scoped3A = tpu.sem_alloc : memref<!tpu.dma_semaphore, #tpu.memory_space<semaphore_mem>>
      %dma_start3A_193 = arith.constant 0 : i32
      %dma_start3A_194 = tpu.memref_slice %arg13[%add3A_111, %dma_start3A_193] : memref<10112x32xf32, #tpu.memory_space<vmem_shared>> -> memref<128x32xf32, #tpu.memory_space<vmem_shared>>
      %dma_start3A_195 = arith.constant 0 : i32
      %dma_start3A_196 = tpu.memref_slice %arg13[%add3A_111, %dma_start3A_195] : memref<10112x32xf32, #tpu.memory_space<vmem_shared>> -> memref<128x32xf32, #tpu.memory_space<vmem_shared>>
      tpu.enqueue_dma source(%arg10 : memref<128x32xf32, #tpu.memory_space<vmem>>) target(%dma_start3A_196 : memref<128x32xf32, #tpu.memory_space<vmem_shared>>) target_semaphore(%run_scoped3A : memref<!tpu.dma_semaphore, #tpu.memory_space<semaphore_mem>>)
      %dma_wait3A_197 = arith.constant 0 : i32
      %dma_wait3A_198 = tpu.memref_slice %arg13[%add3A_111, %dma_wait3A_197] : memref<10112x32xf32, #tpu.memory_space<vmem_shared>> -> memref<128x32xf32, #tpu.memory_space<vmem_shared>>
      %dma_wait3A_199 = arith.constant 0 : i32
      %dma_wait3A_200 = tpu.memref_slice %arg13[%add3A_111, %dma_wait3A_199] : memref<10112x32xf32, #tpu.memory_space<vmem_shared>> -> memref<128x32xf32, #tpu.memory_space<vmem_shared>>
      tpu.wait_dma2 semaphore(%run_scoped3A : memref<!tpu.dma_semaphore, #tpu.memory_space<semaphore_mem>>) src(%arg10 : memref<128x32xf32, #tpu.memory_space<vmem>>) dst(%dma_wait3A_200 : memref<128x32xf32, #tpu.memory_space<vmem_shared>>)
      tpu.yield
    }) : () -> ()
    %mul3A_112 = arith.constant 632 : i32
    %mul3A_113 = arith.muli %arg1, %mul3A_112 : i32
    %add3A_114 = arith.constant 128 : i32
    %add3A_115 = arith.addi %mul3A_113, %add3A_114 : i32
    "tpu.region"() ({
      %run_scoped3A = tpu.sem_alloc : memref<!tpu.dma_semaphore, #tpu.memory_space<semaphore_mem>>
      %dma_start3A_193 = arith.constant 0 : i32
      %dma_start3A_194 = tpu.memref_slice %arg13[%add3A_115, %dma_start3A_193] : memref<10112x32xf32, #tpu.memory_space<vmem_shared>> -> memref<128x32xf32, #tpu.memory_space<vmem_shared>>
      %dma_start3A_195 = arith.constant 0 : i32
      %dma_start3A_196 = tpu.memref_slice %arg13[%add3A_115, %dma_start3A_195] : memref<10112x32xf32, #tpu.memory_space<vmem_shared>> -> memref<128x32xf32, #tpu.memory_space<vmem_shared>>
      tpu.enqueue_dma source(%arg10 : memref<128x32xf32, #tpu.memory_space<vmem>>) target(%dma_start3A_196 : memref<128x32xf32, #tpu.memory_space<vmem_shared>>) target_semaphore(%run_scoped3A : memref<!tpu.dma_semaphore, #tpu.memory_space<semaphore_mem>>)
      %dma_wait3A_197 = arith.constant 0 : i32
      %dma_wait3A_198 = tpu.memref_slice %arg13[%add3A_115, %dma_wait3A_197] : memref<10112x32xf32, #tpu.memory_space<vmem_shared>> -> memref<128x32xf32, #tpu.memory_space<vmem_shared>>
      %dma_wait3A_199 = arith.constant 0 : i32
      %dma_wait3A_200 = tpu.memref_slice %arg13[%add3A_115, %dma_wait3A_199] : memref<10112x32xf32, #tpu.memory_space<vmem_shared>> -> memref<128x32xf32, #tpu.memory_space<vmem_shared>>
      tpu.wait_dma2 semaphore(%run_scoped3A : memref<!tpu.dma_semaphore, #tpu.memory_space<semaphore_mem>>) src(%arg10 : memref<128x32xf32, #tpu.memory_space<vmem>>) dst(%dma_wait3A_200 : memref<128x32xf32, #tpu.memory_space<vmem_shared>>)
      tpu.yield
    }) : () -> ()
    %mul3A_116 = arith.constant 632 : i32
    %mul3A_117 = arith.muli %arg1, %mul3A_116 : i32
    %add3A_118 = arith.constant 256 : i32
    %add3A_119 = arith.addi %mul3A_117, %add3A_118 : i32
    "tpu.region"() ({
      %run_scoped3A = tpu.sem_alloc : memref<!tpu.dma_semaphore, #tpu.memory_space<semaphore_mem>>
      %dma_start3A_193 = arith.constant 0 : i32
      %dma_start3A_194 = tpu.memref_slice %arg13[%add3A_119, %dma_start3A_193] : memref<10112x32xf32, #tpu.memory_space<vmem_shared>> -> memref<128x32xf32, #tpu.memory_space<vmem_shared>>
      %dma_start3A_195 = arith.constant 0 : i32
      %dma_start3A_196 = tpu.memref_slice %arg13[%add3A_119, %dma_start3A_195] : memref<10112x32xf32, #tpu.memory_space<vmem_shared>> -> memref<128x32xf32, #tpu.memory_space<vmem_shared>>
      tpu.enqueue_dma source(%arg10 : memref<128x32xf32, #tpu.memory_space<vmem>>) target(%dma_start3A_196 : memref<128x32xf32, #tpu.memory_space<vmem_shared>>) target_semaphore(%run_scoped3A : memref<!tpu.dma_semaphore, #tpu.memory_space<semaphore_mem>>)
      %dma_wait3A_197 = arith.constant 0 : i32
      %dma_wait3A_198 = tpu.memref_slice %arg13[%add3A_119, %dma_wait3A_197] : memref<10112x32xf32, #tpu.memory_space<vmem_shared>> -> memref<128x32xf32, #tpu.memory_space<vmem_shared>>
      %dma_wait3A_199 = arith.constant 0 : i32
      %dma_wait3A_200 = tpu.memref_slice %arg13[%add3A_119, %dma_wait3A_199] : memref<10112x32xf32, #tpu.memory_space<vmem_shared>> -> memref<128x32xf32, #tpu.memory_space<vmem_shared>>
      tpu.wait_dma2 semaphore(%run_scoped3A : memref<!tpu.dma_semaphore, #tpu.memory_space<semaphore_mem>>) src(%arg10 : memref<128x32xf32, #tpu.memory_space<vmem>>) dst(%dma_wait3A_200 : memref<128x32xf32, #tpu.memory_space<vmem_shared>>)
      tpu.yield
    }) : () -> ()
    %mul3A_120 = arith.constant 632 : i32
    %mul3A_121 = arith.muli %arg1, %mul3A_120 : i32
    %add3A_122 = arith.constant 384 : i32
    %add3A_123 = arith.addi %mul3A_121, %add3A_122 : i32
    "tpu.region"() ({
      %run_scoped3A = tpu.sem_alloc : memref<!tpu.dma_semaphore, #tpu.memory_space<semaphore_mem>>
      %dma_start3A_193 = arith.constant 0 : i32
      %dma_start3A_194 = tpu.memref_slice %arg13[%add3A_123, %dma_start3A_193] : memref<10112x32xf32, #tpu.memory_space<vmem_shared>> -> memref<128x32xf32, #tpu.memory_space<vmem_shared>>
      %dma_start3A_195 = arith.constant 0 : i32
      %dma_start3A_196 = tpu.memref_slice %arg13[%add3A_123, %dma_start3A_195] : memref<10112x32xf32, #tpu.memory_space<vmem_shared>> -> memref<128x32xf32, #tpu.memory_space<vmem_shared>>
      tpu.enqueue_dma source(%arg10 : memref<128x32xf32, #tpu.memory_space<vmem>>) target(%dma_start3A_196 : memref<128x32xf32, #tpu.memory_space<vmem_shared>>) target_semaphore(%run_scoped3A : memref<!tpu.dma_semaphore, #tpu.memory_space<semaphore_mem>>)
      %dma_wait3A_197 = arith.constant 0 : i32
      %dma_wait3A_198 = tpu.memref_slice %arg13[%add3A_123, %dma_wait3A_197] : memref<10112x32xf32, #tpu.memory_space<vmem_shared>> -> memref<128x32xf32, #tpu.memory_space<vmem_shared>>
      %dma_wait3A_199 = arith.constant 0 : i32
      %dma_wait3A_200 = tpu.memref_slice %arg13[%add3A_123, %dma_wait3A_199] : memref<10112x32xf32, #tpu.memory_space<vmem_shared>> -> memref<128x32xf32, #tpu.memory_space<vmem_shared>>
      tpu.wait_dma2 semaphore(%run_scoped3A : memref<!tpu.dma_semaphore, #tpu.memory_space<semaphore_mem>>) src(%arg10 : memref<128x32xf32, #tpu.memory_space<vmem>>) dst(%dma_wait3A_200 : memref<128x32xf32, #tpu.memory_space<vmem_shared>>)
      tpu.yield
    }) : () -> ()
    %mul3A_124 = arith.constant 632 : i32
    %mul3A_125 = arith.muli %arg1, %mul3A_124 : i32
    %add3A_126 = arith.constant 512 : i32
    %add3A_127 = arith.addi %mul3A_125, %add3A_126 : i32
    "tpu.region"() ({
      %run_scoped3A = tpu.sem_alloc : memref<!tpu.dma_semaphore, #tpu.memory_space<semaphore_mem>>
      %dma_start3A_193 = arith.constant 0 : i32
      %dma_start3A_194 = arith.constant 0 : i32
      %dma_start3A_195 = tpu.memref_slice %arg10[%dma_start3A_193, %dma_start3A_194] : memref<128x32xf32, #tpu.memory_space<vmem>> -> memref<120x32xf32, #tpu.memory_space<vmem>>
      %dma_start3A_196 = arith.constant 0 : i32
      %dma_start3A_197 = tpu.memref_slice %arg13[%add3A_127, %dma_start3A_196] : memref<10112x32xf32, #tpu.memory_space<vmem_shared>> -> memref<120x32xf32, #tpu.memory_space<vmem_shared>>
      %dma_start3A_198 = arith.constant 0 : i32
      %dma_start3A_199 = tpu.memref_slice %arg13[%add3A_127, %dma_start3A_198] : memref<10112x32xf32, #tpu.memory_space<vmem_shared>> -> memref<120x32xf32, #tpu.memory_space<vmem_shared>>
      %dma_start3A_200 = arith.constant 0 : i32
      %dma_start3A_201 = arith.constant 0 : i32
      %dma_start3A_202 = tpu.memref_slice %arg10[%dma_start3A_200, %dma_start3A_201] : memref<128x32xf32, #tpu.memory_space<vmem>> -> memref<120x32xf32, #tpu.memory_space<vmem>>
      tpu.enqueue_dma source(%dma_start3A_202 : memref<120x32xf32, #tpu.memory_space<vmem>>) target(%dma_start3A_199 : memref<120x32xf32, #tpu.memory_space<vmem_shared>>) target_semaphore(%run_scoped3A : memref<!tpu.dma_semaphore, #tpu.memory_space<semaphore_mem>>)
      %dma_wait3A_203 = arith.constant 0 : i32
      %dma_wait3A_204 = arith.constant 0 : i32
      %dma_wait3A_205 = tpu.memref_slice %arg10[%dma_wait3A_203, %dma_wait3A_204] : memref<128x32xf32, #tpu.memory_space<vmem>> -> memref<120x32xf32, #tpu.memory_space<vmem>>
      %dma_wait3A_206 = arith.constant 0 : i32
      %dma_wait3A_207 = tpu.memref_slice %arg13[%add3A_127, %dma_wait3A_206] : memref<10112x32xf32, #tpu.memory_space<vmem_shared>> -> memref<120x32xf32, #tpu.memory_space<vmem_shared>>
      %dma_wait3A_208 = arith.constant 0 : i32
      %dma_wait3A_209 = tpu.memref_slice %arg13[%add3A_127, %dma_wait3A_208] : memref<10112x32xf32, #tpu.memory_space<vmem_shared>> -> memref<120x32xf32, #tpu.memory_space<vmem_shared>>
      %dma_wait3A_210 = arith.constant 0 : i32
      %dma_wait3A_211 = arith.constant 0 : i32
      %dma_wait3A_212 = tpu.memref_slice %arg10[%dma_wait3A_210, %dma_wait3A_211] : memref<128x32xf32, #tpu.memory_space<vmem>> -> memref<120x32xf32, #tpu.memory_space<vmem>>
      tpu.wait_dma2 semaphore(%run_scoped3A : memref<!tpu.dma_semaphore, #tpu.memory_space<semaphore_mem>>) src(%dma_wait3A_212 : memref<120x32xf32, #tpu.memory_space<vmem>>) dst(%dma_wait3A_209 : memref<120x32xf32, #tpu.memory_space<vmem_shared>>)
      tpu.yield
    }) : () -> ()
    %mul3A_128 = arith.constant 2 : i32
    %mul3A_129 = arith.muli %mul3A_128, %arg0 : i32
    %add3A_130 = arith.constant 1 : i32
    %add3A_131 = arith.addi %mul3A_129, %add3A_130 : i32
    %mul3A_132 = arith.constant 32 : i32
    %mul3A_133 = arith.muli %add3A_131, %mul3A_132 : i32
    %mul3A_134 = arith.constant 625 : i32
    %mul3A_135 = arith.muli %arg1, %mul3A_134 : i32
    %mul3A_136 = arith.constant 625 : i32
    %mul3A_137 = arith.muli %arg1, %mul3A_136 : i32
    "tpu.region"() ({
      %run_scoped3A = tpu.sem_alloc : memref<!tpu.dma_semaphore, #tpu.memory_space<semaphore_mem>>
      %dma_start3A_193 = arith.constant 0 : i32
      %dma_start3A_194 = tpu.memref_slice %arg11[%mul3A_137, %dma_start3A_193] : memref<10000x32xf32, #tpu.memory_space<vmem_shared>> -> memref<625x32xf32, #tpu.memory_space<vmem_shared>>
      %dma_start3A_195 = tpu.memref_slice %arg2[%mul3A_135, %mul3A_133] : memref<10000x128xf32, #tpu.memory_space<hbm>> -> memref<625x32xf32, #tpu.memory_space<hbm>>
      tpu.enqueue_dma source(%dma_start3A_195 : memref<625x32xf32, #tpu.memory_space<hbm>>) target(%dma_start3A_194 : memref<625x32xf32, #tpu.memory_space<vmem_shared>>) target_semaphore(%run_scoped3A : memref<!tpu.dma_semaphore, #tpu.memory_space<semaphore_mem>>)
      %dma_wait3A_196 = arith.constant 0 : i32
      %dma_wait3A_197 = tpu.memref_slice %arg11[%mul3A_137, %dma_wait3A_196] : memref<10000x32xf32, #tpu.memory_space<vmem_shared>> -> memref<625x32xf32, #tpu.memory_space<vmem_shared>>
      %dma_wait3A_198 = tpu.memref_slice %arg2[%mul3A_135, %mul3A_133] : memref<10000x128xf32, #tpu.memory_space<hbm>> -> memref<625x32xf32, #tpu.memory_space<hbm>>
      tpu.wait_dma2 semaphore(%run_scoped3A : memref<!tpu.dma_semaphore, #tpu.memory_space<semaphore_mem>>) src(%dma_wait3A_198 : memref<625x32xf32, #tpu.memory_space<hbm>>) dst(%dma_wait3A_197 : memref<625x32xf32, #tpu.memory_space<vmem_shared>>)
      tpu.yield
    }) : () -> ()
    %barrier3A_138 = arith.constant 0 : index
    tpu.barrier barrier_id(%barrier3A_138)
    %dma_start3A_139 = arith.constant 0 : i32
    %dma_start3A_140 = arith.constant 0 : i32
    %dma_start3A_141 = tpu.memref_slice %arg6[%dma_start3A_139, %dma_start3A_140] : memref<160x128xi32, #tpu.memory_space<vmem>> -> memref<1x128xi32, #tpu.memory_space<vmem>>
    %dma_start3A_142 = tpu.memref_squeeze %dma_start3A_141 : memref<1x128xi32, #tpu.memory_space<vmem>> -> memref<128xi32, #tpu.memory_space<vmem>>
    %dma_start3A_143 = arith.constant 0 : i32
    %dma_start3A_144 = arith.constant 0 : i32
    %dma_start3A_145 = tpu.memref_slice %arg11[%dma_start3A_143, %dma_start3A_144] : memref<10000x32xf32, #tpu.memory_space<vmem_shared>> -> memref<10000x32xf32, #tpu.memory_space<vmem_shared>>
    tpu.enqueue_indirect_dma source(%dma_start3A_145 : memref<10000x32xf32, #tpu.memory_space<vmem_shared>>) target(%arg8 : memref<128x32xf32, #tpu.memory_space<vmem>>) offsets(%dma_start3A_142 : memref<128xi32, #tpu.memory_space<vmem>>) semaphore(%arg14 : memref<!tpu.dma_semaphore, #tpu.memory_space<semaphore_mem>>)
    %dma_start3A_146 = arith.constant 1 : i32
    %dma_start3A_147 = arith.constant 0 : i32
    %dma_start3A_148 = tpu.memref_slice %arg6[%dma_start3A_146, %dma_start3A_147] : memref<160x128xi32, #tpu.memory_space<vmem>> -> memref<1x128xi32, #tpu.memory_space<vmem>>
    %dma_start3A_149 = tpu.memref_squeeze %dma_start3A_148 : memref<1x128xi32, #tpu.memory_space<vmem>> -> memref<128xi32, #tpu.memory_space<vmem>>
    %dma_start3A_150 = arith.constant 0 : i32
    %dma_start3A_151 = arith.constant 0 : i32
    %dma_start3A_152 = tpu.memref_slice %arg11[%dma_start3A_150, %dma_start3A_151] : memref<10000x32xf32, #tpu.memory_space<vmem_shared>> -> memref<10000x32xf32, #tpu.memory_space<vmem_shared>>
    tpu.enqueue_indirect_dma source(%dma_start3A_152 : memref<10000x32xf32, #tpu.memory_space<vmem_shared>>) target(%arg9 : memref<128x32xf32, #tpu.memory_space<vmem>>) offsets(%dma_start3A_149 : memref<128xi32, #tpu.memory_space<vmem>>) semaphore(%arg15 : memref<!tpu.dma_semaphore, #tpu.memory_space<semaphore_mem>>)
    %scan3A_153 = arith.constant 0 : i32
    %scan3A_154 = arith.constant 0 : i32
    %scan3A_155 = arith.constant 80 : i32
    %scan3A_156 = arith.addi %scan3A_154, %scan3A_155 : i32
    %scan3A_157 = arith.constant 1 : i32
    %scan3A_158 = scf.for %scan3A_193 = %scan3A_154 to %scan3A_156 step %scan3A_157 iter_args(%scan3A_194 = %scan3A_153) -> (i32)  : i32 {
      %mul3A_195 = arith.constant 2 : i32
      %mul3A_196 = arith.muli %mul3A_195, %scan3A_193 : i32
      %add3A_197 = arith.constant 1 : i32
      %add3A_198 = arith.addi %mul3A_196, %add3A_197 : i32
      %dma_wait3A_199 = arith.constant 0 : i32
      %dma_wait3A_200 = tpu.memref_slice %arg6[%mul3A_196, %dma_wait3A_199] : memref<160x128xi32, #tpu.memory_space<vmem>> -> memref<1x128xi32, #tpu.memory_space<vmem>>
      %dma_wait3A_201 = tpu.memref_squeeze %dma_wait3A_200 : memref<1x128xi32, #tpu.memory_space<vmem>> -> memref<128xi32, #tpu.memory_space<vmem>>
      %dma_wait3A_202 = arith.constant 0 : i32
      %dma_wait3A_203 = arith.constant 0 : i32
      %dma_wait3A_204 = tpu.memref_slice %arg11[%dma_wait3A_202, %dma_wait3A_203] : memref<10000x32xf32, #tpu.memory_space<vmem_shared>> -> memref<10000x32xf32, #tpu.memory_space<vmem_shared>>
      tpu.wait_indirect_dma semaphore(%arg14 : memref<!tpu.dma_semaphore, #tpu.memory_space<semaphore_mem>>) src(%dma_wait3A_204 : memref<10000x32xf32, #tpu.memory_space<vmem_shared>>) dst(%arg8 : memref<128x32xf32, #tpu.memory_space<vmem>>)
      "tpu.region"() ({
        %run_scoped3A = tpu.sem_alloc : memref<!tpu.dma_semaphore, #tpu.memory_space<semaphore_mem>>
        %dma_start3A_231 = arith.constant 0 : i32
        %dma_start3A_232 = tpu.memref_slice %arg7[%mul3A_196, %dma_start3A_231] : memref<160x128xi32, #tpu.memory_space<vmem>> -> memref<1x128xi32, #tpu.memory_space<vmem>>
        %dma_start3A_233 = tpu.memref_squeeze %dma_start3A_232 : memref<1x128xi32, #tpu.memory_space<vmem>> -> memref<128xi32, #tpu.memory_space<vmem>>
        %dma_start3A_234 = arith.constant 0 : i32
        %dma_start3A_235 = arith.constant 0 : i32
        %dma_start3A_236 = tpu.memref_slice %arg13[%dma_start3A_234, %dma_start3A_235] : memref<10112x32xf32, #tpu.memory_space<vmem_shared>> -> memref<10112x32xf32, #tpu.memory_space<vmem_shared>>
        tpu.enqueue_indirect_dma source(%arg8 : memref<128x32xf32, #tpu.memory_space<vmem>>) target(%dma_start3A_236 : memref<10112x32xf32, #tpu.memory_space<vmem_shared>>) offsets(%dma_start3A_233 : memref<128xi32, #tpu.memory_space<vmem>>) semaphore(%run_scoped3A : memref<!tpu.dma_semaphore, #tpu.memory_space<semaphore_mem>>) {add = true}
        %dma_wait3A_237 = arith.constant 0 : i32
        %dma_wait3A_238 = tpu.memref_slice %arg7[%mul3A_196, %dma_wait3A_237] : memref<160x128xi32, #tpu.memory_space<vmem>> -> memref<1x128xi32, #tpu.memory_space<vmem>>
        %dma_wait3A_239 = tpu.memref_squeeze %dma_wait3A_238 : memref<1x128xi32, #tpu.memory_space<vmem>> -> memref<128xi32, #tpu.memory_space<vmem>>
        %dma_wait3A_240 = arith.constant 0 : i32
        %dma_wait3A_241 = arith.constant 0 : i32
        %dma_wait3A_242 = tpu.memref_slice %arg13[%dma_wait3A_240, %dma_wait3A_241] : memref<10112x32xf32, #tpu.memory_space<vmem_shared>> -> memref<10112x32xf32, #tpu.memory_space<vmem_shared>>
        tpu.wait_indirect_dma semaphore(%run_scoped3A : memref<!tpu.dma_semaphore, #tpu.memory_space<semaphore_mem>>) src(%arg8 : memref<128x32xf32, #tpu.memory_space<vmem>>) dst(%dma_wait3A_242 : memref<10112x32xf32, #tpu.memory_space<vmem_shared>>)
        tpu.yield
      }) : () -> ()
      %add3A_205 = arith.constant 2 : i32
      %add3A_206 = arith.addi %mul3A_196, %add3A_205 : i32
      %min3A = arith.constant 158 : i32
      %min3A_207 = arith.minsi %add3A_206, %min3A : i32
      %dma_start3A_208 = arith.constant 0 : i32
      %dma_start3A_209 = tpu.memref_slice %arg6[%min3A_207, %dma_start3A_208] : memref<160x128xi32, #tpu.memory_space<vmem>> -> memref<1x128xi32, #tpu.memory_space<vmem>>
      %dma_start3A_210 = tpu.memref_squeeze %dma_start3A_209 : memref<1x128xi32, #tpu.memory_space<vmem>> -> memref<128xi32, #tpu.memory_space<vmem>>
      %dma_start3A_211 = arith.constant 0 : i32
      %dma_start3A_212 = arith.constant 0 : i32
      %dma_start3A_213 = tpu.memref_slice %arg11[%dma_start3A_211, %dma_start3A_212] : memref<10000x32xf32, #tpu.memory_space<vmem_shared>> -> memref<10000x32xf32, #tpu.memory_space<vmem_shared>>
      tpu.enqueue_indirect_dma source(%dma_start3A_213 : memref<10000x32xf32, #tpu.memory_space<vmem_shared>>) target(%arg8 : memref<128x32xf32, #tpu.memory_space<vmem>>) offsets(%dma_start3A_210 : memref<128xi32, #tpu.memory_space<vmem>>) semaphore(%arg14 : memref<!tpu.dma_semaphore, #tpu.memory_space<semaphore_mem>>)
      %dma_wait3A_214 = arith.constant 0 : i32
      %dma_wait3A_215 = tpu.memref_slice %arg6[%add3A_198, %dma_wait3A_214] : memref<160x128xi32, #tpu.memory_space<vmem>> -> memref<1x128xi32, #tpu.memory_space<vmem>>
      %dma_wait3A_216 = tpu.memref_squeeze %dma_wait3A_215 : memref<1x128xi32, #tpu.memory_space<vmem>> -> memref<128xi32, #tpu.memory_space<vmem>>
      %dma_wait3A_217 = arith.constant 0 : i32
      %dma_wait3A_218 = arith.constant 0 : i32
      %dma_wait3A_219 = tpu.memref_slice %arg11[%dma_wait3A_217, %dma_wait3A_218] : memref<10000x32xf32, #tpu.memory_space<vmem_shared>> -> memref<10000x32xf32, #tpu.memory_space<vmem_shared>>
      tpu.wait_indirect_dma semaphore(%arg15 : memref<!tpu.dma_semaphore, #tpu.memory_space<semaphore_mem>>) src(%dma_wait3A_219 : memref<10000x32xf32, #tpu.memory_space<vmem_shared>>) dst(%arg9 : memref<128x32xf32, #tpu.memory_space<vmem>>)
      "tpu.region"() ({
        %run_scoped3A = tpu.sem_alloc : memref<!tpu.dma_semaphore, #tpu.memory_space<semaphore_mem>>
        %dma_start3A_231 = arith.constant 0 : i32
        %dma_start3A_232 = tpu.memref_slice %arg7[%add3A_198, %dma_start3A_231] : memref<160x128xi32, #tpu.memory_space<vmem>> -> memref<1x128xi32, #tpu.memory_space<vmem>>
        %dma_start3A_233 = tpu.memref_squeeze %dma_start3A_232 : memref<1x128xi32, #tpu.memory_space<vmem>> -> memref<128xi32, #tpu.memory_space<vmem>>
        %dma_start3A_234 = arith.constant 0 : i32
        %dma_start3A_235 = arith.constant 0 : i32
        %dma_start3A_236 = tpu.memref_slice %arg13[%dma_start3A_234, %dma_start3A_235] : memref<10112x32xf32, #tpu.memory_space<vmem_shared>> -> memref<10112x32xf32, #tpu.memory_space<vmem_shared>>
        tpu.enqueue_indirect_dma source(%arg9 : memref<128x32xf32, #tpu.memory_space<vmem>>) target(%dma_start3A_236 : memref<10112x32xf32, #tpu.memory_space<vmem_shared>>) offsets(%dma_start3A_233 : memref<128xi32, #tpu.memory_space<vmem>>) semaphore(%run_scoped3A : memref<!tpu.dma_semaphore, #tpu.memory_space<semaphore_mem>>) {add = true}
        %dma_wait3A_237 = arith.constant 0 : i32
        %dma_wait3A_238 = tpu.memref_slice %arg7[%add3A_198, %dma_wait3A_237] : memref<160x128xi32, #tpu.memory_space<vmem>> -> memref<1x128xi32, #tpu.memory_space<vmem>>
        %dma_wait3A_239 = tpu.memref_squeeze %dma_wait3A_238 : memref<1x128xi32, #tpu.memory_space<vmem>> -> memref<128xi32, #tpu.memory_space<vmem>>
        %dma_wait3A_240 = arith.constant 0 : i32
        %dma_wait3A_241 = arith.constant 0 : i32
        %dma_wait3A_242 = tpu.memref_slice %arg13[%dma_wait3A_240, %dma_wait3A_241] : memref<10112x32xf32, #tpu.memory_space<vmem_shared>> -> memref<10112x32xf32, #tpu.memory_space<vmem_shared>>
        tpu.wait_indirect_dma semaphore(%run_scoped3A : memref<!tpu.dma_semaphore, #tpu.memory_space<semaphore_mem>>) src(%arg9 : memref<128x32xf32, #tpu.memory_space<vmem>>) dst(%dma_wait3A_242 : memref<10112x32xf32, #tpu.memory_space<vmem_shared>>)
        tpu.yield
      }) : () -> ()
      %add3A_220 = arith.constant 2 : i32
      %add3A_221 = arith.addi %add3A_198, %add3A_220 : i32
      %min3A_222 = arith.constant 159 : i32
      %min3A_223 = arith.minsi %add3A_221, %min3A_222 : i32
      %dma_start3A_224 = arith.constant 0 : i32
      %dma_start3A_225 = tpu.memref_slice %arg6[%min3A_223, %dma_start3A_224] : memref<160x128xi32, #tpu.memory_space<vmem>> -> memref<1x128xi32, #tpu.memory_space<vmem>>
      %dma_start3A_226 = tpu.memref_squeeze %dma_start3A_225 : memref<1x128xi32, #tpu.memory_space<vmem>> -> memref<128xi32, #tpu.memory_space<vmem>>
      %dma_start3A_227 = arith.constant 0 : i32
      %dma_start3A_228 = arith.constant 0 : i32
      %dma_start3A_229 = tpu.memref_slice %arg11[%dma_start3A_227, %dma_start3A_228] : memref<10000x32xf32, #tpu.memory_space<vmem_shared>> -> memref<10000x32xf32, #tpu.memory_space<vmem_shared>>
      tpu.enqueue_indirect_dma source(%dma_start3A_229 : memref<10000x32xf32, #tpu.memory_space<vmem_shared>>) target(%arg9 : memref<128x32xf32, #tpu.memory_space<vmem>>) offsets(%dma_start3A_226 : memref<128xi32, #tpu.memory_space<vmem>>) semaphore(%arg15 : memref<!tpu.dma_semaphore, #tpu.memory_space<semaphore_mem>>)
      %scan3A_230 = arith.constant 0 : i32
      scf.yield %scan3A_230 : i32
    }
    %scan3A_159 = arith.constant 80 : i32
    %dma_wait3A_160 = arith.constant 158 : i32
    %dma_wait3A_161 = arith.constant 0 : i32
    %dma_wait3A_162 = tpu.memref_slice %arg6[%dma_wait3A_160, %dma_wait3A_161] : memref<160x128xi32, #tpu.memory_space<vmem>> -> memref<1x128xi32, #tpu.memory_space<vmem>>
    %dma_wait3A_163 = tpu.memref_squeeze %dma_wait3A_162 : memref<1x128xi32, #tpu.memory_space<vmem>> -> memref<128xi32, #tpu.memory_space<vmem>>
    %dma_wait3A_164 = arith.constant 0 : i32
    %dma_wait3A_165 = arith.constant 0 : i32
    %dma_wait3A_166 = tpu.memref_slice %arg11[%dma_wait3A_164, %dma_wait3A_165] : memref<10000x32xf32, #tpu.memory_space<vmem_shared>> -> memref<10000x32xf32, #tpu.memory_space<vmem_shared>>
    tpu.wait_indirect_dma semaphore(%arg14 : memref<!tpu.dma_semaphore, #tpu.memory_space<semaphore_mem>>) src(%dma_wait3A_166 : memref<10000x32xf32, #tpu.memory_space<vmem_shared>>) dst(%arg8 : memref<128x32xf32, #tpu.memory_space<vmem>>)
    %dma_wait3A_167 = arith.constant 159 : i32
    %dma_wait3A_168 = arith.constant 0 : i32
    %dma_wait3A_169 = tpu.memref_slice %arg6[%dma_wait3A_167, %dma_wait3A_168] : memref<160x128xi32, #tpu.memory_space<vmem>> -> memref<1x128xi32, #tpu.memory_space<vmem>>
    %dma_wait3A_170 = tpu.memref_squeeze %dma_wait3A_169 : memref<1x128xi32, #tpu.memory_space<vmem>> -> memref<128xi32, #tpu.memory_space<vmem>>
    %dma_wait3A_171 = arith.constant 0 : i32
    %dma_wait3A_172 = arith.constant 0 : i32
    %dma_wait3A_173 = tpu.memref_slice %arg11[%dma_wait3A_171, %dma_wait3A_172] : memref<10000x32xf32, #tpu.memory_space<vmem_shared>> -> memref<10000x32xf32, #tpu.memory_space<vmem_shared>>
    tpu.wait_indirect_dma semaphore(%arg15 : memref<!tpu.dma_semaphore, #tpu.memory_space<semaphore_mem>>) src(%dma_wait3A_173 : memref<10000x32xf32, #tpu.memory_space<vmem_shared>>) dst(%arg9 : memref<128x32xf32, #tpu.memory_space<vmem>>)
    %barrier3A_174 = arith.constant 0 : index
    tpu.barrier barrier_id(%barrier3A_174)
    %mul3A_175 = arith.constant 632 : i32
    %mul3A_176 = arith.muli %arg1, %mul3A_175 : i32
    %mul3A_177 = arith.constant 632 : i32
    %mul3A_178 = arith.muli %arg1, %mul3A_177 : i32
    %dma_start3A_179 = tpu.memref_slice %arg5[%mul3A_178, %mul3A_133] : memref<10112x128xf32, #tpu.memory_space<hbm>> -> memref<632x32xf32, #tpu.memory_space<hbm>>
    %dma_start3A_180 = arith.constant 0 : i32
    %dma_start3A_181 = tpu.memref_slice %arg13[%mul3A_176, %dma_start3A_180] : memref<10112x32xf32, #tpu.memory_space<vmem_shared>> -> memref<632x32xf32, #tpu.memory_space<vmem_shared>>
    tpu.enqueue_dma source(%dma_start3A_181 : memref<632x32xf32, #tpu.memory_space<vmem_shared>>) target(%dma_start3A_179 : memref<632x32xf32, #tpu.memory_space<hbm>>) target_semaphore(%arg16 : memref<!tpu.dma_semaphore, #tpu.memory_space<semaphore_mem>>)
    %dma_wait3A_182 = tpu.memref_slice %arg5[%mul3A_178, %mul3A_133] : memref<10112x128xf32, #tpu.memory_space<hbm>> -> memref<632x32xf32, #tpu.memory_space<hbm>>
    %dma_wait3A_183 = arith.constant 0 : i32
    %dma_wait3A_184 = tpu.memref_slice %arg13[%mul3A_176, %dma_wait3A_183] : memref<10112x32xf32, #tpu.memory_space<vmem_shared>> -> memref<632x32xf32, #tpu.memory_space<vmem_shared>>
    tpu.wait_dma2 semaphore(%arg16 : memref<!tpu.dma_semaphore, #tpu.memory_space<semaphore_mem>>) src(%dma_wait3A_184 : memref<632x32xf32, #tpu.memory_space<vmem_shared>>) dst(%dma_wait3A_182 : memref<632x32xf32, #tpu.memory_space<hbm>>)
    %mul3A_185 = arith.constant 632 : i32
    %mul3A_186 = arith.muli %arg1, %mul3A_185 : i32
    %mul3A_187 = arith.constant 632 : i32
    %mul3A_188 = arith.muli %arg1, %mul3A_187 : i32
    %dma_wait3A_189 = arith.constant 0 : i32
    %dma_wait3A_190 = tpu.memref_slice %arg5[%mul3A_188, %dma_wait3A_189] : memref<10112x128xf32, #tpu.memory_space<hbm>> -> memref<632x32xf32, #tpu.memory_space<hbm>>
    %dma_wait3A_191 = arith.constant 0 : i32
    %dma_wait3A_192 = tpu.memref_slice %arg12[%mul3A_186, %dma_wait3A_191] : memref<10112x32xf32, #tpu.memory_space<vmem_shared>> -> memref<632x32xf32, #tpu.memory_space<vmem_shared>>
    tpu.wait_dma2 semaphore(%arg16 : memref<!tpu.dma_semaphore, #tpu.memory_space<semaphore_mem>>) src(%dma_wait3A_192 : memref<632x32xf32, #tpu.memory_space<vmem_shared>>) dst(%dma_wait3A_190 : memref<632x32xf32, #tpu.memory_space<hbm>>)
    return
  }
}

#map = affine_map<(d0, d1) -> (0, 0)>
#map1 = affine_map<(d0, d1) -> (0, 0, 0)>
module attributes {stable_mosaic.version = 14 : i64} {
  func.func @_mp_kernel(%arg0: i32, %arg1: i32, %arg2: memref<10000x128xf32, #tpu.memory_space<hbm>>, %arg3: memref<16x160x128xi32, #tpu.memory_space<hbm>>, %arg4: memref<16x160x128xi32, #tpu.memory_space<hbm>>, %arg5: memref<10112x128xf32, #tpu.memory_space<hbm>>, %arg6: memref<160x128xi32, #tpu.memory_space<vmem>>, %arg7: memref<160x128xi32, #tpu.memory_space<vmem>>, %arg8: memref<128x32xf32, #tpu.memory_space<vmem>>, %arg9: memref<128x32xf32, #tpu.memory_space<vmem>>, %arg10: memref<128x32xf32, #tpu.memory_space<vmem>>, %arg11: memref<10000x32xf32, #tpu.memory_space<vmem_shared>>, %arg12: memref<10112x32xf32, #tpu.memory_space<vmem_shared>>, %arg13: memref<10112x32xf32, #tpu.memory_space<vmem_shared>>, %arg14: memref<!tpu.dma_semaphore, #tpu.memory_space<semaphore_mem>>, %arg15: memref<!tpu.dma_semaphore, #tpu.memory_space<semaphore_mem>>, %arg16: memref<!tpu.dma_semaphore, #tpu.memory_space<semaphore_mem>>) attributes {dimension_semantics = [#tpu.dimension_semantics<core_parallel>, #tpu.dimension_semantics<subcore_parallel>], iteration_bounds = array<i64: 2, 16>, scalar_prefetch = 0 : i64, scratch_operands = 11 : i64, tpu.core_type = #tpu.core_type<sc_vector_subcore>, window_params = [{transform_indices = #map}, {transform_indices = #map1}, {transform_indices = #map1}, {transform_indices = #map}]} {
    %dma_start3A = arith.constant 0 : i32
    %dma_start3A_0 = arith.constant 0 : i32
    %dma_start3A_1 = tpu.memref_slice %arg3[%arg1, %dma_start3A, %dma_start3A_0] : memref<16x160x128xi32, #tpu.memory_space<hbm>> -> memref<1x160x128xi32, #tpu.memory_space<hbm>>
    %dma_start3A_2 = tpu.memref_squeeze %dma_start3A_1 : memref<1x160x128xi32, #tpu.memory_space<hbm>> -> memref<160x128xi32, #tpu.memory_space<hbm>>
    %dma_start3A_3 = arith.constant 0 : i32
    %dma_start3A_4 = arith.constant 0 : i32
    %dma_start3A_5 = tpu.memref_slice %arg3[%arg1, %dma_start3A_3, %dma_start3A_4] : memref<16x160x128xi32, #tpu.memory_space<hbm>> -> memref<1x160x128xi32, #tpu.memory_space<hbm>>
    %dma_start3A_6 = tpu.memref_squeeze %dma_start3A_5 : memref<1x160x128xi32, #tpu.memory_space<hbm>> -> memref<160x128xi32, #tpu.memory_space<hbm>>
    tpu.enqueue_dma source(%dma_start3A_6 : memref<160x128xi32, #tpu.memory_space<hbm>>) target(%arg6 : memref<160x128xi32, #tpu.memory_space<vmem>>) target_semaphore(%arg14 : memref<!tpu.dma_semaphore, #tpu.memory_space<semaphore_mem>>)
    %dma_start3A_7 = arith.constant 0 : i32
    %dma_start3A_8 = arith.constant 0 : i32
    %dma_start3A_9 = tpu.memref_slice %arg4[%arg1, %dma_start3A_7, %dma_start3A_8] : memref<16x160x128xi32, #tpu.memory_space<hbm>> -> memref<1x160x128xi32, #tpu.memory_space<hbm>>
    %dma_start3A_10 = tpu.memref_squeeze %dma_start3A_9 : memref<1x160x128xi32, #tpu.memory_space<hbm>> -> memref<160x128xi32, #tpu.memory_space<hbm>>
    %dma_start3A_11 = arith.constant 0 : i32
    %dma_start3A_12 = arith.constant 0 : i32
    %dma_start3A_13 = tpu.memref_slice %arg4[%arg1, %dma_start3A_11, %dma_start3A_12] : memref<16x160x128xi32, #tpu.memory_space<hbm>> -> memref<1x160x128xi32, #tpu.memory_space<hbm>>
    %dma_start3A_14 = tpu.memref_squeeze %dma_start3A_13 : memref<1x160x128xi32, #tpu.memory_space<hbm>> -> memref<160x128xi32, #tpu.memory_space<hbm>>
    tpu.enqueue_dma source(%dma_start3A_14 : memref<160x128xi32, #tpu.memory_space<hbm>>) target(%arg7 : memref<160x128xi32, #tpu.memory_space<vmem>>) target_semaphore(%arg15 : memref<!tpu.dma_semaphore, #tpu.memory_space<semaphore_mem>>)
    %broadcast_in_dim3A = arith.constant 0.000000e+00 : f32
    %broadcast_in_dim3A_15 = vector.broadcast %broadcast_in_dim3A : f32 to vector<16xf32>
    %scan3A = arith.constant 0 : i32
    %scan3A_16 = arith.constant 0 : i32
    %scan3A_17 = arith.constant 256 : i32
    %scan3A_18 = arith.addi %scan3A_16, %scan3A_17 : i32
    %scan3A_19 = arith.constant 1 : i32
    %scan3A_20 = scf.for %scan3A_193 = %scan3A_16 to %scan3A_18 step %scan3A_19 iter_args(%scan3A_194 = %scan3A) -> (i32)  : i32 {
      %shift_right_arithmetic3A = arith.constant 1 : i32
      %shift_right_arithmetic3A_195 = arith.shrsi %scan3A_193, %shift_right_arithmetic3A : i32
      %and3A = arith.constant 1 : i32
      %and3A_196 = arith.andi %scan3A_193, %and3A : i32
      %mul3A_197 = arith.constant 16 : i32
      %mul3A_198 = arith.muli %and3A_196, %mul3A_197 : i32
      %swap3A = arith.index_cast %shift_right_arithmetic3A_195 : i32 to index
      %swap3A_199 = arith.index_cast %mul3A_198 : i32 to index
      %swap3A_200 = tpu.vector_load %arg10[%swap3A, %swap3A_199] {strides = array<i32>} : memref<128x32xf32, #tpu.memory_space<vmem>>, vector<16xf32>,
      tpu.vector_store %arg10[%swap3A, %swap3A_199], %broadcast_in_dim3A_15 {strides = array<i32>} : memref<128x32xf32, #tpu.memory_space<vmem>>, vector<16xf32>,
      %scan3A_201 = arith.constant 0 : i32
      scf.yield %scan3A_201 : i32
    }
    %scan3A_21 = arith.constant 256 : i32
    %dma_wait3A = arith.constant 0 : i32
    %dma_wait3A_22 = arith.constant 0 : i32
    %dma_wait3A_23 = tpu.memref_slice %arg3[%arg1, %dma_wait3A, %dma_wait3A_22] : memref<16x160x128xi32, #tpu.memory_space<hbm>> -> memref<1x160x128xi32, #tpu.memory_space<hbm>>
    %dma_wait3A_24 = tpu.memref_squeeze %dma_wait3A_23 : memref<1x160x128xi32, #tpu.memory_space<hbm>> -> memref<160x128xi32, #tpu.memory_space<hbm>>
    %dma_wait3A_25 = arith.constant 0 : i32
    %dma_wait3A_26 = arith.constant 0 : i32
    %dma_wait3A_27 = tpu.memref_slice %arg3[%arg1, %dma_wait3A_25, %dma_wait3A_26] : memref<16x160x128xi32, #tpu.memory_space<hbm>> -> memref<1x160x128xi32, #tpu.memory_space<hbm>>
    %dma_wait3A_28 = tpu.memref_squeeze %dma_wait3A_27 : memref<1x160x128xi32, #tpu.memory_space<hbm>> -> memref<160x128xi32, #tpu.memory_space<hbm>>
    tpu.wait_dma2 semaphore(%arg14 : memref<!tpu.dma_semaphore, #tpu.memory_space<semaphore_mem>>) src(%dma_wait3A_28 : memref<160x128xi32, #tpu.memory_space<hbm>>) dst(%arg6 : memref<160x128xi32, #tpu.memory_space<vmem>>)
    %dma_wait3A_29 = arith.constant 0 : i32
    %dma_wait3A_30 = arith.constant 0 : i32
    %dma_wait3A_31 = tpu.memref_slice %arg4[%arg1, %dma_wait3A_29, %dma_wait3A_30] : memref<16x160x128xi32, #tpu.memory_space<hbm>> -> memref<1x160x128xi32, #tpu.memory_space<hbm>>
    %dma_wait3A_32 = tpu.memref_squeeze %dma_wait3A_31 : memref<1x160x128xi32, #tpu.memory_space<hbm>> -> memref<160x128xi32, #tpu.memory_space<hbm>>
    %dma_wait3A_33 = arith.constant 0 : i32
    %dma_wait3A_34 = arith.constant 0 : i32
    %dma_wait3A_35 = tpu.memref_slice %arg4[%arg1, %dma_wait3A_33, %dma_wait3A_34] : memref<16x160x128xi32, #tpu.memory_space<hbm>> -> memref<1x160x128xi32, #tpu.memory_space<hbm>>
    %dma_wait3A_36 = tpu.memref_squeeze %dma_wait3A_35 : memref<1x160x128xi32, #tpu.memory_space<hbm>> -> memref<160x128xi32, #tpu.memory_space<hbm>>
    tpu.wait_dma2 semaphore(%arg15 : memref<!tpu.dma_semaphore, #tpu.memory_space<semaphore_mem>>) src(%dma_wait3A_36 : memref<160x128xi32, #tpu.memory_space<hbm>>) dst(%arg7 : memref<160x128xi32, #tpu.memory_space<vmem>>)
    %mul3A = arith.constant 632 : i32
    %mul3A_37 = arith.muli %arg1, %mul3A : i32
    %add3A = arith.constant 0 : i32
    %add3A_38 = arith.addi %mul3A_37, %add3A : i32
    "tpu.region"() ({
      %run_scoped3A = tpu.sem_alloc : memref<!tpu.dma_semaphore, #tpu.memory_space<semaphore_mem>>
      %dma_start3A_193 = arith.constant 0 : i32
      %dma_start3A_194 = tpu.memref_slice %arg12[%add3A_38, %dma_start3A_193] : memref<10112x32xf32, #tpu.memory_space<vmem_shared>> -> memref<128x32xf32, #tpu.memory_space<vmem_shared>>
      %dma_start3A_195 = arith.constant 0 : i32
      %dma_start3A_196 = tpu.memref_slice %arg12[%add3A_38, %dma_start3A_195] : memref<10112x32xf32, #tpu.memory_space<vmem_shared>> -> memref<128x32xf32, #tpu.memory_space<vmem_shared>>
      tpu.enqueue_dma source(%arg10 : memref<128x32xf32, #tpu.memory_space<vmem>>) target(%dma_start3A_196 : memref<128x32xf32, #tpu.memory_space<vmem_shared>>) target_semaphore(%run_scoped3A : memref<!tpu.dma_semaphore, #tpu.memory_space<semaphore_mem>>)
      %dma_wait3A_197 = arith.constant 0 : i32
      %dma_wait3A_198 = tpu.memref_slice %arg12[%add3A_38, %dma_wait3A_197] : memref<10112x32xf32, #tpu.memory_space<vmem_shared>> -> memref<128x32xf32, #tpu.memory_space<vmem_shared>>
      %dma_wait3A_199 = arith.constant 0 : i32
      %dma_wait3A_200 = tpu.memref_slice %arg12[%add3A_38, %dma_wait3A_199] : memref<10112x32xf32, #tpu.memory_space<vmem_shared>> -> memref<128x32xf32, #tpu.memory_space<vmem_shared>>
      tpu.wait_dma2 semaphore(%run_scoped3A : memref<!tpu.dma_semaphore, #tpu.memory_space<semaphore_mem>>) src(%arg10 : memref<128x32xf32, #tpu.memory_space<vmem>>) dst(%dma_wait3A_200 : memref<128x32xf32, #tpu.memory_space<vmem_shared>>)
      tpu.yield
    }) : () -> ()
    %mul3A_39 = arith.constant 632 : i32
    %mul3A_40 = arith.muli %arg1, %mul3A_39 : i32
    %add3A_41 = arith.constant 128 : i32
    %add3A_42 = arith.addi %mul3A_40, %add3A_41 : i32
    "tpu.region"() ({
      %run_scoped3A = tpu.sem_alloc : memref<!tpu.dma_semaphore, #tpu.memory_space<semaphore_mem>>
      %dma_start3A_193 = arith.constant 0 : i32
      %dma_start3A_194 = tpu.memref_slice %arg12[%add3A_42, %dma_start3A_193] : memref<10112x32xf32, #tpu.memory_space<vmem_shared>> -> memref<128x32xf32, #tpu.memory_space<vmem_shared>>
      %dma_start3A_195 = arith.constant 0 : i32
      %dma_start3A_196 = tpu.memref_slice %arg12[%add3A_42, %dma_start3A_195] : memref<10112x32xf32, #tpu.memory_space<vmem_shared>> -> memref<128x32xf32, #tpu.memory_space<vmem_shared>>
      tpu.enqueue_dma source(%arg10 : memref<128x32xf32, #tpu.memory_space<vmem>>) target(%dma_start3A_196 : memref<128x32xf32, #tpu.memory_space<vmem_shared>>) target_semaphore(%run_scoped3A : memref<!tpu.dma_semaphore, #tpu.memory_space<semaphore_mem>>)
      %dma_wait3A_197 = arith.constant 0 : i32
      %dma_wait3A_198 = tpu.memref_slice %arg12[%add3A_42, %dma_wait3A_197] : memref<10112x32xf32, #tpu.memory_space<vmem_shared>> -> memref<128x32xf32, #tpu.memory_space<vmem_shared>>
      %dma_wait3A_199 = arith.constant 0 : i32
      %dma_wait3A_200 = tpu.memref_slice %arg12[%add3A_42, %dma_wait3A_199] : memref<10112x32xf32, #tpu.memory_space<vmem_shared>> -> memref<128x32xf32, #tpu.memory_space<vmem_shared>>
      tpu.wait_dma2 semaphore(%run_scoped3A : memref<!tpu.dma_semaphore, #tpu.memory_space<semaphore_mem>>) src(%arg10 : memref<128x32xf32, #tpu.memory_space<vmem>>) dst(%dma_wait3A_200 : memref<128x32xf32, #tpu.memory_space<vmem_shared>>)
      tpu.yield
    }) : () -> ()
    %mul3A_43 = arith.constant 632 : i32
    %mul3A_44 = arith.muli %arg1, %mul3A_43 : i32
    %add3A_45 = arith.constant 256 : i32
    %add3A_46 = arith.addi %mul3A_44, %add3A_45 : i32
    "tpu.region"() ({
      %run_scoped3A = tpu.sem_alloc : memref<!tpu.dma_semaphore, #tpu.memory_space<semaphore_mem>>
      %dma_start3A_193 = arith.constant 0 : i32
      %dma_start3A_194 = tpu.memref_slice %arg12[%add3A_46, %dma_start3A_193] : memref<10112x32xf32, #tpu.memory_space<vmem_shared>> -> memref<128x32xf32, #tpu.memory_space<vmem_shared>>
      %dma_start3A_195 = arith.constant 0 : i32
      %dma_start3A_196 = tpu.memref_slice %arg12[%add3A_46, %dma_start3A_195] : memref<10112x32xf32, #tpu.memory_space<vmem_shared>> -> memref<128x32xf32, #tpu.memory_space<vmem_shared>>
      tpu.enqueue_dma source(%arg10 : memref<128x32xf32, #tpu.memory_space<vmem>>) target(%dma_start3A_196 : memref<128x32xf32, #tpu.memory_space<vmem_shared>>) target_semaphore(%run_scoped3A : memref<!tpu.dma_semaphore, #tpu.memory_space<semaphore_mem>>)
      %dma_wait3A_197 = arith.constant 0 : i32
      %dma_wait3A_198 = tpu.memref_slice %arg12[%add3A_46, %dma_wait3A_197] : memref<10112x32xf32, #tpu.memory_space<vmem_shared>> -> memref<128x32xf32, #tpu.memory_space<vmem_shared>>
      %dma_wait3A_199 = arith.constant 0 : i32
      %dma_wait3A_200 = tpu.memref_slice %arg12[%add3A_46, %dma_wait3A_199] : memref<10112x32xf32, #tpu.memory_space<vmem_shared>> -> memref<128x32xf32, #tpu.memory_space<vmem_shared>>
      tpu.wait_dma2 semaphore(%run_scoped3A : memref<!tpu.dma_semaphore, #tpu.memory_space<semaphore_mem>>) src(%arg10 : memref<128x32xf32, #tpu.memory_space<vmem>>) dst(%dma_wait3A_200 : memref<128x32xf32, #tpu.memory_space<vmem_shared>>)
      tpu.yield
    }) : () -> ()
    %mul3A_47 = arith.constant 632 : i32
    %mul3A_48 = arith.muli %arg1, %mul3A_47 : i32
    %add3A_49 = arith.constant 384 : i32
    %add3A_50 = arith.addi %mul3A_48, %add3A_49 : i32
    "tpu.region"() ({
      %run_scoped3A = tpu.sem_alloc : memref<!tpu.dma_semaphore, #tpu.memory_space<semaphore_mem>>
      %dma_start3A_193 = arith.constant 0 : i32
      %dma_start3A_194 = tpu.memref_slice %arg12[%add3A_50, %dma_start3A_193] : memref<10112x32xf32, #tpu.memory_space<vmem_shared>> -> memref<128x32xf32, #tpu.memory_space<vmem_shared>>
      %dma_start3A_195 = arith.constant 0 : i32
      %dma_start3A_196 = tpu.memref_slice %arg12[%add3A_50, %dma_start3A_195] : memref<10112x32xf32, #tpu.memory_space<vmem_shared>> -> memref<128x32xf32, #tpu.memory_space<vmem_shared>>
      tpu.enqueue_dma source(%arg10 : memref<128x32xf32, #tpu.memory_space<vmem>>) target(%dma_start3A_196 : memref<128x32xf32, #tpu.memory_space<vmem_shared>>) target_semaphore(%run_scoped3A : memref<!tpu.dma_semaphore, #tpu.memory_space<semaphore_mem>>)
      %dma_wait3A_197 = arith.constant 0 : i32
      %dma_wait3A_198 = tpu.memref_slice %arg12[%add3A_50, %dma_wait3A_197] : memref<10112x32xf32, #tpu.memory_space<vmem_shared>> -> memref<128x32xf32, #tpu.memory_space<vmem_shared>>
      %dma_wait3A_199 = arith.constant 0 : i32
      %dma_wait3A_200 = tpu.memref_slice %arg12[%add3A_50, %dma_wait3A_199] : memref<10112x32xf32, #tpu.memory_space<vmem_shared>> -> memref<128x32xf32, #tpu.memory_space<vmem_shared>>
      tpu.wait_dma2 semaphore(%run_scoped3A : memref<!tpu.dma_semaphore, #tpu.memory_space<semaphore_mem>>) src(%arg10 : memref<128x32xf32, #tpu.memory_space<vmem>>) dst(%dma_wait3A_200 : memref<128x32xf32, #tpu.memory_space<vmem_shared>>)
      tpu.yield
    }) : () -> ()
    %mul3A_51 = arith.constant 632 : i32
    %mul3A_52 = arith.muli %arg1, %mul3A_51 : i32
    %add3A_53 = arith.constant 512 : i32
    %add3A_54 = arith.addi %mul3A_52, %add3A_53 : i32
    "tpu.region"() ({
      %run_scoped3A = tpu.sem_alloc : memref<!tpu.dma_semaphore, #tpu.memory_space<semaphore_mem>>
      %dma_start3A_193 = arith.constant 0 : i32
      %dma_start3A_194 = arith.constant 0 : i32
      %dma_start3A_195 = tpu.memref_slice %arg10[%dma_start3A_193, %dma_start3A_194] : memref<128x32xf32, #tpu.memory_space<vmem>> -> memref<120x32xf32, #tpu.memory_space<vmem>>
      %dma_start3A_196 = arith.constant 0 : i32
      %dma_start3A_197 = tpu.memref_slice %arg12[%add3A_54, %dma_start3A_196] : memref<10112x32xf32, #tpu.memory_space<vmem_shared>> -> memref<120x32xf32, #tpu.memory_space<vmem_shared>>
      %dma_start3A_198 = arith.constant 0 : i32
      %dma_start3A_199 = tpu.memref_slice %arg12[%add3A_54, %dma_start3A_198] : memref<10112x32xf32, #tpu.memory_space<vmem_shared>> -> memref<120x32xf32, #tpu.memory_space<vmem_shared>>
      %dma_start3A_200 = arith.constant 0 : i32
      %dma_start3A_201 = arith.constant 0 : i32
      %dma_start3A_202 = tpu.memref_slice %arg10[%dma_start3A_200, %dma_start3A_201] : memref<128x32xf32, #tpu.memory_space<vmem>> -> memref<120x32xf32, #tpu.memory_space<vmem>>
      tpu.enqueue_dma source(%dma_start3A_202 : memref<120x32xf32, #tpu.memory_space<vmem>>) target(%dma_start3A_199 : memref<120x32xf32, #tpu.memory_space<vmem_shared>>) target_semaphore(%run_scoped3A : memref<!tpu.dma_semaphore, #tpu.memory_space<semaphore_mem>>)
      %dma_wait3A_203 = arith.constant 0 : i32
      %dma_wait3A_204 = arith.constant 0 : i32
      %dma_wait3A_205 = tpu.memref_slice %arg10[%dma_wait3A_203, %dma_wait3A_204] : memref<128x32xf32, #tpu.memory_space<vmem>> -> memref<120x32xf32, #tpu.memory_space<vmem>>
      %dma_wait3A_206 = arith.constant 0 : i32
      %dma_wait3A_207 = tpu.memref_slice %arg12[%add3A_54, %dma_wait3A_206] : memref<10112x32xf32, #tpu.memory_space<vmem_shared>> -> memref<120x32xf32, #tpu.memory_space<vmem_shared>>
      %dma_wait3A_208 = arith.constant 0 : i32
      %dma_wait3A_209 = tpu.memref_slice %arg12[%add3A_54, %dma_wait3A_208] : memref<10112x32xf32, #tpu.memory_space<vmem_shared>> -> memref<120x32xf32, #tpu.memory_space<vmem_shared>>
      %dma_wait3A_210 = arith.constant 0 : i32
      %dma_wait3A_211 = arith.constant 0 : i32
      %dma_wait3A_212 = tpu.memref_slice %arg10[%dma_wait3A_210, %dma_wait3A_211] : memref<128x32xf32, #tpu.memory_space<vmem>> -> memref<120x32xf32, #tpu.memory_space<vmem>>
      tpu.wait_dma2 semaphore(%run_scoped3A : memref<!tpu.dma_semaphore, #tpu.memory_space<semaphore_mem>>) src(%dma_wait3A_212 : memref<120x32xf32, #tpu.memory_space<vmem>>) dst(%dma_wait3A_209 : memref<120x32xf32, #tpu.memory_space<vmem_shared>>)
      tpu.yield
    }) : () -> ()
    %mul3A_55 = arith.constant 2 : i32
    %mul3A_56 = arith.muli %mul3A_55, %arg0 : i32
    %add3A_57 = arith.constant 0 : i32
    %add3A_58 = arith.addi %mul3A_56, %add3A_57 : i32
    %mul3A_59 = arith.constant 32 : i32
    %mul3A_60 = arith.muli %add3A_58, %mul3A_59 : i32
    %mul3A_61 = arith.constant 625 : i32
    %mul3A_62 = arith.muli %arg1, %mul3A_61 : i32
    %mul3A_63 = arith.constant 625 : i32
    %mul3A_64 = arith.muli %arg1, %mul3A_63 : i32
    "tpu.region"() ({
      %run_scoped3A = tpu.sem_alloc : memref<!tpu.dma_semaphore, #tpu.memory_space<semaphore_mem>>
      %dma_start3A_193 = arith.constant 0 : i32
      %dma_start3A_194 = tpu.memref_slice %arg11[%mul3A_64, %dma_start3A_193] : memref<10000x32xf32, #tpu.memory_space<vmem_shared>> -> memref<625x32xf32, #tpu.memory_space<vmem_shared>>
      %dma_start3A_195 = tpu.memref_slice %arg2[%mul3A_62, %mul3A_60] : memref<10000x128xf32, #tpu.memory_space<hbm>> -> memref<625x32xf32, #tpu.memory_space<hbm>>
      tpu.enqueue_dma source(%dma_start3A_195 : memref<625x32xf32, #tpu.memory_space<hbm>>) target(%dma_start3A_194 : memref<625x32xf32, #tpu.memory_space<vmem_shared>>) target_semaphore(%run_scoped3A : memref<!tpu.dma_semaphore, #tpu.memory_space<semaphore_mem>>)
      %dma_wait3A_196 = arith.constant 0 : i32
      %dma_wait3A_197 = tpu.memref_slice %arg11[%mul3A_64, %dma_wait3A_196] : memref<10000x32xf32, #tpu.memory_space<vmem_shared>> -> memref<625x32xf32, #tpu.memory_space<vmem_shared>>
      %dma_wait3A_198 = tpu.memref_slice %arg2[%mul3A_62, %mul3A_60] : memref<10000x128xf32, #tpu.memory_space<hbm>> -> memref<625x32xf32, #tpu.memory_space<hbm>>
      tpu.wait_dma2 semaphore(%run_scoped3A : memref<!tpu.dma_semaphore, #tpu.memory_space<semaphore_mem>>) src(%dma_wait3A_198 : memref<625x32xf32, #tpu.memory_space<hbm>>) dst(%dma_wait3A_197 : memref<625x32xf32, #tpu.memory_space<vmem_shared>>)
      tpu.yield
    }) : () -> ()
    %barrier3A = arith.constant 0 : index
    tpu.barrier barrier_id(%barrier3A)
    %dma_start3A_65 = arith.constant 0 : i32
    %dma_start3A_66 = arith.constant 0 : i32
    %dma_start3A_67 = tpu.memref_slice %arg6[%dma_start3A_65, %dma_start3A_66] : memref<160x128xi32, #tpu.memory_space<vmem>> -> memref<1x128xi32, #tpu.memory_space<vmem>>
    %dma_start3A_68 = tpu.memref_squeeze %dma_start3A_67 : memref<1x128xi32, #tpu.memory_space<vmem>> -> memref<128xi32, #tpu.memory_space<vmem>>
    %dma_start3A_69 = arith.constant 0 : i32
    %dma_start3A_70 = arith.constant 0 : i32
    %dma_start3A_71 = tpu.memref_slice %arg11[%dma_start3A_69, %dma_start3A_70] : memref<10000x32xf32, #tpu.memory_space<vmem_shared>> -> memref<10000x32xf32, #tpu.memory_space<vmem_shared>>
    tpu.enqueue_indirect_dma source(%dma_start3A_71 : memref<10000x32xf32, #tpu.memory_space<vmem_shared>>) target(%arg8 : memref<128x32xf32, #tpu.memory_space<vmem>>) offsets(%dma_start3A_68 : memref<128xi32, #tpu.memory_space<vmem>>) semaphore(%arg14 : memref<!tpu.dma_semaphore, #tpu.memory_space<semaphore_mem>>)
    %dma_start3A_72 = arith.constant 1 : i32
    %dma_start3A_73 = arith.constant 0 : i32
    %dma_start3A_74 = tpu.memref_slice %arg6[%dma_start3A_72, %dma_start3A_73] : memref<160x128xi32, #tpu.memory_space<vmem>> -> memref<1x128xi32, #tpu.memory_space<vmem>>
    %dma_start3A_75 = tpu.memref_squeeze %dma_start3A_74 : memref<1x128xi32, #tpu.memory_space<vmem>> -> memref<128xi32, #tpu.memory_space<vmem>>
    %dma_start3A_76 = arith.constant 0 : i32
    %dma_start3A_77 = arith.constant 0 : i32
    %dma_start3A_78 = tpu.memref_slice %arg11[%dma_start3A_76, %dma_start3A_77] : memref<10000x32xf32, #tpu.memory_space<vmem_shared>> -> memref<10000x32xf32, #tpu.memory_space<vmem_shared>>
    tpu.enqueue_indirect_dma source(%dma_start3A_78 : memref<10000x32xf32, #tpu.memory_space<vmem_shared>>) target(%arg9 : memref<128x32xf32, #tpu.memory_space<vmem>>) offsets(%dma_start3A_75 : memref<128xi32, #tpu.memory_space<vmem>>) semaphore(%arg15 : memref<!tpu.dma_semaphore, #tpu.memory_space<semaphore_mem>>)
    %scan3A_79 = arith.constant 0 : i32
    %scan3A_80 = arith.constant 0 : i32
    %scan3A_81 = arith.constant 80 : i32
    %scan3A_82 = arith.addi %scan3A_80, %scan3A_81 : i32
    %scan3A_83 = arith.constant 1 : i32
    %scan3A_84 = scf.for %scan3A_193 = %scan3A_80 to %scan3A_82 step %scan3A_83 iter_args(%scan3A_194 = %scan3A_79) -> (i32)  : i32 {
      %mul3A_195 = arith.constant 2 : i32
      %mul3A_196 = arith.muli %mul3A_195, %scan3A_193 : i32
      %add3A_197 = arith.constant 1 : i32
      %add3A_198 = arith.addi %mul3A_196, %add3A_197 : i32
      %dma_wait3A_199 = arith.constant 0 : i32
      %dma_wait3A_200 = tpu.memref_slice %arg6[%mul3A_196, %dma_wait3A_199] : memref<160x128xi32, #tpu.memory_space<vmem>> -> memref<1x128xi32, #tpu.memory_space<vmem>>
      %dma_wait3A_201 = tpu.memref_squeeze %dma_wait3A_200 : memref<1x128xi32, #tpu.memory_space<vmem>> -> memref<128xi32, #tpu.memory_space<vmem>>
      %dma_wait3A_202 = arith.constant 0 : i32
      %dma_wait3A_203 = arith.constant 0 : i32
      %dma_wait3A_204 = tpu.memref_slice %arg11[%dma_wait3A_202, %dma_wait3A_203] : memref<10000x32xf32, #tpu.memory_space<vmem_shared>> -> memref<10000x32xf32, #tpu.memory_space<vmem_shared>>
      tpu.wait_indirect_dma semaphore(%arg14 : memref<!tpu.dma_semaphore, #tpu.memory_space<semaphore_mem>>) src(%dma_wait3A_204 : memref<10000x32xf32, #tpu.memory_space<vmem_shared>>) dst(%arg8 : memref<128x32xf32, #tpu.memory_space<vmem>>)
      "tpu.region"() ({
        %run_scoped3A = tpu.sem_alloc : memref<!tpu.dma_semaphore, #tpu.memory_space<semaphore_mem>>
        %dma_start3A_231 = arith.constant 0 : i32
        %dma_start3A_232 = tpu.memref_slice %arg7[%mul3A_196, %dma_start3A_231] : memref<160x128xi32, #tpu.memory_space<vmem>> -> memref<1x128xi32, #tpu.memory_space<vmem>>
        %dma_start3A_233 = tpu.memref_squeeze %dma_start3A_232 : memref<1x128xi32, #tpu.memory_space<vmem>> -> memref<128xi32, #tpu.memory_space<vmem>>
        %dma_start3A_234 = arith.constant 0 : i32
        %dma_start3A_235 = arith.constant 0 : i32
        %dma_start3A_236 = tpu.memref_slice %arg12[%dma_start3A_234, %dma_start3A_235] : memref<10112x32xf32, #tpu.memory_space<vmem_shared>> -> memref<10112x32xf32, #tpu.memory_space<vmem_shared>>
        tpu.enqueue_indirect_dma source(%arg8 : memref<128x32xf32, #tpu.memory_space<vmem>>) target(%dma_start3A_236 : memref<10112x32xf32, #tpu.memory_space<vmem_shared>>) offsets(%dma_start3A_233 : memref<128xi32, #tpu.memory_space<vmem>>) semaphore(%run_scoped3A : memref<!tpu.dma_semaphore, #tpu.memory_space<semaphore_mem>>) {add = true}
        %dma_wait3A_237 = arith.constant 0 : i32
        %dma_wait3A_238 = tpu.memref_slice %arg7[%mul3A_196, %dma_wait3A_237] : memref<160x128xi32, #tpu.memory_space<vmem>> -> memref<1x128xi32, #tpu.memory_space<vmem>>
        %dma_wait3A_239 = tpu.memref_squeeze %dma_wait3A_238 : memref<1x128xi32, #tpu.memory_space<vmem>> -> memref<128xi32, #tpu.memory_space<vmem>>
        %dma_wait3A_240 = arith.constant 0 : i32
        %dma_wait3A_241 = arith.constant 0 : i32
        %dma_wait3A_242 = tpu.memref_slice %arg12[%dma_wait3A_240, %dma_wait3A_241] : memref<10112x32xf32, #tpu.memory_space<vmem_shared>> -> memref<10112x32xf32, #tpu.memory_space<vmem_shared>>
        tpu.wait_indirect_dma semaphore(%run_scoped3A : memref<!tpu.dma_semaphore, #tpu.memory_space<semaphore_mem>>) src(%arg8 : memref<128x32xf32, #tpu.memory_space<vmem>>) dst(%dma_wait3A_242 : memref<10112x32xf32, #tpu.memory_space<vmem_shared>>)
        tpu.yield
      }) : () -> ()
      %add3A_205 = arith.constant 2 : i32
      %add3A_206 = arith.addi %mul3A_196, %add3A_205 : i32
      %min3A = arith.constant 158 : i32
      %min3A_207 = arith.minsi %add3A_206, %min3A : i32
      %dma_start3A_208 = arith.constant 0 : i32
      %dma_start3A_209 = tpu.memref_slice %arg6[%min3A_207, %dma_start3A_208] : memref<160x128xi32, #tpu.memory_space<vmem>> -> memref<1x128xi32, #tpu.memory_space<vmem>>
      %dma_start3A_210 = tpu.memref_squeeze %dma_start3A_209 : memref<1x128xi32, #tpu.memory_space<vmem>> -> memref<128xi32, #tpu.memory_space<vmem>>
      %dma_start3A_211 = arith.constant 0 : i32
      %dma_start3A_212 = arith.constant 0 : i32
      %dma_start3A_213 = tpu.memref_slice %arg11[%dma_start3A_211, %dma_start3A_212] : memref<10000x32xf32, #tpu.memory_space<vmem_shared>> -> memref<10000x32xf32, #tpu.memory_space<vmem_shared>>
      tpu.enqueue_indirect_dma source(%dma_start3A_213 : memref<10000x32xf32, #tpu.memory_space<vmem_shared>>) target(%arg8 : memref<128x32xf32, #tpu.memory_space<vmem>>) offsets(%dma_start3A_210 : memref<128xi32, #tpu.memory_space<vmem>>) semaphore(%arg14 : memref<!tpu.dma_semaphore, #tpu.memory_space<semaphore_mem>>)
      %dma_wait3A_214 = arith.constant 0 : i32
      %dma_wait3A_215 = tpu.memref_slice %arg6[%add3A_198, %dma_wait3A_214] : memref<160x128xi32, #tpu.memory_space<vmem>> -> memref<1x128xi32, #tpu.memory_space<vmem>>
      %dma_wait3A_216 = tpu.memref_squeeze %dma_wait3A_215 : memref<1x128xi32, #tpu.memory_space<vmem>> -> memref<128xi32, #tpu.memory_space<vmem>>
      %dma_wait3A_217 = arith.constant 0 : i32
      %dma_wait3A_218 = arith.constant 0 : i32
      %dma_wait3A_219 = tpu.memref_slice %arg11[%dma_wait3A_217, %dma_wait3A_218] : memref<10000x32xf32, #tpu.memory_space<vmem_shared>> -> memref<10000x32xf32, #tpu.memory_space<vmem_shared>>
      tpu.wait_indirect_dma semaphore(%arg15 : memref<!tpu.dma_semaphore, #tpu.memory_space<semaphore_mem>>) src(%dma_wait3A_219 : memref<10000x32xf32, #tpu.memory_space<vmem_shared>>) dst(%arg9 : memref<128x32xf32, #tpu.memory_space<vmem>>)
      "tpu.region"() ({
        %run_scoped3A = tpu.sem_alloc : memref<!tpu.dma_semaphore, #tpu.memory_space<semaphore_mem>>
        %dma_start3A_231 = arith.constant 0 : i32
        %dma_start3A_232 = tpu.memref_slice %arg7[%add3A_198, %dma_start3A_231] : memref<160x128xi32, #tpu.memory_space<vmem>> -> memref<1x128xi32, #tpu.memory_space<vmem>>
        %dma_start3A_233 = tpu.memref_squeeze %dma_start3A_232 : memref<1x128xi32, #tpu.memory_space<vmem>> -> memref<128xi32, #tpu.memory_space<vmem>>
        %dma_start3A_234 = arith.constant 0 : i32
        %dma_start3A_235 = arith.constant 0 : i32
        %dma_start3A_236 = tpu.memref_slice %arg12[%dma_start3A_234, %dma_start3A_235] : memref<10112x32xf32, #tpu.memory_space<vmem_shared>> -> memref<10112x32xf32, #tpu.memory_space<vmem_shared>>
        tpu.enqueue_indirect_dma source(%arg9 : memref<128x32xf32, #tpu.memory_space<vmem>>) target(%dma_start3A_236 : memref<10112x32xf32, #tpu.memory_space<vmem_shared>>) offsets(%dma_start3A_233 : memref<128xi32, #tpu.memory_space<vmem>>) semaphore(%run_scoped3A : memref<!tpu.dma_semaphore, #tpu.memory_space<semaphore_mem>>) {add = true}
        %dma_wait3A_237 = arith.constant 0 : i32
        %dma_wait3A_238 = tpu.memref_slice %arg7[%add3A_198, %dma_wait3A_237] : memref<160x128xi32, #tpu.memory_space<vmem>> -> memref<1x128xi32, #tpu.memory_space<vmem>>
        %dma_wait3A_239 = tpu.memref_squeeze %dma_wait3A_238 : memref<1x128xi32, #tpu.memory_space<vmem>> -> memref<128xi32, #tpu.memory_space<vmem>>
        %dma_wait3A_240 = arith.constant 0 : i32
        %dma_wait3A_241 = arith.constant 0 : i32
        %dma_wait3A_242 = tpu.memref_slice %arg12[%dma_wait3A_240, %dma_wait3A_241] : memref<10112x32xf32, #tpu.memory_space<vmem_shared>> -> memref<10112x32xf32, #tpu.memory_space<vmem_shared>>
        tpu.wait_indirect_dma semaphore(%run_scoped3A : memref<!tpu.dma_semaphore, #tpu.memory_space<semaphore_mem>>) src(%arg9 : memref<128x32xf32, #tpu.memory_space<vmem>>) dst(%dma_wait3A_242 : memref<10112x32xf32, #tpu.memory_space<vmem_shared>>)
        tpu.yield
      }) : () -> ()
      %add3A_220 = arith.constant 2 : i32
      %add3A_221 = arith.addi %add3A_198, %add3A_220 : i32
      %min3A_222 = arith.constant 159 : i32
      %min3A_223 = arith.minsi %add3A_221, %min3A_222 : i32
      %dma_start3A_224 = arith.constant 0 : i32
      %dma_start3A_225 = tpu.memref_slice %arg6[%min3A_223, %dma_start3A_224] : memref<160x128xi32, #tpu.memory_space<vmem>> -> memref<1x128xi32, #tpu.memory_space<vmem>>
      %dma_start3A_226 = tpu.memref_squeeze %dma_start3A_225 : memref<1x128xi32, #tpu.memory_space<vmem>> -> memref<128xi32, #tpu.memory_space<vmem>>
      %dma_start3A_227 = arith.constant 0 : i32
      %dma_start3A_228 = arith.constant 0 : i32
      %dma_start3A_229 = tpu.memref_slice %arg11[%dma_start3A_227, %dma_start3A_228] : memref<10000x32xf32, #tpu.memory_space<vmem_shared>> -> memref<10000x32xf32, #tpu.memory_space<vmem_shared>>
      tpu.enqueue_indirect_dma source(%dma_start3A_229 : memref<10000x32xf32, #tpu.memory_space<vmem_shared>>) target(%arg9 : memref<128x32xf32, #tpu.memory_space<vmem>>) offsets(%dma_start3A_226 : memref<128xi32, #tpu.memory_space<vmem>>) semaphore(%arg15 : memref<!tpu.dma_semaphore, #tpu.memory_space<semaphore_mem>>)
      %scan3A_230 = arith.constant 0 : i32
      scf.yield %scan3A_230 : i32
    }
    %scan3A_85 = arith.constant 80 : i32
    %dma_wait3A_86 = arith.constant 158 : i32
    %dma_wait3A_87 = arith.constant 0 : i32
    %dma_wait3A_88 = tpu.memref_slice %arg6[%dma_wait3A_86, %dma_wait3A_87] : memref<160x128xi32, #tpu.memory_space<vmem>> -> memref<1x128xi32, #tpu.memory_space<vmem>>
    %dma_wait3A_89 = tpu.memref_squeeze %dma_wait3A_88 : memref<1x128xi32, #tpu.memory_space<vmem>> -> memref<128xi32, #tpu.memory_space<vmem>>
    %dma_wait3A_90 = arith.constant 0 : i32
    %dma_wait3A_91 = arith.constant 0 : i32
    %dma_wait3A_92 = tpu.memref_slice %arg11[%dma_wait3A_90, %dma_wait3A_91] : memref<10000x32xf32, #tpu.memory_space<vmem_shared>> -> memref<10000x32xf32, #tpu.memory_space<vmem_shared>>
    tpu.wait_indirect_dma semaphore(%arg14 : memref<!tpu.dma_semaphore, #tpu.memory_space<semaphore_mem>>) src(%dma_wait3A_92 : memref<10000x32xf32, #tpu.memory_space<vmem_shared>>) dst(%arg8 : memref<128x32xf32, #tpu.memory_space<vmem>>)
    %dma_wait3A_93 = arith.constant 159 : i32
    %dma_wait3A_94 = arith.constant 0 : i32
    %dma_wait3A_95 = tpu.memref_slice %arg6[%dma_wait3A_93, %dma_wait3A_94] : memref<160x128xi32, #tpu.memory_space<vmem>> -> memref<1x128xi32, #tpu.memory_space<vmem>>
    %dma_wait3A_96 = tpu.memref_squeeze %dma_wait3A_95 : memref<1x128xi32, #tpu.memory_space<vmem>> -> memref<128xi32, #tpu.memory_space<vmem>>
    %dma_wait3A_97 = arith.constant 0 : i32
    %dma_wait3A_98 = arith.constant 0 : i32
    %dma_wait3A_99 = tpu.memref_slice %arg11[%dma_wait3A_97, %dma_wait3A_98] : memref<10000x32xf32, #tpu.memory_space<vmem_shared>> -> memref<10000x32xf32, #tpu.memory_space<vmem_shared>>
    tpu.wait_indirect_dma semaphore(%arg15 : memref<!tpu.dma_semaphore, #tpu.memory_space<semaphore_mem>>) src(%dma_wait3A_99 : memref<10000x32xf32, #tpu.memory_space<vmem_shared>>) dst(%arg9 : memref<128x32xf32, #tpu.memory_space<vmem>>)
    %barrier3A_100 = arith.constant 0 : index
    tpu.barrier barrier_id(%barrier3A_100)
    %mul3A_101 = arith.constant 632 : i32
    %mul3A_102 = arith.muli %arg1, %mul3A_101 : i32
    %mul3A_103 = arith.constant 632 : i32
    %mul3A_104 = arith.muli %arg1, %mul3A_103 : i32
    %dma_start3A_105 = tpu.memref_slice %arg5[%mul3A_104, %mul3A_60] : memref<10112x128xf32, #tpu.memory_space<hbm>> -> memref<632x32xf32, #tpu.memory_space<hbm>>
    %dma_start3A_106 = arith.constant 0 : i32
    %dma_start3A_107 = tpu.memref_slice %arg12[%mul3A_102, %dma_start3A_106] : memref<10112x32xf32, #tpu.memory_space<vmem_shared>> -> memref<632x32xf32, #tpu.memory_space<vmem_shared>>
    tpu.enqueue_dma source(%dma_start3A_107 : memref<632x32xf32, #tpu.memory_space<vmem_shared>>) target(%dma_start3A_105 : memref<632x32xf32, #tpu.memory_space<hbm>>) target_semaphore(%arg16 : memref<!tpu.dma_semaphore, #tpu.memory_space<semaphore_mem>>)
    %mul3A_108 = arith.constant 632 : i32
    %mul3A_109 = arith.muli %arg1, %mul3A_108 : i32
    %add3A_110 = arith.constant 0 : i32
    %add3A_111 = arith.addi %mul3A_109, %add3A_110 : i32
    "tpu.region"() ({
      %run_scoped3A = tpu.sem_alloc : memref<!tpu.dma_semaphore, #tpu.memory_space<semaphore_mem>>
      %dma_start3A_193 = arith.constant 0 : i32
      %dma_start3A_194 = tpu.memref_slice %arg13[%add3A_111, %dma_start3A_193] : memref<10112x32xf32, #tpu.memory_space<vmem_shared>> -> memref<128x32xf32, #tpu.memory_space<vmem_shared>>
      %dma_start3A_195 = arith.constant 0 : i32
      %dma_start3A_196 = tpu.memref_slice %arg13[%add3A_111, %dma_start3A_195] : memref<10112x32xf32, #tpu.memory_space<vmem_shared>> -> memref<128x32xf32, #tpu.memory_space<vmem_shared>>
      tpu.enqueue_dma source(%arg10 : memref<128x32xf32, #tpu.memory_space<vmem>>) target(%dma_start3A_196 : memref<128x32xf32, #tpu.memory_space<vmem_shared>>) target_semaphore(%run_scoped3A : memref<!tpu.dma_semaphore, #tpu.memory_space<semaphore_mem>>)
      %dma_wait3A_197 = arith.constant 0 : i32
      %dma_wait3A_198 = tpu.memref_slice %arg13[%add3A_111, %dma_wait3A_197] : memref<10112x32xf32, #tpu.memory_space<vmem_shared>> -> memref<128x32xf32, #tpu.memory_space<vmem_shared>>
      %dma_wait3A_199 = arith.constant 0 : i32
      %dma_wait3A_200 = tpu.memref_slice %arg13[%add3A_111, %dma_wait3A_199] : memref<10112x32xf32, #tpu.memory_space<vmem_shared>> -> memref<128x32xf32, #tpu.memory_space<vmem_shared>>
      tpu.wait_dma2 semaphore(%run_scoped3A : memref<!tpu.dma_semaphore, #tpu.memory_space<semaphore_mem>>) src(%arg10 : memref<128x32xf32, #tpu.memory_space<vmem>>) dst(%dma_wait3A_200 : memref<128x32xf32, #tpu.memory_space<vmem_shared>>)
      tpu.yield
    }) : () -> ()
    %mul3A_112 = arith.constant 632 : i32
    %mul3A_113 = arith.muli %arg1, %mul3A_112 : i32
    %add3A_114 = arith.constant 128 : i32
    %add3A_115 = arith.addi %mul3A_113, %add3A_114 : i32
    "tpu.region"() ({
      %run_scoped3A = tpu.sem_alloc : memref<!tpu.dma_semaphore, #tpu.memory_space<semaphore_mem>>
      %dma_start3A_193 = arith.constant 0 : i32
      %dma_start3A_194 = tpu.memref_slice %arg13[%add3A_115, %dma_start3A_193] : memref<10112x32xf32, #tpu.memory_space<vmem_shared>> -> memref<128x32xf32, #tpu.memory_space<vmem_shared>>
      %dma_start3A_195 = arith.constant 0 : i32
      %dma_start3A_196 = tpu.memref_slice %arg13[%add3A_115, %dma_start3A_195] : memref<10112x32xf32, #tpu.memory_space<vmem_shared>> -> memref<128x32xf32, #tpu.memory_space<vmem_shared>>
      tpu.enqueue_dma source(%arg10 : memref<128x32xf32, #tpu.memory_space<vmem>>) target(%dma_start3A_196 : memref<128x32xf32, #tpu.memory_space<vmem_shared>>) target_semaphore(%run_scoped3A : memref<!tpu.dma_semaphore, #tpu.memory_space<semaphore_mem>>)
      %dma_wait3A_197 = arith.constant 0 : i32
      %dma_wait3A_198 = tpu.memref_slice %arg13[%add3A_115, %dma_wait3A_197] : memref<10112x32xf32, #tpu.memory_space<vmem_shared>> -> memref<128x32xf32, #tpu.memory_space<vmem_shared>>
      %dma_wait3A_199 = arith.constant 0 : i32
      %dma_wait3A_200 = tpu.memref_slice %arg13[%add3A_115, %dma_wait3A_199] : memref<10112x32xf32, #tpu.memory_space<vmem_shared>> -> memref<128x32xf32, #tpu.memory_space<vmem_shared>>
      tpu.wait_dma2 semaphore(%run_scoped3A : memref<!tpu.dma_semaphore, #tpu.memory_space<semaphore_mem>>) src(%arg10 : memref<128x32xf32, #tpu.memory_space<vmem>>) dst(%dma_wait3A_200 : memref<128x32xf32, #tpu.memory_space<vmem_shared>>)
      tpu.yield
    }) : () -> ()
    %mul3A_116 = arith.constant 632 : i32
    %mul3A_117 = arith.muli %arg1, %mul3A_116 : i32
    %add3A_118 = arith.constant 256 : i32
    %add3A_119 = arith.addi %mul3A_117, %add3A_118 : i32
    "tpu.region"() ({
      %run_scoped3A = tpu.sem_alloc : memref<!tpu.dma_semaphore, #tpu.memory_space<semaphore_mem>>
      %dma_start3A_193 = arith.constant 0 : i32
      %dma_start3A_194 = tpu.memref_slice %arg13[%add3A_119, %dma_start3A_193] : memref<10112x32xf32, #tpu.memory_space<vmem_shared>> -> memref<128x32xf32, #tpu.memory_space<vmem_shared>>
      %dma_start3A_195 = arith.constant 0 : i32
      %dma_start3A_196 = tpu.memref_slice %arg13[%add3A_119, %dma_start3A_195] : memref<10112x32xf32, #tpu.memory_space<vmem_shared>> -> memref<128x32xf32, #tpu.memory_space<vmem_shared>>
      tpu.enqueue_dma source(%arg10 : memref<128x32xf32, #tpu.memory_space<vmem>>) target(%dma_start3A_196 : memref<128x32xf32, #tpu.memory_space<vmem_shared>>) target_semaphore(%run_scoped3A : memref<!tpu.dma_semaphore, #tpu.memory_space<semaphore_mem>>)
      %dma_wait3A_197 = arith.constant 0 : i32
      %dma_wait3A_198 = tpu.memref_slice %arg13[%add3A_119, %dma_wait3A_197] : memref<10112x32xf32, #tpu.memory_space<vmem_shared>> -> memref<128x32xf32, #tpu.memory_space<vmem_shared>>
      %dma_wait3A_199 = arith.constant 0 : i32
      %dma_wait3A_200 = tpu.memref_slice %arg13[%add3A_119, %dma_wait3A_199] : memref<10112x32xf32, #tpu.memory_space<vmem_shared>> -> memref<128x32xf32, #tpu.memory_space<vmem_shared>>
      tpu.wait_dma2 semaphore(%run_scoped3A : memref<!tpu.dma_semaphore, #tpu.memory_space<semaphore_mem>>) src(%arg10 : memref<128x32xf32, #tpu.memory_space<vmem>>) dst(%dma_wait3A_200 : memref<128x32xf32, #tpu.memory_space<vmem_shared>>)
      tpu.yield
    }) : () -> ()
    %mul3A_120 = arith.constant 632 : i32
    %mul3A_121 = arith.muli %arg1, %mul3A_120 : i32
    %add3A_122 = arith.constant 384 : i32
    %add3A_123 = arith.addi %mul3A_121, %add3A_122 : i32
    "tpu.region"() ({
      %run_scoped3A = tpu.sem_alloc : memref<!tpu.dma_semaphore, #tpu.memory_space<semaphore_mem>>
      %dma_start3A_193 = arith.constant 0 : i32
      %dma_start3A_194 = tpu.memref_slice %arg13[%add3A_123, %dma_start3A_193] : memref<10112x32xf32, #tpu.memory_space<vmem_shared>> -> memref<128x32xf32, #tpu.memory_space<vmem_shared>>
      %dma_start3A_195 = arith.constant 0 : i32
      %dma_start3A_196 = tpu.memref_slice %arg13[%add3A_123, %dma_start3A_195] : memref<10112x32xf32, #tpu.memory_space<vmem_shared>> -> memref<128x32xf32, #tpu.memory_space<vmem_shared>>
      tpu.enqueue_dma source(%arg10 : memref<128x32xf32, #tpu.memory_space<vmem>>) target(%dma_start3A_196 : memref<128x32xf32, #tpu.memory_space<vmem_shared>>) target_semaphore(%run_scoped3A : memref<!tpu.dma_semaphore, #tpu.memory_space<semaphore_mem>>)
      %dma_wait3A_197 = arith.constant 0 : i32
      %dma_wait3A_198 = tpu.memref_slice %arg13[%add3A_123, %dma_wait3A_197] : memref<10112x32xf32, #tpu.memory_space<vmem_shared>> -> memref<128x32xf32, #tpu.memory_space<vmem_shared>>
      %dma_wait3A_199 = arith.constant 0 : i32
      %dma_wait3A_200 = tpu.memref_slice %arg13[%add3A_123, %dma_wait3A_199] : memref<10112x32xf32, #tpu.memory_space<vmem_shared>> -> memref<128x32xf32, #tpu.memory_space<vmem_shared>>
      tpu.wait_dma2 semaphore(%run_scoped3A : memref<!tpu.dma_semaphore, #tpu.memory_space<semaphore_mem>>) src(%arg10 : memref<128x32xf32, #tpu.memory_space<vmem>>) dst(%dma_wait3A_200 : memref<128x32xf32, #tpu.memory_space<vmem_shared>>)
      tpu.yield
    }) : () -> ()
    %mul3A_124 = arith.constant 632 : i32
    %mul3A_125 = arith.muli %arg1, %mul3A_124 : i32
    %add3A_126 = arith.constant 512 : i32
    %add3A_127 = arith.addi %mul3A_125, %add3A_126 : i32
    "tpu.region"() ({
      %run_scoped3A = tpu.sem_alloc : memref<!tpu.dma_semaphore, #tpu.memory_space<semaphore_mem>>
      %dma_start3A_193 = arith.constant 0 : i32
      %dma_start3A_194 = arith.constant 0 : i32
      %dma_start3A_195 = tpu.memref_slice %arg10[%dma_start3A_193, %dma_start3A_194] : memref<128x32xf32, #tpu.memory_space<vmem>> -> memref<120x32xf32, #tpu.memory_space<vmem>>
      %dma_start3A_196 = arith.constant 0 : i32
      %dma_start3A_197 = tpu.memref_slice %arg13[%add3A_127, %dma_start3A_196] : memref<10112x32xf32, #tpu.memory_space<vmem_shared>> -> memref<120x32xf32, #tpu.memory_space<vmem_shared>>
      %dma_start3A_198 = arith.constant 0 : i32
      %dma_start3A_199 = tpu.memref_slice %arg13[%add3A_127, %dma_start3A_198] : memref<10112x32xf32, #tpu.memory_space<vmem_shared>> -> memref<120x32xf32, #tpu.memory_space<vmem_shared>>
      %dma_start3A_200 = arith.constant 0 : i32
      %dma_start3A_201 = arith.constant 0 : i32
      %dma_start3A_202 = tpu.memref_slice %arg10[%dma_start3A_200, %dma_start3A_201] : memref<128x32xf32, #tpu.memory_space<vmem>> -> memref<120x32xf32, #tpu.memory_space<vmem>>
      tpu.enqueue_dma source(%dma_start3A_202 : memref<120x32xf32, #tpu.memory_space<vmem>>) target(%dma_start3A_199 : memref<120x32xf32, #tpu.memory_space<vmem_shared>>) target_semaphore(%run_scoped3A : memref<!tpu.dma_semaphore, #tpu.memory_space<semaphore_mem>>)
      %dma_wait3A_203 = arith.constant 0 : i32
      %dma_wait3A_204 = arith.constant 0 : i32
      %dma_wait3A_205 = tpu.memref_slice %arg10[%dma_wait3A_203, %dma_wait3A_204] : memref<128x32xf32, #tpu.memory_space<vmem>> -> memref<120x32xf32, #tpu.memory_space<vmem>>
      %dma_wait3A_206 = arith.constant 0 : i32
      %dma_wait3A_207 = tpu.memref_slice %arg13[%add3A_127, %dma_wait3A_206] : memref<10112x32xf32, #tpu.memory_space<vmem_shared>> -> memref<120x32xf32, #tpu.memory_space<vmem_shared>>
      %dma_wait3A_208 = arith.constant 0 : i32
      %dma_wait3A_209 = tpu.memref_slice %arg13[%add3A_127, %dma_wait3A_208] : memref<10112x32xf32, #tpu.memory_space<vmem_shared>> -> memref<120x32xf32, #tpu.memory_space<vmem_shared>>
      %dma_wait3A_210 = arith.constant 0 : i32
      %dma_wait3A_211 = arith.constant 0 : i32
      %dma_wait3A_212 = tpu.memref_slice %arg10[%dma_wait3A_210, %dma_wait3A_211] : memref<128x32xf32, #tpu.memory_space<vmem>> -> memref<120x32xf32, #tpu.memory_space<vmem>>
      tpu.wait_dma2 semaphore(%run_scoped3A : memref<!tpu.dma_semaphore, #tpu.memory_space<semaphore_mem>>) src(%dma_wait3A_212 : memref<120x32xf32, #tpu.memory_space<vmem>>) dst(%dma_wait3A_209 : memref<120x32xf32, #tpu.memory_space<vmem_shared>>)
      tpu.yield
    }) : () -> ()
    %mul3A_128 = arith.constant 2 : i32
    %mul3A_129 = arith.muli %mul3A_128, %arg0 : i32
    %add3A_130 = arith.constant 1 : i32
    %add3A_131 = arith.addi %mul3A_129, %add3A_130 : i32
    %mul3A_132 = arith.constant 32 : i32
    %mul3A_133 = arith.muli %add3A_131, %mul3A_132 : i32
    %mul3A_134 = arith.constant 625 : i32
    %mul3A_135 = arith.muli %arg1, %mul3A_134 : i32
    %mul3A_136 = arith.constant 625 : i32
    %mul3A_137 = arith.muli %arg1, %mul3A_136 : i32
    "tpu.region"() ({
      %run_scoped3A = tpu.sem_alloc : memref<!tpu.dma_semaphore, #tpu.memory_space<semaphore_mem>>
      %dma_start3A_193 = arith.constant 0 : i32
      %dma_start3A_194 = tpu.memref_slice %arg11[%mul3A_137, %dma_start3A_193] : memref<10000x32xf32, #tpu.memory_space<vmem_shared>> -> memref<625x32xf32, #tpu.memory_space<vmem_shared>>
      %dma_start3A_195 = tpu.memref_slice %arg2[%mul3A_135, %mul3A_133] : memref<10000x128xf32, #tpu.memory_space<hbm>> -> memref<625x32xf32, #tpu.memory_space<hbm>>
      tpu.enqueue_dma source(%dma_start3A_195 : memref<625x32xf32, #tpu.memory_space<hbm>>) target(%dma_start3A_194 : memref<625x32xf32, #tpu.memory_space<vmem_shared>>) target_semaphore(%run_scoped3A : memref<!tpu.dma_semaphore, #tpu.memory_space<semaphore_mem>>)
      %dma_wait3A_196 = arith.constant 0 : i32
      %dma_wait3A_197 = tpu.memref_slice %arg11[%mul3A_137, %dma_wait3A_196] : memref<10000x32xf32, #tpu.memory_space<vmem_shared>> -> memref<625x32xf32, #tpu.memory_space<vmem_shared>>
      %dma_wait3A_198 = tpu.memref_slice %arg2[%mul3A_135, %mul3A_133] : memref<10000x128xf32, #tpu.memory_space<hbm>> -> memref<625x32xf32, #tpu.memory_space<hbm>>
      tpu.wait_dma2 semaphore(%run_scoped3A : memref<!tpu.dma_semaphore, #tpu.memory_space<semaphore_mem>>) src(%dma_wait3A_198 : memref<625x32xf32, #tpu.memory_space<hbm>>) dst(%dma_wait3A_197 : memref<625x32xf32, #tpu.memory_space<vmem_shared>>)
      tpu.yield
    }) : () -> ()
    %barrier3A_138 = arith.constant 0 : index
    tpu.barrier barrier_id(%barrier3A_138)
    %dma_start3A_139 = arith.constant 0 : i32
    %dma_start3A_140 = arith.constant 0 : i32
    %dma_start3A_141 = tpu.memref_slice %arg6[%dma_start3A_139, %dma_start3A_140] : memref<160x128xi32, #tpu.memory_space<vmem>> -> memref<1x128xi32, #tpu.memory_space<vmem>>
    %dma_start3A_142 = tpu.memref_squeeze %dma_start3A_141 : memref<1x128xi32, #tpu.memory_space<vmem>> -> memref<128xi32, #tpu.memory_space<vmem>>
    %dma_start3A_143 = arith.constant 0 : i32
    %dma_start3A_144 = arith.constant 0 : i32
    %dma_start3A_145 = tpu.memref_slice %arg11[%dma_start3A_143, %dma_start3A_144] : memref<10000x32xf32, #tpu.memory_space<vmem_shared>> -> memref<10000x32xf32, #tpu.memory_space<vmem_shared>>
    tpu.enqueue_indirect_dma source(%dma_start3A_145 : memref<10000x32xf32, #tpu.memory_space<vmem_shared>>) target(%arg8 : memref<128x32xf32, #tpu.memory_space<vmem>>) offsets(%dma_start3A_142 : memref<128xi32, #tpu.memory_space<vmem>>) semaphore(%arg14 : memref<!tpu.dma_semaphore, #tpu.memory_space<semaphore_mem>>)
    %dma_start3A_146 = arith.constant 1 : i32
    %dma_start3A_147 = arith.constant 0 : i32
    %dma_start3A_148 = tpu.memref_slice %arg6[%dma_start3A_146, %dma_start3A_147] : memref<160x128xi32, #tpu.memory_space<vmem>> -> memref<1x128xi32, #tpu.memory_space<vmem>>
    %dma_start3A_149 = tpu.memref_squeeze %dma_start3A_148 : memref<1x128xi32, #tpu.memory_space<vmem>> -> memref<128xi32, #tpu.memory_space<vmem>>
    %dma_start3A_150 = arith.constant 0 : i32
    %dma_start3A_151 = arith.constant 0 : i32
    %dma_start3A_152 = tpu.memref_slice %arg11[%dma_start3A_150, %dma_start3A_151] : memref<10000x32xf32, #tpu.memory_space<vmem_shared>> -> memref<10000x32xf32, #tpu.memory_space<vmem_shared>>
    tpu.enqueue_indirect_dma source(%dma_start3A_152 : memref<10000x32xf32, #tpu.memory_space<vmem_shared>>) target(%arg9 : memref<128x32xf32, #tpu.memory_space<vmem>>) offsets(%dma_start3A_149 : memref<128xi32, #tpu.memory_space<vmem>>) semaphore(%arg15 : memref<!tpu.dma_semaphore, #tpu.memory_space<semaphore_mem>>)
    %scan3A_153 = arith.constant 0 : i32
    %scan3A_154 = arith.constant 0 : i32
    %scan3A_155 = arith.constant 80 : i32
    %scan3A_156 = arith.addi %scan3A_154, %scan3A_155 : i32
    %scan3A_157 = arith.constant 1 : i32
    %scan3A_158 = scf.for %scan3A_193 = %scan3A_154 to %scan3A_156 step %scan3A_157 iter_args(%scan3A_194 = %scan3A_153) -> (i32)  : i32 {
      %mul3A_195 = arith.constant 2 : i32
      %mul3A_196 = arith.muli %mul3A_195, %scan3A_193 : i32
      %add3A_197 = arith.constant 1 : i32
      %add3A_198 = arith.addi %mul3A_196, %add3A_197 : i32
      %dma_wait3A_199 = arith.constant 0 : i32
      %dma_wait3A_200 = tpu.memref_slice %arg6[%mul3A_196, %dma_wait3A_199] : memref<160x128xi32, #tpu.memory_space<vmem>> -> memref<1x128xi32, #tpu.memory_space<vmem>>
      %dma_wait3A_201 = tpu.memref_squeeze %dma_wait3A_200 : memref<1x128xi32, #tpu.memory_space<vmem>> -> memref<128xi32, #tpu.memory_space<vmem>>
      %dma_wait3A_202 = arith.constant 0 : i32
      %dma_wait3A_203 = arith.constant 0 : i32
      %dma_wait3A_204 = tpu.memref_slice %arg11[%dma_wait3A_202, %dma_wait3A_203] : memref<10000x32xf32, #tpu.memory_space<vmem_shared>> -> memref<10000x32xf32, #tpu.memory_space<vmem_shared>>
      tpu.wait_indirect_dma semaphore(%arg14 : memref<!tpu.dma_semaphore, #tpu.memory_space<semaphore_mem>>) src(%dma_wait3A_204 : memref<10000x32xf32, #tpu.memory_space<vmem_shared>>) dst(%arg8 : memref<128x32xf32, #tpu.memory_space<vmem>>)
      "tpu.region"() ({
        %run_scoped3A = tpu.sem_alloc : memref<!tpu.dma_semaphore, #tpu.memory_space<semaphore_mem>>
        %dma_start3A_231 = arith.constant 0 : i32
        %dma_start3A_232 = tpu.memref_slice %arg7[%mul3A_196, %dma_start3A_231] : memref<160x128xi32, #tpu.memory_space<vmem>> -> memref<1x128xi32, #tpu.memory_space<vmem>>
        %dma_start3A_233 = tpu.memref_squeeze %dma_start3A_232 : memref<1x128xi32, #tpu.memory_space<vmem>> -> memref<128xi32, #tpu.memory_space<vmem>>
        %dma_start3A_234 = arith.constant 0 : i32
        %dma_start3A_235 = arith.constant 0 : i32
        %dma_start3A_236 = tpu.memref_slice %arg13[%dma_start3A_234, %dma_start3A_235] : memref<10112x32xf32, #tpu.memory_space<vmem_shared>> -> memref<10112x32xf32, #tpu.memory_space<vmem_shared>>
        tpu.enqueue_indirect_dma source(%arg8 : memref<128x32xf32, #tpu.memory_space<vmem>>) target(%dma_start3A_236 : memref<10112x32xf32, #tpu.memory_space<vmem_shared>>) offsets(%dma_start3A_233 : memref<128xi32, #tpu.memory_space<vmem>>) semaphore(%run_scoped3A : memref<!tpu.dma_semaphore, #tpu.memory_space<semaphore_mem>>) {add = true}
        %dma_wait3A_237 = arith.constant 0 : i32
        %dma_wait3A_238 = tpu.memref_slice %arg7[%mul3A_196, %dma_wait3A_237] : memref<160x128xi32, #tpu.memory_space<vmem>> -> memref<1x128xi32, #tpu.memory_space<vmem>>
        %dma_wait3A_239 = tpu.memref_squeeze %dma_wait3A_238 : memref<1x128xi32, #tpu.memory_space<vmem>> -> memref<128xi32, #tpu.memory_space<vmem>>
        %dma_wait3A_240 = arith.constant 0 : i32
        %dma_wait3A_241 = arith.constant 0 : i32
        %dma_wait3A_242 = tpu.memref_slice %arg13[%dma_wait3A_240, %dma_wait3A_241] : memref<10112x32xf32, #tpu.memory_space<vmem_shared>> -> memref<10112x32xf32, #tpu.memory_space<vmem_shared>>
        tpu.wait_indirect_dma semaphore(%run_scoped3A : memref<!tpu.dma_semaphore, #tpu.memory_space<semaphore_mem>>) src(%arg8 : memref<128x32xf32, #tpu.memory_space<vmem>>) dst(%dma_wait3A_242 : memref<10112x32xf32, #tpu.memory_space<vmem_shared>>)
        tpu.yield
      }) : () -> ()
      %add3A_205 = arith.constant 2 : i32
      %add3A_206 = arith.addi %mul3A_196, %add3A_205 : i32
      %min3A = arith.constant 158 : i32
      %min3A_207 = arith.minsi %add3A_206, %min3A : i32
      %dma_start3A_208 = arith.constant 0 : i32
      %dma_start3A_209 = tpu.memref_slice %arg6[%min3A_207, %dma_start3A_208] : memref<160x128xi32, #tpu.memory_space<vmem>> -> memref<1x128xi32, #tpu.memory_space<vmem>>
      %dma_start3A_210 = tpu.memref_squeeze %dma_start3A_209 : memref<1x128xi32, #tpu.memory_space<vmem>> -> memref<128xi32, #tpu.memory_space<vmem>>
      %dma_start3A_211 = arith.constant 0 : i32
      %dma_start3A_212 = arith.constant 0 : i32
      %dma_start3A_213 = tpu.memref_slice %arg11[%dma_start3A_211, %dma_start3A_212] : memref<10000x32xf32, #tpu.memory_space<vmem_shared>> -> memref<10000x32xf32, #tpu.memory_space<vmem_shared>>
      tpu.enqueue_indirect_dma source(%dma_start3A_213 : memref<10000x32xf32, #tpu.memory_space<vmem_shared>>) target(%arg8 : memref<128x32xf32, #tpu.memory_space<vmem>>) offsets(%dma_start3A_210 : memref<128xi32, #tpu.memory_space<vmem>>) semaphore(%arg14 : memref<!tpu.dma_semaphore, #tpu.memory_space<semaphore_mem>>)
      %dma_wait3A_214 = arith.constant 0 : i32
      %dma_wait3A_215 = tpu.memref_slice %arg6[%add3A_198, %dma_wait3A_214] : memref<160x128xi32, #tpu.memory_space<vmem>> -> memref<1x128xi32, #tpu.memory_space<vmem>>
      %dma_wait3A_216 = tpu.memref_squeeze %dma_wait3A_215 : memref<1x128xi32, #tpu.memory_space<vmem>> -> memref<128xi32, #tpu.memory_space<vmem>>
      %dma_wait3A_217 = arith.constant 0 : i32
      %dma_wait3A_218 = arith.constant 0 : i32
      %dma_wait3A_219 = tpu.memref_slice %arg11[%dma_wait3A_217, %dma_wait3A_218] : memref<10000x32xf32, #tpu.memory_space<vmem_shared>> -> memref<10000x32xf32, #tpu.memory_space<vmem_shared>>
      tpu.wait_indirect_dma semaphore(%arg15 : memref<!tpu.dma_semaphore, #tpu.memory_space<semaphore_mem>>) src(%dma_wait3A_219 : memref<10000x32xf32, #tpu.memory_space<vmem_shared>>) dst(%arg9 : memref<128x32xf32, #tpu.memory_space<vmem>>)
      "tpu.region"() ({
        %run_scoped3A = tpu.sem_alloc : memref<!tpu.dma_semaphore, #tpu.memory_space<semaphore_mem>>
        %dma_start3A_231 = arith.constant 0 : i32
        %dma_start3A_232 = tpu.memref_slice %arg7[%add3A_198, %dma_start3A_231] : memref<160x128xi32, #tpu.memory_space<vmem>> -> memref<1x128xi32, #tpu.memory_space<vmem>>
        %dma_start3A_233 = tpu.memref_squeeze %dma_start3A_232 : memref<1x128xi32, #tpu.memory_space<vmem>> -> memref<128xi32, #tpu.memory_space<vmem>>
        %dma_start3A_234 = arith.constant 0 : i32
        %dma_start3A_235 = arith.constant 0 : i32
        %dma_start3A_236 = tpu.memref_slice %arg13[%dma_start3A_234, %dma_start3A_235] : memref<10112x32xf32, #tpu.memory_space<vmem_shared>> -> memref<10112x32xf32, #tpu.memory_space<vmem_shared>>
        tpu.enqueue_indirect_dma source(%arg9 : memref<128x32xf32, #tpu.memory_space<vmem>>) target(%dma_start3A_236 : memref<10112x32xf32, #tpu.memory_space<vmem_shared>>) offsets(%dma_start3A_233 : memref<128xi32, #tpu.memory_space<vmem>>) semaphore(%run_scoped3A : memref<!tpu.dma_semaphore, #tpu.memory_space<semaphore_mem>>) {add = true}
        %dma_wait3A_237 = arith.constant 0 : i32
        %dma_wait3A_238 = tpu.memref_slice %arg7[%add3A_198, %dma_wait3A_237] : memref<160x128xi32, #tpu.memory_space<vmem>> -> memref<1x128xi32, #tpu.memory_space<vmem>>
        %dma_wait3A_239 = tpu.memref_squeeze %dma_wait3A_238 : memref<1x128xi32, #tpu.memory_space<vmem>> -> memref<128xi32, #tpu.memory_space<vmem>>
        %dma_wait3A_240 = arith.constant 0 : i32
        %dma_wait3A_241 = arith.constant 0 : i32
        %dma_wait3A_242 = tpu.memref_slice %arg13[%dma_wait3A_240, %dma_wait3A_241] : memref<10112x32xf32, #tpu.memory_space<vmem_shared>> -> memref<10112x32xf32, #tpu.memory_space<vmem_shared>>
        tpu.wait_indirect_dma semaphore(%run_scoped3A : memref<!tpu.dma_semaphore, #tpu.memory_space<semaphore_mem>>) src(%arg9 : memref<128x32xf32, #tpu.memory_space<vmem>>) dst(%dma_wait3A_242 : memref<10112x32xf32, #tpu.memory_space<vmem_shared>>)
        tpu.yield
      }) : () -> ()
      %add3A_220 = arith.constant 2 : i32
      %add3A_221 = arith.addi %add3A_198, %add3A_220 : i32
      %min3A_222 = arith.constant 159 : i32
      %min3A_223 = arith.minsi %add3A_221, %min3A_222 : i32
      %dma_start3A_224 = arith.constant 0 : i32
      %dma_start3A_225 = tpu.memref_slice %arg6[%min3A_223, %dma_start3A_224] : memref<160x128xi32, #tpu.memory_space<vmem>> -> memref<1x128xi32, #tpu.memory_space<vmem>>
      %dma_start3A_226 = tpu.memref_squeeze %dma_start3A_225 : memref<1x128xi32, #tpu.memory_space<vmem>> -> memref<128xi32, #tpu.memory_space<vmem>>
      %dma_start3A_227 = arith.constant 0 : i32
      %dma_start3A_228 = arith.constant 0 : i32
      %dma_start3A_229 = tpu.memref_slice %arg11[%dma_start3A_227, %dma_start3A_228] : memref<10000x32xf32, #tpu.memory_space<vmem_shared>> -> memref<10000x32xf32, #tpu.memory_space<vmem_shared>>
      tpu.enqueue_indirect_dma source(%dma_start3A_229 : memref<10000x32xf32, #tpu.memory_space<vmem_shared>>) target(%arg9 : memref<128x32xf32, #tpu.memory_space<vmem>>) offsets(%dma_start3A_226 : memref<128xi32, #tpu.memory_space<vmem>>) semaphore(%arg15 : memref<!tpu.dma_semaphore, #tpu.memory_space<semaphore_mem>>)
      %scan3A_230 = arith.constant 0 : i32
      scf.yield %scan3A_230 : i32
    }
    %scan3A_159 = arith.constant 80 : i32
    %dma_wait3A_160 = arith.constant 158 : i32
    %dma_wait3A_161 = arith.constant 0 : i32
    %dma_wait3A_162 = tpu.memref_slice %arg6[%dma_wait3A_160, %dma_wait3A_161] : memref<160x128xi32, #tpu.memory_space<vmem>> -> memref<1x128xi32, #tpu.memory_space<vmem>>
    %dma_wait3A_163 = tpu.memref_squeeze %dma_wait3A_162 : memref<1x128xi32, #tpu.memory_space<vmem>> -> memref<128xi32, #tpu.memory_space<vmem>>
    %dma_wait3A_164 = arith.constant 0 : i32
    %dma_wait3A_165 = arith.constant 0 : i32
    %dma_wait3A_166 = tpu.memref_slice %arg11[%dma_wait3A_164, %dma_wait3A_165] : memref<10000x32xf32, #tpu.memory_space<vmem_shared>> -> memref<10000x32xf32, #tpu.memory_space<vmem_shared>>
    tpu.wait_indirect_dma semaphore(%arg14 : memref<!tpu.dma_semaphore, #tpu.memory_space<semaphore_mem>>) src(%dma_wait3A_166 : memref<10000x32xf32, #tpu.memory_space<vmem_shared>>) dst(%arg8 : memref<128x32xf32, #tpu.memory_space<vmem>>)
    %dma_wait3A_167 = arith.constant 159 : i32
    %dma_wait3A_168 = arith.constant 0 : i32
    %dma_wait3A_169 = tpu.memref_slice %arg6[%dma_wait3A_167, %dma_wait3A_168] : memref<160x128xi32, #tpu.memory_space<vmem>> -> memref<1x128xi32, #tpu.memory_space<vmem>>
    %dma_wait3A_170 = tpu.memref_squeeze %dma_wait3A_169 : memref<1x128xi32, #tpu.memory_space<vmem>> -> memref<128xi32, #tpu.memory_space<vmem>>
    %dma_wait3A_171 = arith.constant 0 : i32
    %dma_wait3A_172 = arith.constant 0 : i32
    %dma_wait3A_173 = tpu.memref_slice %arg11[%dma_wait3A_171, %dma_wait3A_172] : memref<10000x32xf32, #tpu.memory_space<vmem_shared>> -> memref<10000x32xf32, #tpu.memory_space<vmem_shared>>
    tpu.wait_indirect_dma semaphore(%arg15 : memref<!tpu.dma_semaphore, #tpu.memory_space<semaphore_mem>>) src(%dma_wait3A_173 : memref<10000x32xf32, #tpu.memory_space<vmem_shared>>) dst(%arg9 : memref<128x32xf32, #tpu.memory_space<vmem>>)
    %barrier3A_174 = arith.constant 0 : index
    tpu.barrier barrier_id(%barrier3A_174)
    %mul3A_175 = arith.constant 632 : i32
    %mul3A_176 = arith.muli %arg1, %mul3A_175 : i32
    %mul3A_177 = arith.constant 632 : i32
    %mul3A_178 = arith.muli %arg1, %mul3A_177 : i32
    %dma_start3A_179 = tpu.memref_slice %arg5[%mul3A_178, %mul3A_133] : memref<10112x128xf32, #tpu.memory_space<hbm>> -> memref<632x32xf32, #tpu.memory_space<hbm>>
    %dma_start3A_180 = arith.constant 0 : i32
    %dma_start3A_181 = tpu.memref_slice %arg13[%mul3A_176, %dma_start3A_180] : memref<10112x32xf32, #tpu.memory_space<vmem_shared>> -> memref<632x32xf32, #tpu.memory_space<vmem_shared>>
    tpu.enqueue_dma source(%dma_start3A_181 : memref<632x32xf32, #tpu.memory_space<vmem_shared>>) target(%dma_start3A_179 : memref<632x32xf32, #tpu.memory_space<hbm>>) target_semaphore(%arg16 : memref<!tpu.dma_semaphore, #tpu.memory_space<semaphore_mem>>)
    %dma_wait3A_182 = tpu.memref_slice %arg5[%mul3A_178, %mul3A_133] : memref<10112x128xf32, #tpu.memory_space<hbm>> -> memref<632x32xf32, #tpu.memory_space<hbm>>
    %dma_wait3A_183 = arith.constant 0 : i32
    %dma_wait3A_184 = tpu.memref_slice %arg13[%mul3A_176, %dma_wait3A_183] : memref<10112x32xf32, #tpu.memory_space<vmem_shared>> -> memref<632x32xf32, #tpu.memory_space<vmem_shared>>
    tpu.wait_dma2 semaphore(%arg16 : memref<!tpu.dma_semaphore, #tpu.memory_space<semaphore_mem>>) src(%dma_wait3A_184 : memref<632x32xf32, #tpu.memory_space<vmem_shared>>) dst(%dma_wait3A_182 : memref<632x32xf32, #tpu.memory_space<hbm>>)
    %mul3A_185 = arith.constant 632 : i32
    %mul3A_186 = arith.muli %arg1, %mul3A_185 : i32
    %mul3A_187 = arith.constant 632 : i32
    %mul3A_188 = arith.muli %arg1, %mul3A_187 : i32
    %dma_wait3A_189 = arith.constant 0 : i32
    %dma_wait3A_190 = tpu.memref_slice %arg5[%mul3A_188, %dma_wait3A_189] : memref<10112x128xf32, #tpu.memory_space<hbm>> -> memref<632x32xf32, #tpu.memory_space<hbm>>
    %dma_wait3A_191 = arith.constant 0 : i32
    %dma_wait3A_192 = tpu.memref_slice %arg12[%mul3A_186, %dma_wait3A_191] : memref<10112x32xf32, #tpu.memory_space<vmem_shared>> -> memref<632x32xf32, #tpu.memory_space<vmem_shared>>
    tpu.wait_dma2 semaphore(%arg16 : memref<!tpu.dma_semaphore, #tpu.memory_space<semaphore_mem>>) src(%dma_wait3A_192 : memref<632x32xf32, #tpu.memory_space<vmem_shared>>) dst(%dma_wait3A_190 : memref<632x32xf32, #tpu.memory_space<hbm>>)
    return
  }
}

module attributes {stable_mosaic.version = 14 : i64} {
  func.func @_dinv_body(%arg0: memref<32x10112xf32, #tpu.memory_space<vmem>>, %arg1: memref<1x10112xf32, #tpu.memory_space<vmem>>) attributes {dimension_semantics = [], scalar_prefetch = 0 : i64, scratch_operands = 0 : i64, tpu.core_type = #tpu.core_type<tc>} {
    %get3A = arith.constant 0 : index
    %get3A_0 = arith.constant 0 : index
    %get3A_1 = vector.load %arg0[%get3A, %get3A_0] : memref<32x10112xf32, #tpu.memory_space<vmem>>, vector<32x10112xf32>
    %reduce_sum3A = arith.constant dense<0.000000e+00> : vector<10112xf32>
    %reduce_sum3A_2 = vector.multi_reduction <add>, %get3A_1, %reduce_sum3A [0] : vector<32x10112xf32> to vector<10112xf32>
    %broadcast_in_dim3A = vector.shape_cast %reduce_sum3A_2 : vector<10112xf32> to vector<1x10112xf32>
    %add3A = arith.constant 1.000000e+00 : f32
    %add3A_3 = vector.broadcast %add3A : f32 to vector<1x10112xf32>
    %add3A_4 = arith.addf %broadcast_in_dim3A, %add3A_3 : vector<1x10112xf32>
    %rsqrt3A = math.rsqrt %add3A_4 : vector<1x10112xf32>
    %swap3A = arith.constant 0 : index
    %swap3A_5 = arith.constant 0 : index
    %swap3A_6 = vector.load %arg1[%swap3A, %swap3A_5] : memref<1x10112xf32, #tpu.memory_space<vmem>>, vector<1x10112xf32>
    tpu.vector_store %arg1[%swap3A, %swap3A_5], %rsqrt3A {strides = array<i32>} : memref<1x10112xf32, #tpu.memory_space<vmem>>, vector<1x10112xf32>,
    return
  }
}

module attributes {stable_mosaic.version = 14 : i64} {
  func.func @_scale_mm_body(%arg0: memref<10000x128xf32, #tpu.memory_space<vmem>>, %arg1: memref<128x128xf32, #tpu.memory_space<vmem>>, %arg2: memref<10000x1xf32, #tpu.memory_space<vmem>>, %arg3: memref<10000x128xf32, #tpu.memory_space<vmem>>) attributes {dimension_semantics = [], scalar_prefetch = 0 : i64, scratch_operands = 0 : i64, tpu.core_type = #tpu.core_type<tc>} {
    %get3A = arith.constant 0 : index
    %get3A_0 = arith.constant 0 : index
    %get3A_1 = vector.load %arg0[%get3A, %get3A_0] : memref<10000x128xf32, #tpu.memory_space<vmem>>, vector<10000x128xf32>
    %get3A_2 = arith.constant 0 : index
    %get3A_3 = arith.constant 0 : index
    %get3A_4 = vector.load %arg1[%get3A_2, %get3A_3] : memref<128x128xf32, #tpu.memory_space<vmem>>, vector<128x128xf32>
    %dot_general3A = arith.constant dense<0.000000e+00> : vector<10000x128xf32>
    %dot_general3A_5 = tpu.matmul %get3A_1, %get3A_4, %dot_general3A {dimension_numbers = #tpu.dot_dimension_numbers<[1], [0], [0], [1], [0, 0, 1, 1], [], []>, transpose_lhs_hint = false} : vector<10000x128xf32>, vector<128x128xf32>, vector<10000x128xf32> -> vector<10000x128xf32>
    %get3A_6 = arith.constant 0 : index
    %get3A_7 = arith.constant 0 : index
    %get3A_8 = vector.load %arg2[%get3A_6, %get3A_7] : memref<10000x1xf32, #tpu.memory_space<vmem>>, vector<10000x1xf32>
    %mul3A = vector.broadcast %get3A_8 : vector<10000x1xf32> to vector<10000x128xf32>
    %mul3A_9 = arith.mulf %dot_general3A_5, %mul3A : vector<10000x128xf32>
    %swap3A = arith.constant 0 : index
    %swap3A_10 = arith.constant 0 : index
    %swap3A_11 = vector.load %arg3[%swap3A, %swap3A_10] : memref<10000x128xf32, #tpu.memory_space<vmem>>, vector<10000x128xf32>
    tpu.vector_store %arg3[%swap3A, %swap3A_10], %mul3A_9 {strides = array<i32>} : memref<10000x128xf32, #tpu.memory_space<vmem>>, vector<10000x128xf32>,
    return
  }
}

module attributes {stable_mosaic.version = 14 : i64} {
  func.func @_mid_body(%arg0: memref<10112x128xf32, #tpu.memory_space<vmem>>, %arg1: memref<10000x128xf32, #tpu.memory_space<vmem>>, %arg2: memref<10000x1xf32, #tpu.memory_space<vmem>>, %arg3: memref<1x128xf32, #tpu.memory_space<vmem>>, %arg4: memref<1x128xf32, #tpu.memory_space<vmem>>, %arg5: memref<1x128xf32, #tpu.memory_space<vmem>>, %arg6: memref<128x128xf32, #tpu.memory_space<vmem>>, %arg7: memref<10000x128xf32, #tpu.memory_space<vmem>>) attributes {dimension_semantics = [], scalar_prefetch = 0 : i64, scratch_operands = 0 : i64, tpu.core_type = #tpu.core_type<tc>} {
    %get3A = arith.constant 0 : index
    %get3A_0 = arith.constant 0 : index
    %get3A_1 = vector.load %arg0[%get3A, %get3A_0] : memref<10112x128xf32, #tpu.memory_space<vmem>>, vector<10000x128xf32>
    %get3A_2 = arith.constant 0 : index
    %get3A_3 = arith.constant 0 : index
    %get3A_4 = vector.load %arg1[%get3A_2, %get3A_3] : memref<10000x128xf32, #tpu.memory_space<vmem>>, vector<10000x128xf32>
    %add3A = arith.addf %get3A_1, %get3A_4 : vector<10000x128xf32>
    %get3A_5 = arith.constant 0 : index
    %get3A_6 = arith.constant 0 : index
    %get3A_7 = vector.load %arg2[%get3A_5, %get3A_6] : memref<10000x1xf32, #tpu.memory_space<vmem>>, vector<10000x1xf32>
    %mul3A = vector.broadcast %get3A_7 : vector<10000x1xf32> to vector<10000x128xf32>
    %mul3A_8 = arith.mulf %add3A, %mul3A : vector<10000x128xf32>
    %get3A_9 = arith.constant 0 : index
    %get3A_10 = arith.constant 0 : index
    %get3A_11 = vector.load %arg3[%get3A_9, %get3A_10] : memref<1x128xf32, #tpu.memory_space<vmem>>, vector<1x128xf32>
    %add3A_12 = vector.broadcast %get3A_11 : vector<1x128xf32> to vector<10000x128xf32>
    %add3A_13 = arith.addf %mul3A_8, %add3A_12 : vector<10000x128xf32>
    %get3A_14 = arith.constant 0 : index
    %get3A_15 = arith.constant 0 : index
    %get3A_16 = vector.load %arg4[%get3A_14, %get3A_15] : memref<1x128xf32, #tpu.memory_space<vmem>>, vector<1x128xf32>
    %mul3A_17 = vector.broadcast %get3A_16 : vector<1x128xf32> to vector<10000x128xf32>
    %mul3A_18 = arith.mulf %add3A_13, %mul3A_17 : vector<10000x128xf32>
    %get3A_19 = arith.constant 0 : index
    %get3A_20 = arith.constant 0 : index
    %get3A_21 = vector.load %arg5[%get3A_19, %get3A_20] : memref<1x128xf32, #tpu.memory_space<vmem>>, vector<1x128xf32>
    %add3A_22 = vector.broadcast %get3A_21 : vector<1x128xf32> to vector<10000x128xf32>
    %add3A_23 = arith.addf %mul3A_18, %add3A_22 : vector<10000x128xf32>
    %max3A = arith.constant 0.000000e+00 : f32
    %max3A_24 = vector.broadcast %max3A : f32 to vector<10000x128xf32>
    %max3A_25 = arith.maximumf %add3A_23, %max3A_24 : vector<10000x128xf32>
    %get3A_26 = arith.constant 0 : index
    %get3A_27 = arith.constant 0 : index
    %get3A_28 = vector.load %arg6[%get3A_26, %get3A_27] : memref<128x128xf32, #tpu.memory_space<vmem>>, vector<128x128xf32>
    %dot_general3A = arith.constant dense<0.000000e+00> : vector<10000x128xf32>
    %dot_general3A_29 = tpu.matmul %max3A_25, %get3A_28, %dot_general3A {dimension_numbers = #tpu.dot_dimension_numbers<[1], [0], [0], [1], [0, 0, 1, 1], [], []>, transpose_lhs_hint = false} : vector<10000x128xf32>, vector<128x128xf32>, vector<10000x128xf32> -> vector<10000x128xf32>
    %get3A_30 = arith.constant 0 : index
    %get3A_31 = arith.constant 0 : index
    %get3A_32 = vector.load %arg2[%get3A_30, %get3A_31] : memref<10000x1xf32, #tpu.memory_space<vmem>>, vector<10000x1xf32>
    %mul3A_33 = vector.broadcast %get3A_32 : vector<10000x1xf32> to vector<10000x128xf32>
    %mul3A_34 = arith.mulf %dot_general3A_29, %mul3A_33 : vector<10000x128xf32>
    %swap3A = arith.constant 0 : index
    %swap3A_35 = arith.constant 0 : index
    %swap3A_36 = vector.load %arg7[%swap3A, %swap3A_35] : memref<10000x128xf32, #tpu.memory_space<vmem>>, vector<10000x128xf32>
    tpu.vector_store %arg7[%swap3A, %swap3A_35], %mul3A_34 {strides = array<i32>} : memref<10000x128xf32, #tpu.memory_space<vmem>>, vector<10000x128xf32>,
    return
  }
}

module attributes {stable_mosaic.version = 14 : i64} {
  func.func @_final_body(%arg0: memref<10112x128xf32, #tpu.memory_space<vmem>>, %arg1: memref<10000x128xf32, #tpu.memory_space<vmem>>, %arg2: memref<10000x1xf32, #tpu.memory_space<vmem>>, %arg3: memref<1x128xf32, #tpu.memory_space<vmem>>, %arg4: memref<10000x128xf32, #tpu.memory_space<vmem>>) attributes {dimension_semantics = [], scalar_prefetch = 0 : i64, scratch_operands = 0 : i64, tpu.core_type = #tpu.core_type<tc>} {
    %get3A = arith.constant 0 : index
    %get3A_0 = arith.constant 0 : index
    %get3A_1 = vector.load %arg0[%get3A, %get3A_0] : memref<10112x128xf32, #tpu.memory_space<vmem>>, vector<10000x128xf32>
    %get3A_2 = arith.constant 0 : index
    %get3A_3 = arith.constant 0 : index
    %get3A_4 = vector.load %arg1[%get3A_2, %get3A_3] : memref<10000x128xf32, #tpu.memory_space<vmem>>, vector<10000x128xf32>
    %add3A = arith.addf %get3A_1, %get3A_4 : vector<10000x128xf32>
    %get3A_5 = arith.constant 0 : index
    %get3A_6 = arith.constant 0 : index
    %get3A_7 = vector.load %arg2[%get3A_5, %get3A_6] : memref<10000x1xf32, #tpu.memory_space<vmem>>, vector<10000x1xf32>
    %mul3A = vector.broadcast %get3A_7 : vector<10000x1xf32> to vector<10000x128xf32>
    %mul3A_8 = arith.mulf %add3A, %mul3A : vector<10000x128xf32>
    %get3A_9 = arith.constant 0 : index
    %get3A_10 = arith.constant 0 : index
    %get3A_11 = vector.load %arg3[%get3A_9, %get3A_10] : memref<1x128xf32, #tpu.memory_space<vmem>>, vector<1x128xf32>
    %add3A_12 = vector.broadcast %get3A_11 : vector<1x128xf32> to vector<10000x128xf32>
    %add3A_13 = arith.addf %mul3A_8, %add3A_12 : vector<10000x128xf32>
    %swap3A = arith.constant 0 : index
    %swap3A_14 = arith.constant 0 : index
    %swap3A_15 = vector.load %arg4[%swap3A, %swap3A_14] : memref<10000x128xf32, #tpu.memory_space<vmem>>, vector<10000x128xf32>
    tpu.vector_store %arg4[%swap3A, %swap3A_14], %add3A_13 {strides = array<i32>} : memref<10000x128xf32, #tpu.memory_space<vmem>>, vector<10000x128xf32>,
    return
  }
}

</mosaic_0001>

<sc_bundles>
// kernel: kernel.12.cloned.1.call-start
scs
__scs_entry_jumppad:
0x0: {  	(pc) =	sbr.rel $0x88, $3  }
0x1: {  	(tag) =	ssettag $0x0;
	lr =	simm.s32 $0x1  }
0x2: {  	[smem:$0x3F99] =	sst lr;
	_ =	strace $0xD0000000  }
0x3: {  	_ = 	snop  }
0x4: {  	_ = 	snop  }
0x5: {  	_ = 	snop  }
0x6: {  	_ = 	snop  }
0x7: {  	_ = 	snop  }
__scs_overlays_trampoline_lowered:
0x8: {  	[smem:$0x3FA8] =	sst s0  }
0x9: {  	[smem:$0x3FA9] =	sst s1  }
0xa: {  	[smem:$0x3FAA] =	sst s2  }
0xb: {  	[smem:$0x3FAB] =	sst s3  }
0xc: {  	[smem:$0x3FAC] =	sst s4  }
0xd: {  	[smem:$0x3FAD] =	sst s5  }
0xe: {  	[smem:$0x3FAE] =	sst s6  }
0xf: {  	[smem:$0x3FAF] =	sst s7  }
0x10: {  	[smem:$0x3FB0] =	sst s8  }
0x11: {  	[smem:$0x3FB1] =	sst s9;
	s0 =	simm.s32 @!p0 $0x0  }
0x12: {  	s1 =	sld [smem:$0x3F97];
	s0 =	simm.s32 @p0 $0x1  }
0x13: {  	[smem:$0x3FB2] =	sst s0;
	s0 =	simm.s32 @!p1 $0x0  }
0x14: {  	s2 =	sld [smem:$0x3F96];
	s0 =	simm.s32 @p1 $0x1  }
0x15: {  	[smem:$0x3FB3] =	sst s0;
	s0 =	simm.s32 @!p2 $0x0  }
0x16: {  	s3 =	sld [smem:$0x3FDB];
	s0 =	simm.s32 @p2 $0x1  }
0x17: {  	s4 =	simm.s32 $0x1BF5;
	[smem:$0x3FB5] =	sst s0  }
0x18: {  	s0 =	sld [smem:$0x3F98];
	_ =	swait.ge [sflag:s4], $0x0  }
0x19: {  	s7 =	sld [smem:$0x3F99]  }
0x1a: {  	s8 =	sadd.s32 $0xFFFFE003, lr  }
0x1b: {  	s9 =	sadd.s32 $0xFFFFFEF7, lr;
	s5 =	simm.s32 $0xFFFFFFFF;
	p2 =	slt.u32 s8, $0xFFFFF086  }
0x1c: {  	p1 =	slt.u32 s9, $0xF7A;
	s5 =	simm.s32 @!p2 $0x0  }
0x1d: {  	s5 =	simm.s32 @p1 $0x1;
	p0 =	seq.s32 s7, s2  }
0x1e: {  	s7 =	smul.u32 @!p0 $0xF7A, s2;
	p2 =	seq.s32 @!p0 s5, $0x0  }
0x1f: {  	s9 =	smul.u32 $0xF7A, s1;
	s8 =	simm.s32 @!p0 $0x1BF5;
	p2 =	por !p2, p0  }
0x20: {  	[sflag:s8] =	ssyncset.s32 @!p0 $0xFFFFF086;
	s6 =	sadd.s32 @!p0 s3, s7;
	s7 =	simm.s32 @!p0 $0x108  }
0x21: {  	s3 =	sadd.s32 s3, s9;
	s6 =	sadd.s32 @!p0 $0x88, s6;
	s7 =	simm.s32 @p2 $0x1082  }
0x22: {  	[simem:s7], [sflag:s8] =	dma.local @!p0 [hbm:s6], $0xF7A  }
0x23: {  	s9 =	sor.u32 $0xD0000000, s2;
	s6 =	simm.s32 $0x108;
	_ =	swait.ge @!p0 [sflag:s8], $0x0  }
0x24: {  	s3 =	sadd.s32 $0x88, s3;
	s6 =	simm.s32 @!p1 $0x1082;
	[sflag:s4] =	ssyncset.s32 $0xFFFFF086  }
0x25: {  	[simem:s6], [sflag:s4] =	dma.local [hbm:s3], $0xF7A  }
0x26: {  	[smem:$0x3F99] =	sst s1;
	(tag) =	ssettag s2;
	_ =	strace s9  }
0x27: {  	s1 =	sld [smem:$0x3FA9]  }
0x28: {  	s2 =	sld [smem:$0x3FAA]  }
0x29: {  	s4 =	sld [smem:$0x3FAC]  }
0x2a: {  	p0 =	seq.s32 s5, $0x0;
	s5 =	sld [smem:$0x3FAD]  }
0x2b: {  	s6 =	sld [smem:$0x3FAE]  }
0x2c: {  	s7 =	sld [smem:$0x3FAF]  }
0x2d: {  	s3 =	simm.s32 $0x108;
	s8 =	sld [smem:$0x3FB0]  }
0x2e: {  	s3 =	simm.s32 @!p0 $0x1082;
	s9 =	sld [smem:$0x3FB1]  }
0x2f: {  	lr =	sadd.s32 s0, s3;
	s0 =	sld [smem:$0x3FA8]  }
0x30: {  	s3 =	sld [smem:$0x3FAB]  }
0x31: {  	[smem:$0x3FB4] =	sst s10  }
0x32: {  	s10 =	sld [smem:$0x3FB2];
	_ =	sdelay $0x3  }
0x33: {  	p0 =	seq.s32 s10, $0x1;
	s10 =	sld [smem:$0x3FB4];
	_ =	sdelay $0x3  }
0x34: {  	[smem:$0x3FB4] =	sst s10  }
0x35: {  	s10 =	sld [smem:$0x3FB3];
	_ =	sdelay $0x3  }
0x36: {  	p1 =	seq.s32 s10, $0x1;
	s10 =	sld [smem:$0x3FB4];
	_ =	sdelay $0x3  }
0x37: {  	[smem:$0x3FB4] =	sst s10  }
0x38: {  	s10 =	sld [smem:$0x3FB5]  }
0x39: {  	_ = 	snop;
	(pc) =	sbr.ind lr, $3  }
0x3a: {  	_ = 	snop  }
0x3b: {  	_ = 	snop  }
0x3c: {  	p2 =	seq.s32 s10, $0x1;
	s10 =	sld [smem:$0x3FB4]  }
0x3d: {  	_ =	shalt  }
0x3e: {  	_ =	shalt  }
0x3f: {  	_ =	shalt  }
0x40: {  	_ =	shalt  }
0x41: {  	_ =	shalt  }
0x42: {  	_ =	shalt  }
0x43: {  	_ =	shalt  }
0x44: {  	_ =	shalt  }
0x45: {  	_ =	shalt  }
0x46: {  	_ =	shalt  }
0x47: {  	_ =	shalt  }
0x48: {  	_ =	shalt  }
0x49: {  	_ =	shalt  }
0x4a: {  	_ =	shalt  }
0x4b: {  	_ =	shalt  }
0x4c: {  	_ =	shalt  }
0x4d: {  	_ =	shalt  }
0x4e: {  	_ =	shalt  }
0x4f: {  	_ =	shalt  }
0x50: {  	_ =	shalt  }
0x51: {  	_ =	shalt  }
0x52: {  	_ =	shalt  }
0x53: {  	_ =	shalt  }
0x54: {  	_ =	shalt  }
0x55: {  	_ =	shalt  }
0x56: {  	_ =	shalt  }
0x57: {  	_ =	shalt  }
0x58: {  	_ =	shalt  }
0x59: {  	_ =	shalt  }
0x5a: {  	_ =	shalt  }
0x5b: {  	_ =	shalt  }
0x5c: {  	_ =	shalt  }
0x5d: {  	_ =	shalt  }
0x5e: {  	_ =	shalt  }
0x5f: {  	_ =	shalt  }
0x60: {  	_ =	shalt  }
0x61: {  	_ =	shalt  }
0x62: {  	_ =	shalt  }
0x63: {  	_ =	shalt  }
0x64: {  	_ =	shalt  }
0x65: {  	_ =	shalt  }
0x66: {  	_ =	shalt  }
0x67: {  	_ =	shalt  }
0x68: {  	_ =	shalt  }
0x69: {  	_ =	shalt  }
0x6a: {  	_ =	shalt  }
0x6b: {  	_ =	shalt  }
0x6c: {  	_ =	shalt  }
0x6d: {  	_ =	shalt  }
0x6e: {  	_ =	shalt  }
0x6f: {  	_ =	shalt  }
0x70: {  	_ =	shalt  }
0x71: {  	_ =	shalt  }
0x72: {  	_ =	shalt  }
0x73: {  	_ =	shalt  }
0x74: {  	_ =	shalt  }
0x75: {  	_ =	shalt  }
0x76: {  	_ =	shalt  }
0x77: {  	_ =	shalt  }
0x78: {  	_ =	shalt  }
0x79: {  	_ =	shalt  }
0x7a: {  	_ =	shalt  }
0x7b: {  	_ =	shalt  }
0x7c: {  	_ =	shalt  }
0x7d: {  	_ =	shalt  }
0x7e: {  	_ =	shalt  }
0x7f: {  	_ =	shalt  }
0x80: {  	_ =	shalt  }
0x81: {  	_ =	shalt  }
0x82: {  	_ =	shalt  }
0x83: {  	_ =	shalt  }
0x84: {  	_ =	shalt  }
0x85: {  	_ =	shalt  }
0x86: {  	_ =	shalt  }
0x87: {  	_ =	shalt  }
.Lfunc_end0:
.L_simem_size_0:
called_computation.1_lowered:
.L_overlay_start_0:
0x88: {  	s2 =	sld [smem:$0x3FD9]  }
0x89: {  	s3 =	sld [smem:$0x3FFE];
	_ =	sdelay $0x1  }
0x8a: {  	s1 =	srdreg.scid  }
0x8b: {  	s0 =	sand.u32 $0x1, s1  }
0x8c: {  	s17 =	sshll.u32 s0, $0xA;
	s2 =	sadd.s32 s3, s2  }
0x8d: {  	s2 =	sadd.s32 s2, s17  }
0x8e: {  	[smem:$0x3FC0] =	sst s2  }
0x8f: {  	_ = 	snop  }
0x90: {  	s2 =	sld [smem:$0x3FD0];
	(tm) =	ssettm $0x1  }
0x91: {  	s18 =	sld [smem:$0x3FFB];
	_ =	sdelay $0x3  }
0x92: {  	_ =	strace s18  }
0x93: {  	s3 =	sld [smem:$0x3FFC];
	_ =	sdelay $0x3  }
0x94: {  	_ =	strace s3  }
0x95: {  	s3 =	sld [smem:$0x3FFD];
	_ =	sdelay $0x3  }
0x96: {  	_ =	strace s3  }
0x97: {  	_ =	strace $0x8FFFFFFF  }
0x98: {  	s19 =	sld [smem:$0x3FDB];
	_ =	sdelay $0x1  }
0x99: {  	s4 =	simm.s32 $_scs_section_size  }
0x9a: {  	s5 =	simm.s32 $_size__tile_overlayer_lowered;
	s6 =	simm.s32 $_tile_overlayer_lowered  }
0x9b: {  	s22 =	simm.s32 $0x1BFF;
	s21 =	sshll.u32 s6, $0x1;
	s3 =	sadd.s32 s4, s19  }
0x9c: {  	s7 =	simm.s32 $0x0;
	s20 =	sshll.u32 s5, $0x1;
	s5 =	sadd.s32 s21, s3  }
0x9d: {  	[timem:s7], [sflag:s22] =	dma.local [hbm:s5], s20  }
0x9e: {  	_ =	swait.ge [sflag:s22], s20  }
0x9f: {  	s4 =	ssub.s32 $0x0, s20;
	[sflag:s22] =	ssyncset.done $0x0  }
0xa0: {  	[sflag:s22] =	ssyncadd.s32 s4;
	_ =	sdelay $0x1  }
0xa1: {  	s23 =	simm.s32 $0x1B8B  }
0xa2: {  	_ =	swait.ge [sflag:s23], $0x1  }
0xa3: {  	[sflag:s23] =	ssyncset.done $0x0  }
0xa4: {  	s25 =	simm.s32 $0x1B8E;
	s24 =	sld [smem:$0x3FFE];
	[sflag:s23] =	ssyncadd.s32 $0xFFFFFFFF  }
0xa5: {  	s26 =	simm.s32 $execute0_lowered;
	[smem:$0x3FD2] =	sst s25  }
0xa6: {  	s5 =	sshll.u32 s26, $0x1;
	_ =	strace $0x80000049;
	[dreg:$0x1] =	wrdreg $0xFFFFFFFF  }
0xa7: {  	s28 =	simm.s32 $_size_execute0_lowered;
	s3 =	sadd.s32 s3, s5;
	[dreg:$0x0] =	wrdreg $0x0  }
0xa8: {  	s5 =	sshll.u32 s28, $0x1;
	[dreg:$0x2] =	wrdreg s3  }
0xa9: {  	[dreg:$0x3] =	wrdreg s5  }
0xaa: {  	[dreg:$0x4] =	wrdreg $0xC0  }
0xab: {  	_ =	task [dreg:s7], $0x5FFFF  }
0xac: {  	[dreg:$0x1] =	wrdreg $0xFFFFFFFF  }
0xad: {  	[dreg:$0x0] =	wrdreg $0x60  }
0xae: {  	[dreg:$0x2] =	wrdreg s2  }
0xaf: {  	[dreg:$0x3] =	wrdreg s24  }
0xb0: {  	[dreg:$0x4] =	wrdreg $0x11E200  }
0xb1: {  	[dreg:$0x5] =	wrdreg $0xD0000  }
0xb2: {  	[dreg:$0x6] =	wrdreg $0x16D200  }
0xb3: {  	[dreg:$0x7] =	wrdreg $0x9  }
0xb4: {  	_ =	task.clear_ibuf [dreg:s7], $0x8FFFF;
	_ =	strace $0x90000049  }
0xb5: {  	s29 =	simm.s32 $0x9;
	_ =	strace $0x8000004B  }
0xb6: {  	_ =	swait.ge [sflag:s29], $0x1  }
0xb7: {  	[sflag:s29] =	ssyncadd.s32 $0xFFFFFFFF  }
0xb8: {  	_ =	strace $0x9000004B  }
0xb9: {  	_ =	sfence  }
0xba: {  	s30 =	sld [smem:$0x0];
	_ =	sdelay $0x2  }
0xbb: {  	s31 =	sshll.u32 s1, $0xD;
	s1 =	sshrl.u32 s1, $0x2  }
0xbc: {  	s3 =	sand.u32 $0x4000, s31;
	s1 =	sadd.s32 s1, s30  }
0xbd: {  	s0 =	sor.u32 s3, s0;
	s1 =	sshll.u32 s1, $0x11  }
0xbe: {  	s0 =	sor.u32 s1, s0  }
0xbf: {  	s0 =	sadd.s32 $0x8F2B, s0  }
0xc0: {  	[sflag:s0] =	ssyncadd.remote.s32 $0x1  }
0xc1: {  	_ =	sfence.sel $0xFFFF  }
0xc2: {  	[dreg:$0x0] =	wrdreg $0xFFFFFFFF;
	(pc) =	sbr.abs _section_cstart, $3  }
0xc3: {  	[dreg:$0x1] =	wrdreg $0xFFFFFFFF  }
0xc4: {  	_ =	task.clear_ibuf [dreg:s7], $0x2FFFF;
	_ =	strace $0x9FFFFFFF  }
0xc5: {  	(tm) =	ssettm $0x7FFFFFFF  }
tec
execute0_lowered:
.L_overlay_start_1:
0x0: {  	(tag) =	ssettag $0x1  }
0x1: {  	s0 =	rddreg [dreg:$0x0]  }
0x2: {  	s2 =	rddreg [dreg:$0x1]  }
0x3: {  	s1 =	rddreg [dreg:$0x2]  }
0x4: {  	s3 =	rddreg [dreg:$0x3]  }
0x5: {  	s4 =	rddreg [dreg:$0x4]  }
0x6: {  	s5 =	simm.s32 $0x0;
	s14 =	stileid.u32;
	s6 =	srdreg.scid  }
0x7: {  	s28 =	simm.s32 $0xC000;
	s29 =	simm.s32 $0x4;
	s7 =	smul.u32 $0xA00, s14  }
0x8: {  	s30 =	simm.s32 $0x10;
	s31 =	simm.s32 $0x80;
	s10 =	smul.u32 $0x4F00, s14  }
0x9: {  	[smem:$0x7FF] =	sst s5;
	s6 =	sand.u32 $0x1, s6;
	s18 =	smul.u32 $0x13880, s14  }
0xa: {  	s14 =	smul.u32 $0x13C00, s14;
	_ =	strace $0x8000004A;
	s8 =	ssub.s32 $0x2, s6  }
0xb: {  	s6 =	sshll.u32 s6, $0x6;
	s7 =	sadd.s32 s7, s2;
	s9 =	sshrl.u32 s8, $0x1  }
0xc: {  	s2 =	sadd.s32 $0x17000, s2;
	s25 =	sadd.s32 $0x1000, s10;
	s26 =	sadd.s32 $0x2000, s10  }
0xd: {  	s12 =	sadd.s32 $0x3000, s10;
	s20 =	sadd.s32 $0x4000, s10;
	s19 =	sor.u32 s6, s18  }
0xe: {  	s16 =	sor.u32 $0x20, s6;
	s6 =	sor.u32 s6, s14;
	s9 =	ssub.s32 s8, s9  }
0xf: {  	s24 =	sadd.s32 $0xD000, s7;
	s7 =	sadd.s32 $0x3000, s7;
	s8 =	sadd.s32 s10, s1  }
0x10: {  	s11 =	sadd.s32 s25, s1;
	s13 =	sadd.s32 s26, s1;
	[dreg:$0x6] =	wrdreg s24  }
0x11: {  	s17 =	sadd.s32 s12, s1;
	s15 =	sadd.s32 s20, s1;
	[dreg:$0x7] =	wrdreg s7  }
0x12: {  	s21 =	sor.u32 s14, s16;
	s22 =	sor.u32 s18, s16;
	[dreg:$0x8] =	wrdreg s11  }
0x13: {  	s23 =	sshrl.u32 s19, $0x3;
	s6 =	sshrl.u32 s6, $0x3;
	[dreg:$0x9] =	wrdreg s13  }
0x14: {  	s16 =	sadd.s32 s10, s4;
	s19 =	sadd.s32 s12, s4;
	[dreg:$0xa] =	wrdreg s17  }
0x15: {  	s20 =	sadd.s32 s20, s4;
	[dreg:$0xb] =	wrdreg s15;
	s13 =	sshrl.u32 s18, $0x2  }
0x16: {  	s24 =	sadd.s32 s0, s23;
	s15 =	sadd.s32 s2, s6;
	s17 =	sadd.s32 s25, s4  }
0x17: {  	s18 =	sadd.s32 s26, s4;
	s25 =	sshrl.u32 s22, $0x3;
	s26 =	sshrl.u32 s21, $0x3  }
0x18: {  	s23 =	smax.u32 s9, $0x1;
	s6 =	simm.s32 $0x0;
	s13 =	sadd.s32 s13, s3  }
0x19: {  	[dreg:$0xd] =	wrdreg s24;
	s21 =	sadd.s32 s0, s25;
	s22 =	sadd.s32 s2, s26  }
0x1a: {  	s25 =	simm.s32 $0x1;
	s26 =	simm.s32 $0x2;
	s0 =	simm.s32 $0xA000  }
0x1b: {  	v0 =	vimm.f32 $0.0e+00;
	s2 =	simm.s32 $0xB000;
	s24 =	simm.s32 $0x3;
	[dreg:$0xc] =	wrdreg s13  }
.LBB2_1:
0x1c: {  	s7 =	rddreg [dreg:$0x6]  }
0x1d: {  	[tilespmem:s5], [sflag:$0x1] =	stream.linear.gather [hbm4b:s7+s5], $0x5000, $0x38;
	[tilespmem:$0x1BC20] =	vst v63  }
0x1e: {  	s14 =	rddreg [dreg:$0x7];
	s9 =	simm.s32 $0x5000  }
0x1f: {  	[tilespmem:s9], [sflag:$0x2] =	stream.linear.gather [hbm4b:s14+s5], $0x5000, $0x38;
	[tilespmem:$0x1BC20] =	vst v63  }
0x20: {  	s7 =	simm.s32 $0x10;
	s9 =	sand.u32 $0xFF0, s5  }
.LBB2_2:
0x21: {  	p0 =	sne.s32 s7, $0xFF0;
	[tilespmem:s9+$0xC000] =	vst v0;
	s9 =	smov.u32 s7;
	s7 =	sadd.s32 $0x10, s7  }
.Ltmp0:
0x22: {  	(pc) =	sbr.rel @p0 .LBB2_2-.Ltmp0, $2  }
0x23: {  	_ =	sdelay $0x2  }
0x24: {  	s9 =	sand.u32 $0xFF0, s9  }
0x25: {  	[tilespmem:s9+$0xC000] =	vst v0  }
0x26: {  	_ =	swait.ge [sflag:s25], $0x5000  }
0x27: {  	[sflag:s25] =	ssyncset.done $0x0  }
0x28: {  	[sflag:s25] =	ssyncadd.s32 $0xFFFFB000  }
0x29: {  	_ =	swait.ge [sflag:s26], $0x5000  }
0x2a: {  	[sflag:s26] =	ssyncset.done $0x0  }
0x2b: {  	[sflag:s26] =	ssyncadd.s32 $0xFFFFB000  }
0x2c: {  	[spmem:s8] =	stream.linear.scatter [tilespmem:s28], [sflag:$0x4], $0x1000, $0x38;
	[tilespmem:$0x1BC20] =	vst v63  }
0x2d: {  	_ =	swait.ge [sflag:s29], $0x1000  }
0x2e: {  	[sflag:s29] =	ssyncset.done $0x0  }
0x2f: {  	s7 =	rddreg [dreg:$0x8];
	[sflag:s29] =	ssyncadd.s32 $0xFFFFF000  }
0x30: {  	[spmem:s7] =	stream.linear.scatter [tilespmem:s28], [sflag:$0x4], $0x1000, $0x38;
	[tilespmem:$0x1BC20] =	vst v63  }
0x31: {  	_ =	swait.ge [sflag:s29], $0x1000  }
0x32: {  	[sflag:s29] =	ssyncset.done $0x0  }
0x33: {  	s10 =	rddreg [dreg:$0x9];
	[sflag:s29] =	ssyncadd.s32 $0xFFFFF000  }
0x34: {  	[spmem:s10] =	stream.linear.scatter [tilespmem:s28], [sflag:$0x4], $0x1000, $0x38;
	[tilespmem:$0x1BC20] =	vst v63  }
0x35: {  	_ =	swait.ge [sflag:s29], $0x1000  }
0x36: {  	[sflag:s29] =	ssyncset.done $0x0  }
0x37: {  	s11 =	rddreg [dreg:$0xa];
	[sflag:s29] =	ssyncadd.s32 $0xFFFFF000  }
0x38: {  	[spmem:s11] =	stream.linear.scatter [tilespmem:s28], [sflag:$0x4], $0x1000, $0x38;
	[tilespmem:$0x1BC20] =	vst v63  }
0x39: {  	_ =	swait.ge [sflag:s29], $0x1000  }
0x3a: {  	[sflag:s29] =	ssyncset.done $0x0  }
0x3b: {  	s13 =	stileid.u32;
	s12 =	rddreg [dreg:$0xb];
	[sflag:s29] =	ssyncadd.s32 $0xFFFFF000  }
0x3c: {  	[spmem:s12] =	stream.linear.scatter [tilespmem:s28], [sflag:$0x4], $0xF00, $0x38;
	[tilespmem:$0x1BC20] =	vst v63  }
0x3d: {  	s9 =	sshll.u32 s13, $0x6;
	_ =	swait.ge [sflag:s29], $0xF00  }
0x3e: {  	s7 =	sor.u32 $0x1C04, s9;
	[sflag:s29] =	ssyncset.done $0x0;
	s10 =	rddreg [dreg:$0xc]  }
0x3f: {  	s11 =	rddreg [dreg:$0xd];
	[sflag:s29] =	ssyncadd.s32 $0xFFFFF100;
	s10 =	sshrl.u32 s10, $0x3  }
0x40: {  	[spmem:s10@s29], [sflag:s7] =	dma.strided [hbm:s11@s30], $0x9C4, s25, $0x4   }
0x41: {  	_ =	swait.ge [sflag:s29], $0x9C4  }
0x42: {  	[sflag:s29] =	ssyncset.done $0x0  }
0x43: {  	[sflag:s29] =	ssyncadd.s32 $0xFFFFF63C  }
0x44: {  	s14 =	simm.s32 $0x0;
	[bflag:$0x0] =	sbarrier.arrive $0xFFFF  }
0x45: {  	[tilespmem:s0], [sflag:$0x1] =	stream.indirect.gather [spmem:s3], $0x20, s14, s31, $0xb8;
	[tilespmem:$0x1BC20] =	vst v63  }
0x46: {  	_ = 	snop  }
0x47: {  	[tilespmem:s2], [sflag:$0x2] =	stream.indirect.gather [spmem:s3], $0x20, s31, s31, $0xb8;
	[tilespmem:$0x1BC20] =	vst v63  }
0x48: {  	_ =	swait.ge [sflag:s25], $0x1000  }
0x49: {  	[sflag:s25] =	ssyncset.done $0x0  }
0x4a: {  	s12 =	simm.s32 $0x5000;
	[sflag:s25] =	ssyncadd.s32 $0xFFFFF000  }
0x4b: {  	[spmem:s1] =	stream.indirect.scatter.add.f32 [tilespmem:s0], [sflag:$0x4], $0x20, s12, s31, $0xb8;
	[tilespmem:$0x1BC20] =	vst v63  }
0x4c: {  	s11 =	smin.u32 s14, $0x9C;
	_ =	swait.ge [sflag:s29], $0x1000  }
0x4d: {  	s13 =	sshll.u32 s11, $0x7;
	[sflag:s29] =	ssyncset.done $0x0  }
0x4e: {  	s11 =	sadd.s32 $0x100, s13;
	[sflag:s29] =	ssyncadd.s32 $0xFFFFF000  }
0x4f: {  	[tilespmem:s0], [sflag:$0x1] =	stream.indirect.gather [spmem:s3], $0x20, s11, s31, $0xb8;
	[tilespmem:$0x1BC20] =	vst v63  }
0x50: {  	_ =	swait.ge [sflag:s26], $0x1000  }
0x51: {  	[sflag:s26] =	ssyncset.done $0x0  }
0x52: {  	s14 =	simm.s32 $0x5080;
	[sflag:s26] =	ssyncadd.s32 $0xFFFFF000  }
0x53: {  	[spmem:s1] =	stream.indirect.scatter.add.f32 [tilespmem:s2], [sflag:$0x4], $0x20, s14, s31, $0xb8;
	[tilespmem:$0x1BC20] =	vst v63  }
0x54: {  	_ =	swait.ge [sflag:s29], $0x1000  }
0x55: {  	s13 =	sadd.s32 $0x180, s13;
	[sflag:s29] =	ssyncset.done $0x0  }
0x56: {  	s12 =	simm.s32 $0x5180;
	s11 =	simm.s32 $0x2;
	[sflag:s29] =	ssyncadd.s32 $0xFFFFF000  }
.LBB2_4:
0x57: {  	[tilespmem:s2], [sflag:$0x2] =	stream.indirect.gather [spmem:s3], $0x20, s13, s31, $0xb8;
	[tilespmem:$0x1BC20] =	vst v63  }
0x58: {  	s13 =	smov.u32 s11  }
0x59: {  	p0 =	sne.s32 s11, $0x9E;
	s11 =	sadd.s32 $0x2, s11;
	_ =	swait.ge [sflag:s25], $0x1000  }
0x5a: {  	[sflag:s25] =	ssyncset.done $0x0  }
0x5b: {  	s14 =	sadd.s32 $0xFFFFFF80, s12;
	[sflag:s25] =	ssyncadd.s32 $0xFFFFF000  }
0x5c: {  	[spmem:s1] =	stream.indirect.scatter.add.f32 [tilespmem:s0], [sflag:$0x4], $0x20, s14, s31, $0xb8;
	[tilespmem:$0x1BC20] =	vst v63  }
0x5d: {  	s13 =	smin.u32 s13, $0x9C;
	_ =	swait.ge [sflag:s29], $0x1000  }
0x5e: {  	s13 =	sshll.u32 s13, $0x7;
	[sflag:s29] =	ssyncset.done $0x0  }
0x5f: {  	s14 =	sadd.s32 $0x100, s13;
	[sflag:s29] =	ssyncadd.s32 $0xFFFFF000  }
0x60: {  	[tilespmem:s0], [sflag:$0x1] =	stream.indirect.gather [spmem:s3], $0x20, s14, s31, $0xb8;
	[tilespmem:$0x1BC20] =	vst v63  }
0x61: {  	_ =	swait.ge [sflag:s26], $0x1000  }
0x62: {  	[sflag:s26] =	ssyncset.done $0x0  }
.Ltmp1:
0x63: {  	[sflag:s26] =	ssyncadd.s32 $0xFFFFF000;
	(pc) =	sbr.rel @p0 .LBB2_4-.Ltmp1, $4  }
0x64: {  	[spmem:s1] =	stream.indirect.scatter.add.f32 [tilespmem:s2], [sflag:$0x4], $0x20, s12, s31, $0xb8;
	[tilespmem:$0x1BC20] =	vst v63  }
0x65: {  	_ =	swait.ge [sflag:s29], $0x1000  }
0x66: {  	[sflag:s29] =	ssyncset.done $0x0  }
0x67: {  	s13 =	sadd.s32 $0x180, s13;
	s12 =	sadd.s32 $0x100, s12;
	[sflag:s29] =	ssyncadd.s32 $0xFFFFF000  }
0x68: {  	[tilespmem:s2], [sflag:$0x2] =	stream.indirect.gather [spmem:s3], $0x20, s13, s31, $0xb8;
	[tilespmem:$0x1BC20] =	vst v63  }
0x69: {  	_ =	swait.ge [sflag:s25], $0x1000  }
0x6a: {  	[sflag:s25] =	ssyncset.done $0x0  }
0x6b: {  	[sflag:s25] =	ssyncadd.s32 $0xFFFFF000  }
0x6c: {  	_ =	swait.ge [sflag:s26], $0x1000  }
0x6d: {  	[sflag:s26] =	ssyncset.done $0x0  }
0x6e: {  	[sflag:s26] =	ssyncadd.s32 $0xFFFFF000  }
0x6f: {  	s9 =	sor.u32 $0x1C03, s9;
	s11 =	sshrl.u32 s8, $0x3;
	[bflag:$0x0] =	sbarrier.arrive $0xFFFF  }
0x70: {  	[hbm:s15@s30], [sflag:s9] =	dma.strided [spmem:s11@s29], $0x9E0, s25, $0x4   }
0x71: {  	[spmem:s16] =	stream.linear.scatter [tilespmem:s28], [sflag:$0x4], $0x1000, $0x38;
	[tilespmem:$0x1BC20] =	vst v63  }
0x72: {  	_ =	swait.ge [sflag:s29], $0x1000  }
0x73: {  	[sflag:s29] =	ssyncset.done $0x0  }
0x74: {  	[sflag:s29] =	ssyncadd.s32 $0xFFFFF000  }
0x75: {  	[spmem:s17] =	stream.linear.scatter [tilespmem:s28], [sflag:$0x4], $0x1000, $0x38;
	[tilespmem:$0x1BC20] =	vst v63  }
0x76: {  	_ =	swait.ge [sflag:s29], $0x1000  }
0x77: {  	[sflag:s29] =	ssyncset.done $0x0  }
0x78: {  	[sflag:s29] =	ssyncadd.s32 $0xFFFFF000  }
0x79: {  	[spmem:s18] =	stream.linear.scatter [tilespmem:s28], [sflag:$0x4], $0x1000, $0x38;
	[tilespmem:$0x1BC20] =	vst v63  }
0x7a: {  	_ =	swait.ge [sflag:s29], $0x1000  }
0x7b: {  	[sflag:s29] =	ssyncset.done $0x0  }
0x7c: {  	[sflag:s29] =	ssyncadd.s32 $0xFFFFF000  }
0x7d: {  	[spmem:s19] =	stream.linear.scatter [tilespmem:s28], [sflag:$0x4], $0x1000, $0x38;
	[tilespmem:$0x1BC20] =	vst v63  }
0x7e: {  	_ =	swait.ge [sflag:s29], $0x1000  }
0x7f: {  	[sflag:s29] =	ssyncset.done $0x0  }
0x80: {  	[sflag:s29] =	ssyncadd.s32 $0xFFFFF000  }
0x81: {  	[spmem:s20] =	stream.linear.scatter [tilespmem:s28], [sflag:$0x4], $0xF00, $0x38;
	[tilespmem:$0x1BC20] =	vst v63  }
0x82: {  	_ =	swait.ge [sflag:s29], $0xF00  }
0x83: {  	[sflag:s29] =	ssyncset.done $0x0  }
0x84: {  	[sflag:s29] =	ssyncadd.s32 $0xFFFFF100  }
0x85: {  	[spmem:s10@s29], [sflag:s7] =	dma.strided [hbm:s21@s30], $0x9C4, s25, $0x4   }
0x86: {  	_ =	swait.ge [sflag:s29], $0x9C4  }
0x87: {  	[sflag:s29] =	ssyncset.done $0x0  }
0x88: {  	[sflag:s29] =	ssyncadd.s32 $0xFFFFF63C  }
0x89: {  	s11 =	simm.s32 $0x0;
	[bflag:$0x0] =	sbarrier.arrive $0xFFFF  }
0x8a: {  	[tilespmem:s0], [sflag:$0x1] =	stream.indirect.gather [spmem:s3], $0x20, s11, s31, $0xb8;
	[tilespmem:$0x1BC20] =	vst v63  }
0x8b: {  	_ = 	snop  }
0x8c: {  	[tilespmem:s2], [sflag:$0x2] =	stream.indirect.gather [spmem:s3], $0x20, s31, s31, $0xb8;
	[tilespmem:$0x1BC20] =	vst v63  }
0x8d: {  	_ =	swait.ge [sflag:s25], $0x1000  }
0x8e: {  	[sflag:s25] =	ssyncset.done $0x0  }
0x8f: {  	s12 =	simm.s32 $0x5000;
	[sflag:s25] =	ssyncadd.s32 $0xFFFFF000  }
0x90: {  	[spmem:s4] =	stream.indirect.scatter.add.f32 [tilespmem:s0], [sflag:$0x4], $0x20, s12, s31, $0xb8;
	[tilespmem:$0x1BC20] =	vst v63  }
0x91: {  	s7 =	smin.u32 s11, $0x9C;
	_ =	swait.ge [sflag:s29], $0x1000  }
0x92: {  	s13 =	sshll.u32 s7, $0x7;
	[sflag:s29] =	ssyncset.done $0x0  }
0x93: {  	s7 =	sadd.s32 $0x100, s13;
	[sflag:s29] =	ssyncadd.s32 $0xFFFFF000  }
0x94: {  	[tilespmem:s0], [sflag:$0x1] =	stream.indirect.gather [spmem:s3], $0x20, s7, s31, $0xb8;
	[tilespmem:$0x1BC20] =	vst v63  }
0x95: {  	_ =	swait.ge [sflag:s26], $0x1000  }
0x96: {  	[sflag:s26] =	ssyncset.done $0x0  }
0x97: {  	s14 =	simm.s32 $0x5080;
	[sflag:s26] =	ssyncadd.s32 $0xFFFFF000  }
0x98: {  	[spmem:s4] =	stream.indirect.scatter.add.f32 [tilespmem:s2], [sflag:$0x4], $0x20, s14, s31, $0xb8;
	[tilespmem:$0x1BC20] =	vst v63  }
0x99: {  	_ =	swait.ge [sflag:s29], $0x1000  }
0x9a: {  	s10 =	simm.s32 $0x5180;
	[sflag:s29] =	ssyncset.done $0x0  }
0x9b: {  	s11 =	sadd.s32 $0x180, s13;
	s7 =	simm.s32 $0x2;
	[sflag:s29] =	ssyncadd.s32 $0xFFFFF000  }
.LBB2_6:
0x9c: {  	[tilespmem:s2], [sflag:$0x2] =	stream.indirect.gather [spmem:s3], $0x20, s11, s31, $0xb8;
	[tilespmem:$0x1BC20] =	vst v63  }
0x9d: {  	s11 =	smov.u32 s7  }
0x9e: {  	p0 =	sne.s32 s7, $0x9E;
	s7 =	sadd.s32 $0x2, s7;
	_ =	swait.ge [sflag:s25], $0x1000  }
0x9f: {  	[sflag:s25] =	ssyncset.done $0x0  }
0xa0: {  	s12 =	sadd.s32 $0xFFFFFF80, s10;
	[sflag:s25] =	ssyncadd.s32 $0xFFFFF000  }
0xa1: {  	[spmem:s4] =	stream.indirect.scatter.add.f32 [tilespmem:s0], [sflag:$0x4], $0x20, s12, s31, $0xb8;
	[tilespmem:$0x1BC20] =	vst v63  }
0xa2: {  	s11 =	smin.u32 s11, $0x9C;
	_ =	swait.ge [sflag:s29], $0x1000  }
0xa3: {  	s11 =	sshll.u32 s11, $0x7;
	[sflag:s29] =	ssyncset.done $0x0  }
0xa4: {  	s12 =	sadd.s32 $0x100, s11;
	[sflag:s29] =	ssyncadd.s32 $0xFFFFF000  }
0xa5: {  	[tilespmem:s0], [sflag:$0x1] =	stream.indirect.gather [spmem:s3], $0x20, s12, s31, $0xb8;
	[tilespmem:$0x1BC20] =	vst v63  }
0xa6: {  	_ =	swait.ge [sflag:s26], $0x1000  }
0xa7: {  	[sflag:s26] =	ssyncset.done $0x0  }
.Ltmp2:
0xa8: {  	[sflag:s26] =	ssyncadd.s32 $0xFFFFF000;
	(pc) =	sbr.rel @p0 .LBB2_6-.Ltmp2, $4  }
0xa9: {  	[spmem:s4] =	stream.indirect.scatter.add.f32 [tilespmem:s2], [sflag:$0x4], $0x20, s10, s31, $0xb8;
	[tilespmem:$0x1BC20] =	vst v63  }
0xaa: {  	_ =	swait.ge [sflag:s29], $0x1000  }
0xab: {  	[sflag:s29] =	ssyncset.done $0x0  }
0xac: {  	s11 =	sadd.s32 $0x180, s11;
	s10 =	sadd.s32 $0x100, s10;
	[sflag:s29] =	ssyncadd.s32 $0xFFFFF000  }
0xad: {  	[tilespmem:s2], [sflag:$0x2] =	stream.indirect.gather [spmem:s3], $0x20, s11, s31, $0xb8;
	[tilespmem:$0x1BC20] =	vst v63  }
0xae: {  	_ =	swait.ge [sflag:s25], $0x1000  }
0xaf: {  	[sflag:s25] =	ssyncset.done $0x0  }
0xb0: {  	[sflag:s25] =	ssyncadd.s32 $0xFFFFF000  }
0xb1: {  	_ =	swait.ge [sflag:s26], $0x1000  }
0xb2: {  	[sflag:s26] =	ssyncset.done $0x0  }
0xb3: {  	[sflag:s26] =	ssyncadd.s32 $0xFFFFF000  }
0xb4: {  	s7 =	sshrl.u32 s16, $0x3;
	s6 =	sadd.s32 $0x1, s6;
	[bflag:$0x0] =	sbarrier.arrive $0xFFFF  }
0xb5: {  	[hbm:s22@s30], [sflag:s9] =	dma.strided [spmem:s7@s29], $0x9E0, s25, $0x4   }
0xb6: {  	p0 =	sne.s32 s6, s23;
	_ =	swait.ge [sflag:s24], $0x9E0  }
.Ltmp3:
0xb7: {  	[sflag:s24] =	ssyncset.done $0x0;
	(pc) =	sbr.rel @p0 .LBB2_1-.Ltmp3, $4  }
0xb8: {  	[sflag:s24] =	ssyncadd.s32 $0xFFFFF620  }
0xb9: {  	_ =	swait.ge [sflag:s24], $0x9E0  }
0xba: {  	[sflag:s24] =	ssyncset.done $0x0  }
0xbb: {  	[sflag:s24] =	ssyncadd.s32 $0xFFFFF620  }
0xbc: {  	_ =	sfence.sel $0x180000  }
0xbd: {  	[bflag:$0x0] =	sbarrier.arrive $0xFFFF  }
0xbe: {  	_ =	strace $0x9000004A  }
0xbf: {  	s0 =	stileid.u32;
	[bflag:$0x2] =	sbarrier.arrive $0xFFFF  }
0xc0: {  	p0 =	sne.s32 s0, $0x0;
	s0 =	rddreg [dreg:$0x5]  }
0xc1: {  	s0 =	sadd.s32 @!p0 $0x100000, s0  }
0xc2: {  	[sflag:s0] =	ssyncadd.tile.s32 @!p0 $0x1;
	_ =	shalt  }
.Lfunc_end2:
_tile_overlayer_lowered:
.L_overlay_start_2:
0xc3: {  	(tag) =	ssettag $0x2  }
0xc4: {  	s0 =	rddreg [dreg:$0x0];
	s2 =	stileid.u32  }
0xc5: {  	s1 =	rddreg [dreg:$0x1];
	p0 =	sne.s32 s2, $0x0  }
0xc6: {  	s3 =	rddreg [dreg:$0x2];
	[bflag:$0x3] =	sbarrier.arrive $0xFFFF;
	s2 =	simm.s32 @!p0 $0x1C04  }
0xc7: {  	[timem:s3], [sflag:s2] =	dma.local @!p0 [hbm:s0], s1  }
0xc8: {  	s0 =	simm.s32 @!p0 $0x4  }
0xc9: {  	_ =	swait.ge @!p0 [sflag:s0], s1  }
0xca: {  	s1 =	ssub.s32 @!p0 $0x0, s1;
	[sflag:s0] =	ssyncset.done @!p0 $0x0  }
0xcb: {  	[sflag:s0] =	ssyncadd.s32 @!p0 s1  }
0xcc: {  	[bflag:$0x3] =	sbarrier.arrive $0xFFFF  }
0xcd: {  	_ =	shalt  }

// kernel: kernel.15.cloned.1.call-start
scs
__scs_entry_jumppad:
0x0: {  	(pc) =	sbr.rel $0x88, $3  }
0x1: {  	(tag) =	ssettag $0x0;
	lr =	simm.s32 $0x1  }
0x2: {  	[smem:$0x3F99] =	sst lr;
	_ =	strace $0xD0000000  }
0x3: {  	_ = 	snop  }
0x4: {  	_ = 	snop  }
0x5: {  	_ = 	snop  }
0x6: {  	_ = 	snop  }
0x7: {  	_ = 	snop  }
__scs_overlays_trampoline_lowered:
0x8: {  	[smem:$0x3FA8] =	sst s0  }
0x9: {  	[smem:$0x3FA9] =	sst s1  }
0xa: {  	[smem:$0x3FAA] =	sst s2  }
0xb: {  	[smem:$0x3FAB] =	sst s3  }
0xc: {  	[smem:$0x3FAC] =	sst s4  }
0xd: {  	[smem:$0x3FAD] =	sst s5  }
0xe: {  	[smem:$0x3FAE] =	sst s6  }
0xf: {  	[smem:$0x3FAF] =	sst s7  }
0x10: {  	[smem:$0x3FB0] =	sst s8  }
0x11: {  	[smem:$0x3FB1] =	sst s9;
	s0 =	simm.s32 @!p0 $0x0  }
0x12: {  	s1 =	sld [smem:$0x3F97];
	s0 =	simm.s32 @p0 $0x1  }
0x13: {  	[smem:$0x3FB2] =	sst s0;
	s0 =	simm.s32 @!p1 $0x0  }
0x14: {  	s2 =	sld [smem:$0x3F96];
	s0 =	simm.s32 @p1 $0x1  }
0x15: {  	[smem:$0x3FB3] =	sst s0;
	s0 =	simm.s32 @!p2 $0x0  }
0x16: {  	s3 =	sld [smem:$0x3FDB];
	s0 =	simm.s32 @p2 $0x1  }
0x17: {  	s4 =	simm.s32 $0x1BF5;
	[smem:$0x3FB5] =	sst s0  }
0x18: {  	s0 =	sld [smem:$0x3F98];
	_ =	swait.ge [sflag:s4], $0x0  }
0x19: {  	s7 =	sld [smem:$0x3F99]  }
0x1a: {  	s8 =	sadd.s32 $0xFFFFE003, lr  }
0x1b: {  	s9 =	sadd.s32 $0xFFFFFEF7, lr;
	s5 =	simm.s32 $0xFFFFFFFF;
	p2 =	slt.u32 s8, $0xFFFFF086  }
0x1c: {  	p1 =	slt.u32 s9, $0xF7A;
	s5 =	simm.s32 @!p2 $0x0  }
0x1d: {  	s5 =	simm.s32 @p1 $0x1;
	p0 =	seq.s32 s7, s2  }
0x1e: {  	s7 =	smul.u32 @!p0 $0xF7A, s2;
	p2 =	seq.s32 @!p0 s5, $0x0  }
0x1f: {  	s9 =	smul.u32 $0xF7A, s1;
	s8 =	simm.s32 @!p0 $0x1BF5;
	p2 =	por !p2, p0  }
0x20: {  	[sflag:s8] =	ssyncset.s32 @!p0 $0xFFFFF086;
	s6 =	sadd.s32 @!p0 s3, s7;
	s7 =	simm.s32 @!p0 $0x108  }
0x21: {  	s3 =	sadd.s32 s3, s9;
	s6 =	sadd.s32 @!p0 $0x88, s6;
	s7 =	simm.s32 @p2 $0x1082  }
0x22: {  	[simem:s7], [sflag:s8] =	dma.local @!p0 [hbm:s6], $0xF7A  }
0x23: {  	s9 =	sor.u32 $0xD0000000, s2;
	s6 =	simm.s32 $0x108;
	_ =	swait.ge @!p0 [sflag:s8], $0x0  }
0x24: {  	s3 =	sadd.s32 $0x88, s3;
	s6 =	simm.s32 @!p1 $0x1082;
	[sflag:s4] =	ssyncset.s32 $0xFFFFF086  }
0x25: {  	[simem:s6], [sflag:s4] =	dma.local [hbm:s3], $0xF7A  }
0x26: {  	[smem:$0x3F99] =	sst s1;
	(tag) =	ssettag s2;
	_ =	strace s9  }
0x27: {  	s1 =	sld [smem:$0x3FA9]  }
0x28: {  	s2 =	sld [smem:$0x3FAA]  }
0x29: {  	s4 =	sld [smem:$0x3FAC]  }
0x2a: {  	p0 =	seq.s32 s5, $0x0;
	s5 =	sld [smem:$0x3FAD]  }
0x2b: {  	s6 =	sld [smem:$0x3FAE]  }
0x2c: {  	s7 =	sld [smem:$0x3FAF]  }
0x2d: {  	s3 =	simm.s32 $0x108;
	s8 =	sld [smem:$0x3FB0]  }
0x2e: {  	s3 =	simm.s32 @!p0 $0x1082;
	s9 =	sld [smem:$0x3FB1]  }
0x2f: {  	lr =	sadd.s32 s0, s3;
	s0 =	sld [smem:$0x3FA8]  }
0x30: {  	s3 =	sld [smem:$0x3FAB]  }
0x31: {  	[smem:$0x3FB4] =	sst s10  }
0x32: {  	s10 =	sld [smem:$0x3FB2];
	_ =	sdelay $0x3  }
0x33: {  	p0 =	seq.s32 s10, $0x1;
	s10 =	sld [smem:$0x3FB4];
	_ =	sdelay $0x3  }
0x34: {  	[smem:$0x3FB4] =	sst s10  }
0x35: {  	s10 =	sld [smem:$0x3FB3];
	_ =	sdelay $0x3  }
0x36: {  	p1 =	seq.s32 s10, $0x1;
	s10 =	sld [smem:$0x3FB4];
	_ =	sdelay $0x3  }
0x37: {  	[smem:$0x3FB4] =	sst s10  }
0x38: {  	s10 =	sld [smem:$0x3FB5]  }
0x39: {  	_ = 	snop;
	(pc) =	sbr.ind lr, $3  }
0x3a: {  	_ = 	snop  }
0x3b: {  	_ = 	snop  }
0x3c: {  	p2 =	seq.s32 s10, $0x1;
	s10 =	sld [smem:$0x3FB4]  }
0x3d: {  	_ =	shalt  }
0x3e: {  	_ =	shalt  }
0x3f: {  	_ =	shalt  }
0x40: {  	_ =	shalt  }
0x41: {  	_ =	shalt  }
0x42: {  	_ =	shalt  }
0x43: {  	_ =	shalt  }
0x44: {  	_ =	shalt  }
0x45: {  	_ =	shalt  }
0x46: {  	_ =	shalt  }
0x47: {  	_ =	shalt  }
0x48: {  	_ =	shalt  }
0x49: {  	_ =	shalt  }
0x4a: {  	_ =	shalt  }
0x4b: {  	_ =	shalt  }
0x4c: {  	_ =	shalt  }
0x4d: {  	_ =	shalt  }
0x4e: {  	_ =	shalt  }
0x4f: {  	_ =	shalt  }
0x50: {  	_ =	shalt  }
0x51: {  	_ =	shalt  }
0x52: {  	_ =	shalt  }
0x53: {  	_ =	shalt  }
0x54: {  	_ =	shalt  }
0x55: {  	_ =	shalt  }
0x56: {  	_ =	shalt  }
0x57: {  	_ =	shalt  }
0x58: {  	_ =	shalt  }
0x59: {  	_ =	shalt  }
0x5a: {  	_ =	shalt  }
0x5b: {  	_ =	shalt  }
0x5c: {  	_ =	shalt  }
0x5d: {  	_ =	shalt  }
0x5e: {  	_ =	shalt  }
0x5f: {  	_ =	shalt  }
0x60: {  	_ =	shalt  }
0x61: {  	_ =	shalt  }
0x62: {  	_ =	shalt  }
0x63: {  	_ =	shalt  }
0x64: {  	_ =	shalt  }
0x65: {  	_ =	shalt  }
0x66: {  	_ =	shalt  }
0x67: {  	_ =	shalt  }
0x68: {  	_ =	shalt  }
0x69: {  	_ =	shalt  }
0x6a: {  	_ =	shalt  }
0x6b: {  	_ =	shalt  }
0x6c: {  	_ =	shalt  }
0x6d: {  	_ =	shalt  }
0x6e: {  	_ =	shalt  }
0x6f: {  	_ =	shalt  }
0x70: {  	_ =	shalt  }
0x71: {  	_ =	shalt  }
0x72: {  	_ =	shalt  }
0x73: {  	_ =	shalt  }
0x74: {  	_ =	shalt  }
0x75: {  	_ =	shalt  }
0x76: {  	_ =	shalt  }
0x77: {  	_ =	shalt  }
0x78: {  	_ =	shalt  }
0x79: {  	_ =	shalt  }
0x7a: {  	_ =	shalt  }
0x7b: {  	_ =	shalt  }
0x7c: {  	_ =	shalt  }
0x7d: {  	_ =	shalt  }
0x7e: {  	_ =	shalt  }
0x7f: {  	_ =	shalt  }
0x80: {  	_ =	shalt  }
0x81: {  	_ =	shalt  }
0x82: {  	_ =	shalt  }
0x83: {  	_ =	shalt  }
0x84: {  	_ =	shalt  }
0x85: {  	_ =	shalt  }
0x86: {  	_ =	shalt  }
0x87: {  	_ =	shalt  }
.Lfunc_end0:
.L_simem_size_0:
called_computation.2_lowered:
.L_overlay_start_0:
0x88: {  	s2 =	sld [smem:$0x3FD9]  }
0x89: {  	s3 =	sld [smem:$0x3FFE];
	_ =	sdelay $0x1  }
0x8a: {  	s1 =	srdreg.scid  }
0x8b: {  	s0 =	sand.u32 $0x1, s1  }
0x8c: {  	s17 =	sshll.u32 s0, $0xA;
	s2 =	sadd.s32 s3, s2  }
0x8d: {  	s2 =	sadd.s32 s2, s17  }
0x8e: {  	[smem:$0x3FC0] =	sst s2  }
0x8f: {  	_ = 	snop  }
0x90: {  	s2 =	sld [smem:$0x3FD0];
	(tm) =	ssettm $0x1  }
0x91: {  	s18 =	sld [smem:$0x3FFB];
	_ =	sdelay $0x3  }
0x92: {  	_ =	strace s18  }
0x93: {  	s3 =	sld [smem:$0x3FFC];
	_ =	sdelay $0x3  }
0x94: {  	_ =	strace s3  }
0x95: {  	s3 =	sld [smem:$0x3FFD];
	_ =	sdelay $0x3  }
0x96: {  	_ =	strace s3  }
0x97: {  	_ =	strace $0x8FFFFFFF  }
0x98: {  	s19 =	sld [smem:$0x3FDB];
	_ =	sdelay $0x1  }
0x99: {  	s4 =	simm.s32 $_scs_section_size  }
0x9a: {  	s5 =	simm.s32 $_size__tile_overlayer_lowered;
	s6 =	simm.s32 $_tile_overlayer_lowered  }
0x9b: {  	s22 =	simm.s32 $0x1BFF;
	s21 =	sshll.u32 s6, $0x1;
	s3 =	sadd.s32 s4, s19  }
0x9c: {  	s7 =	simm.s32 $0x0;
	s20 =	sshll.u32 s5, $0x1;
	s5 =	sadd.s32 s21, s3  }
0x9d: {  	[timem:s7], [sflag:s22] =	dma.local [hbm:s5], s20  }
0x9e: {  	_ =	swait.ge [sflag:s22], s20  }
0x9f: {  	s4 =	ssub.s32 $0x0, s20;
	[sflag:s22] =	ssyncset.done $0x0  }
0xa0: {  	[sflag:s22] =	ssyncadd.s32 s4;
	_ =	sdelay $0x1  }
0xa1: {  	s23 =	simm.s32 $0x1B8B  }
0xa2: {  	_ =	swait.ge [sflag:s23], $0x1  }
0xa3: {  	[sflag:s23] =	ssyncset.done $0x0  }
0xa4: {  	s25 =	simm.s32 $0x1B8E;
	s24 =	sld [smem:$0x3FFE];
	[sflag:s23] =	ssyncadd.s32 $0xFFFFFFFF  }
0xa5: {  	s26 =	simm.s32 $execute0_lowered;
	[smem:$0x3FD2] =	sst s25  }
0xa6: {  	s5 =	sshll.u32 s26, $0x1;
	_ =	strace $0x8000004C;
	[dreg:$0x1] =	wrdreg $0xFFFFFFFF  }
0xa7: {  	s28 =	simm.s32 $_size_execute0_lowered;
	s3 =	sadd.s32 s3, s5;
	[dreg:$0x0] =	wrdreg $0x0  }
0xa8: {  	s5 =	sshll.u32 s28, $0x1;
	[dreg:$0x2] =	wrdreg s3  }
0xa9: {  	[dreg:$0x3] =	wrdreg s5  }
0xaa: {  	[dreg:$0x4] =	wrdreg $0xC0  }
0xab: {  	_ =	task [dreg:s7], $0x5FFFF  }
0xac: {  	[dreg:$0x1] =	wrdreg $0xFFFFFFFF  }
0xad: {  	[dreg:$0x0] =	wrdreg $0x60  }
0xae: {  	[dreg:$0x2] =	wrdreg s2  }
0xaf: {  	[dreg:$0x3] =	wrdreg s24  }
0xb0: {  	[dreg:$0x4] =	wrdreg $0x11E200  }
0xb1: {  	[dreg:$0x5] =	wrdreg $0xD0000  }
0xb2: {  	[dreg:$0x6] =	wrdreg $0x16D200  }
0xb3: {  	[dreg:$0x7] =	wrdreg $0x9  }
0xb4: {  	_ =	task.clear_ibuf [dreg:s7], $0x8FFFF;
	_ =	strace $0x9000004C  }
0xb5: {  	s29 =	simm.s32 $0x9;
	_ =	strace $0x8000004E  }
0xb6: {  	_ =	swait.ge [sflag:s29], $0x1  }
0xb7: {  	[sflag:s29] =	ssyncadd.s32 $0xFFFFFFFF  }
0xb8: {  	_ =	strace $0x9000004E  }
0xb9: {  	_ =	sfence  }
0xba: {  	s30 =	sld [smem:$0x0];
	_ =	sdelay $0x2  }
0xbb: {  	s31 =	sshll.u32 s1, $0xD;
	s1 =	sshrl.u32 s1, $0x2  }
0xbc: {  	s3 =	sand.u32 $0x4000, s31;
	s1 =	sadd.s32 s1, s30  }
0xbd: {  	s0 =	sor.u32 s3, s0;
	s1 =	sshll.u32 s1, $0x11  }
0xbe: {  	s0 =	sor.u32 s1, s0  }
0xbf: {  	s0 =	sadd.s32 $0x8F2B, s0  }
0xc0: {  	[sflag:s0] =	ssyncadd.remote.s32 $0x1  }
0xc1: {  	_ =	sfence.sel $0xFFFF  }
0xc2: {  	[dreg:$0x0] =	wrdreg $0xFFFFFFFF;
	(pc) =	sbr.abs _section_cstart, $3  }
0xc3: {  	[dreg:$0x1] =	wrdreg $0xFFFFFFFF  }
0xc4: {  	_ =	task.clear_ibuf [dreg:s7], $0x2FFFF;
	_ =	strace $0x9FFFFFFF  }
0xc5: {  	(tm) =	ssettm $0x7FFFFFFF  }
tec
execute0_lowered:
.L_overlay_start_1:
0x0: {  	(tag) =	ssettag $0x1  }
0x1: {  	s0 =	rddreg [dreg:$0x0]  }
0x2: {  	s2 =	rddreg [dreg:$0x1]  }
0x3: {  	s1 =	rddreg [dreg:$0x2]  }
0x4: {  	s3 =	rddreg [dreg:$0x3]  }
0x5: {  	s4 =	rddreg [dreg:$0x4]  }
0x6: {  	s5 =	simm.s32 $0x0;
	s14 =	stileid.u32;
	s6 =	srdreg.scid  }
0x7: {  	s28 =	simm.s32 $0xC000;
	s29 =	simm.s32 $0x4;
	s7 =	smul.u32 $0xA00, s14  }
0x8: {  	s30 =	simm.s32 $0x10;
	s31 =	simm.s32 $0x80;
	s10 =	smul.u32 $0x4F00, s14  }
0x9: {  	[smem:$0x7FF] =	sst s5;
	s6 =	sand.u32 $0x1, s6;
	s18 =	smul.u32 $0x13880, s14  }
0xa: {  	s14 =	smul.u32 $0x13C00, s14;
	_ =	strace $0x8000004D;
	s8 =	ssub.s32 $0x2, s6  }
0xb: {  	s6 =	sshll.u32 s6, $0x6;
	s7 =	sadd.s32 s7, s2;
	s9 =	sshrl.u32 s8, $0x1  }
0xc: {  	s2 =	sadd.s32 $0x17000, s2;
	s25 =	sadd.s32 $0x1000, s10;
	s26 =	sadd.s32 $0x2000, s10  }
0xd: {  	s12 =	sadd.s32 $0x3000, s10;
	s20 =	sadd.s32 $0x4000, s10;
	s19 =	sor.u32 s6, s18  }
0xe: {  	s16 =	sor.u32 $0x20, s6;
	s6 =	sor.u32 s6, s14;
	s9 =	ssub.s32 s8, s9  }
0xf: {  	s24 =	sadd.s32 $0xD000, s7;
	s7 =	sadd.s32 $0x3000, s7;
	s8 =	sadd.s32 s10, s1  }
0x10: {  	s11 =	sadd.s32 s25, s1;
	s13 =	sadd.s32 s26, s1;
	[dreg:$0x6] =	wrdreg s24  }
0x11: {  	s17 =	sadd.s32 s12, s1;
	s15 =	sadd.s32 s20, s1;
	[dreg:$0x7] =	wrdreg s7  }
0x12: {  	s21 =	sor.u32 s14, s16;
	s22 =	sor.u32 s18, s16;
	[dreg:$0x8] =	wrdreg s11  }
0x13: {  	s23 =	sshrl.u32 s19, $0x3;
	s6 =	sshrl.u32 s6, $0x3;
	[dreg:$0x9] =	wrdreg s13  }
0x14: {  	s16 =	sadd.s32 s10, s4;
	s19 =	sadd.s32 s12, s4;
	[dreg:$0xa] =	wrdreg s17  }
0x15: {  	s20 =	sadd.s32 s20, s4;
	[dreg:$0xb] =	wrdreg s15;
	s13 =	sshrl.u32 s18, $0x2  }
0x16: {  	s24 =	sadd.s32 s0, s23;
	s15 =	sadd.s32 s2, s6;
	s17 =	sadd.s32 s25, s4  }
0x17: {  	s18 =	sadd.s32 s26, s4;
	s25 =	sshrl.u32 s22, $0x3;
	s26 =	sshrl.u32 s21, $0x3  }
0x18: {  	s23 =	smax.u32 s9, $0x1;
	s6 =	simm.s32 $0x0;
	s13 =	sadd.s32 s13, s3  }
0x19: {  	[dreg:$0xd] =	wrdreg s24;
	s21 =	sadd.s32 s0, s25;
	s22 =	sadd.s32 s2, s26  }
0x1a: {  	s25 =	simm.s32 $0x1;
	s26 =	simm.s32 $0x2;
	s0 =	simm.s32 $0xA000  }
0x1b: {  	v0 =	vimm.f32 $0.0e+00;
	s2 =	simm.s32 $0xB000;
	s24 =	simm.s32 $0x3;
	[dreg:$0xc] =	wrdreg s13  }
.LBB2_1:
0x1c: {  	s7 =	rddreg [dreg:$0x6]  }
0x1d: {  	[tilespmem:s5], [sflag:$0x1] =	stream.linear.gather [hbm4b:s7+s5], $0x5000, $0x38;
	[tilespmem:$0x1BC20] =	vst v63  }
0x1e: {  	s14 =	rddreg [dreg:$0x7];
	s9 =	simm.s32 $0x5000  }
0x1f: {  	[tilespmem:s9], [sflag:$0x2] =	stream.linear.gather [hbm4b:s14+s5], $0x5000, $0x38;
	[tilespmem:$0x1BC20] =	vst v63  }
0x20: {  	s7 =	simm.s32 $0x10;
	s9 =	sand.u32 $0xFF0, s5  }
.LBB2_2:
0x21: {  	p0 =	sne.s32 s7, $0xFF0;
	[tilespmem:s9+$0xC000] =	vst v0;
	s9 =	smov.u32 s7;
	s7 =	sadd.s32 $0x10, s7  }
.Ltmp0:
0x22: {  	(pc) =	sbr.rel @p0 .LBB2_2-.Ltmp0, $2  }
0x23: {  	_ =	sdelay $0x2  }
0x24: {  	s9 =	sand.u32 $0xFF0, s9  }
0x25: {  	[tilespmem:s9+$0xC000] =	vst v0  }
0x26: {  	_ =	swait.ge [sflag:s25], $0x5000  }
0x27: {  	[sflag:s25] =	ssyncset.done $0x0  }
0x28: {  	[sflag:s25] =	ssyncadd.s32 $0xFFFFB000  }
0x29: {  	_ =	swait.ge [sflag:s26], $0x5000  }
0x2a: {  	[sflag:s26] =	ssyncset.done $0x0  }
0x2b: {  	[sflag:s26] =	ssyncadd.s32 $0xFFFFB000  }
0x2c: {  	[spmem:s8] =	stream.linear.scatter [tilespmem:s28], [sflag:$0x4], $0x1000, $0x38;
	[tilespmem:$0x1BC20] =	vst v63  }
0x2d: {  	_ =	swait.ge [sflag:s29], $0x1000  }
0x2e: {  	[sflag:s29] =	ssyncset.done $0x0  }
0x2f: {  	s7 =	rddreg [dreg:$0x8];
	[sflag:s29] =	ssyncadd.s32 $0xFFFFF000  }
0x30: {  	[spmem:s7] =	stream.linear.scatter [tilespmem:s28], [sflag:$0x4], $0x1000, $0x38;
	[tilespmem:$0x1BC20] =	vst v63  }
0x31: {  	_ =	swait.ge [sflag:s29], $0x1000  }
0x32: {  	[sflag:s29] =	ssyncset.done $0x0  }
0x33: {  	s10 =	rddreg [dreg:$0x9];
	[sflag:s29] =	ssyncadd.s32 $0xFFFFF000  }
0x34: {  	[spmem:s10] =	stream.linear.scatter [tilespmem:s28], [sflag:$0x4], $0x1000, $0x38;
	[tilespmem:$0x1BC20] =	vst v63  }
0x35: {  	_ =	swait.ge [sflag:s29], $0x1000  }
0x36: {  	[sflag:s29] =	ssyncset.done $0x0  }
0x37: {  	s11 =	rddreg [dreg:$0xa];
	[sflag:s29] =	ssyncadd.s32 $0xFFFFF000  }
0x38: {  	[spmem:s11] =	stream.linear.scatter [tilespmem:s28], [sflag:$0x4], $0x1000, $0x38;
	[tilespmem:$0x1BC20] =	vst v63  }
0x39: {  	_ =	swait.ge [sflag:s29], $0x1000  }
0x3a: {  	[sflag:s29] =	ssyncset.done $0x0  }
0x3b: {  	s13 =	stileid.u32;
	s12 =	rddreg [dreg:$0xb];
	[sflag:s29] =	ssyncadd.s32 $0xFFFFF000  }
0x3c: {  	[spmem:s12] =	stream.linear.scatter [tilespmem:s28], [sflag:$0x4], $0xF00, $0x38;
	[tilespmem:$0x1BC20] =	vst v63  }
0x3d: {  	s9 =	sshll.u32 s13, $0x6;
	_ =	swait.ge [sflag:s29], $0xF00  }
0x3e: {  	s7 =	sor.u32 $0x1C04, s9;
	[sflag:s29] =	ssyncset.done $0x0;
	s10 =	rddreg [dreg:$0xc]  }
0x3f: {  	s11 =	rddreg [dreg:$0xd];
	[sflag:s29] =	ssyncadd.s32 $0xFFFFF100;
	s10 =	sshrl.u32 s10, $0x3  }
0x40: {  	[spmem:s10@s29], [sflag:s7] =	dma.strided [hbm:s11@s30], $0x9C4, s25, $0x4   }
0x41: {  	_ =	swait.ge [sflag:s29], $0x9C4  }
0x42: {  	[sflag:s29] =	ssyncset.done $0x0  }
0x43: {  	[sflag:s29] =	ssyncadd.s32 $0xFFFFF63C  }
0x44: {  	s14 =	simm.s32 $0x0;
	[bflag:$0x0] =	sbarrier.arrive $0xFFFF  }
0x45: {  	[tilespmem:s0], [sflag:$0x1] =	stream.indirect.gather [spmem:s3], $0x20, s14, s31, $0xb8;
	[tilespmem:$0x1BC20] =	vst v63  }
0x46: {  	_ = 	snop  }
0x47: {  	[tilespmem:s2], [sflag:$0x2] =	stream.indirect.gather [spmem:s3], $0x20, s31, s31, $0xb8;
	[tilespmem:$0x1BC20] =	vst v63  }
0x48: {  	_ =	swait.ge [sflag:s25], $0x1000  }
0x49: {  	[sflag:s25] =	ssyncset.done $0x0  }
0x4a: {  	s12 =	simm.s32 $0x5000;
	[sflag:s25] =	ssyncadd.s32 $0xFFFFF000  }
0x4b: {  	[spmem:s1] =	stream.indirect.scatter.add.f32 [tilespmem:s0], [sflag:$0x4], $0x20, s12, s31, $0xb8;
	[tilespmem:$0x1BC20] =	vst v63  }
0x4c: {  	s11 =	smin.u32 s14, $0x9C;
	_ =	swait.ge [sflag:s29], $0x1000  }
0x4d: {  	s13 =	sshll.u32 s11, $0x7;
	[sflag:s29] =	ssyncset.done $0x0  }
0x4e: {  	s11 =	sadd.s32 $0x100, s13;
	[sflag:s29] =	ssyncadd.s32 $0xFFFFF000  }
0x4f: {  	[tilespmem:s0], [sflag:$0x1] =	stream.indirect.gather [spmem:s3], $0x20, s11, s31, $0xb8;
	[tilespmem:$0x1BC20] =	vst v63  }
0x50: {  	_ =	swait.ge [sflag:s26], $0x1000  }
0x51: {  	[sflag:s26] =	ssyncset.done $0x0  }
0x52: {  	s14 =	simm.s32 $0x5080;
	[sflag:s26] =	ssyncadd.s32 $0xFFFFF000  }
0x53: {  	[spmem:s1] =	stream.indirect.scatter.add.f32 [tilespmem:s2], [sflag:$0x4], $0x20, s14, s31, $0xb8;
	[tilespmem:$0x1BC20] =	vst v63  }
0x54: {  	_ =	swait.ge [sflag:s29], $0x1000  }
0x55: {  	s13 =	sadd.s32 $0x180, s13;
	[sflag:s29] =	ssyncset.done $0x0  }
0x56: {  	s12 =	simm.s32 $0x5180;
	s11 =	simm.s32 $0x2;
	[sflag:s29] =	ssyncadd.s32 $0xFFFFF000  }
.LBB2_4:
0x57: {  	[tilespmem:s2], [sflag:$0x2] =	stream.indirect.gather [spmem:s3], $0x20, s13, s31, $0xb8;
	[tilespmem:$0x1BC20] =	vst v63  }
0x58: {  	s13 =	smov.u32 s11  }
0x59: {  	p0 =	sne.s32 s11, $0x9E;
	s11 =	sadd.s32 $0x2, s11;
	_ =	swait.ge [sflag:s25], $0x1000  }
0x5a: {  	[sflag:s25] =	ssyncset.done $0x0  }
0x5b: {  	s14 =	sadd.s32 $0xFFFFFF80, s12;
	[sflag:s25] =	ssyncadd.s32 $0xFFFFF000  }
0x5c: {  	[spmem:s1] =	stream.indirect.scatter.add.f32 [tilespmem:s0], [sflag:$0x4], $0x20, s14, s31, $0xb8;
	[tilespmem:$0x1BC20] =	vst v63  }
0x5d: {  	s13 =	smin.u32 s13, $0x9C;
	_ =	swait.ge [sflag:s29], $0x1000  }
0x5e: {  	s13 =	sshll.u32 s13, $0x7;
	[sflag:s29] =	ssyncset.done $0x0  }
0x5f: {  	s14 =	sadd.s32 $0x100, s13;
	[sflag:s29] =	ssyncadd.s32 $0xFFFFF000  }
0x60: {  	[tilespmem:s0], [sflag:$0x1] =	stream.indirect.gather [spmem:s3], $0x20, s14, s31, $0xb8;
	[tilespmem:$0x1BC20] =	vst v63  }
0x61: {  	_ =	swait.ge [sflag:s26], $0x1000  }
0x62: {  	[sflag:s26] =	ssyncset.done $0x0  }
.Ltmp1:
0x63: {  	[sflag:s26] =	ssyncadd.s32 $0xFFFFF000;
	(pc) =	sbr.rel @p0 .LBB2_4-.Ltmp1, $4  }
0x64: {  	[spmem:s1] =	stream.indirect.scatter.add.f32 [tilespmem:s2], [sflag:$0x4], $0x20, s12, s31, $0xb8;
	[tilespmem:$0x1BC20] =	vst v63  }
0x65: {  	_ =	swait.ge [sflag:s29], $0x1000  }
0x66: {  	[sflag:s29] =	ssyncset.done $0x0  }
0x67: {  	s13 =	sadd.s32 $0x180, s13;
	s12 =	sadd.s32 $0x100, s12;
	[sflag:s29] =	ssyncadd.s32 $0xFFFFF000  }
0x68: {  	[tilespmem:s2], [sflag:$0x2] =	stream.indirect.gather [spmem:s3], $0x20, s13, s31, $0xb8;
	[tilespmem:$0x1BC20] =	vst v63  }
0x69: {  	_ =	swait.ge [sflag:s25], $0x1000  }
0x6a: {  	[sflag:s25] =	ssyncset.done $0x0  }
0x6b: {  	[sflag:s25] =	ssyncadd.s32 $0xFFFFF000  }
0x6c: {  	_ =	swait.ge [sflag:s26], $0x1000  }
0x6d: {  	[sflag:s26] =	ssyncset.done $0x0  }
0x6e: {  	[sflag:s26] =	ssyncadd.s32 $0xFFFFF000  }
0x6f: {  	s9 =	sor.u32 $0x1C03, s9;
	s11 =	sshrl.u32 s8, $0x3;
	[bflag:$0x0] =	sbarrier.arrive $0xFFFF  }
0x70: {  	[hbm:s15@s30], [sflag:s9] =	dma.strided [spmem:s11@s29], $0x9E0, s25, $0x4   }
0x71: {  	[spmem:s16] =	stream.linear.scatter [tilespmem:s28], [sflag:$0x4], $0x1000, $0x38;
	[tilespmem:$0x1BC20] =	vst v63  }
0x72: {  	_ =	swait.ge [sflag:s29], $0x1000  }
0x73: {  	[sflag:s29] =	ssyncset.done $0x0  }
0x74: {  	[sflag:s29] =	ssyncadd.s32 $0xFFFFF000  }
0x75: {  	[spmem:s17] =	stream.linear.scatter [tilespmem:s28], [sflag:$0x4], $0x1000, $0x38;
	[tilespmem:$0x1BC20] =	vst v63  }
0x76: {  	_ =	swait.ge [sflag:s29], $0x1000  }
0x77: {  	[sflag:s29] =	ssyncset.done $0x0  }
0x78: {  	[sflag:s29] =	ssyncadd.s32 $0xFFFFF000  }
0x79: {  	[spmem:s18] =	stream.linear.scatter [tilespmem:s28], [sflag:$0x4], $0x1000, $0x38;
	[tilespmem:$0x1BC20] =	vst v63  }
0x7a: {  	_ =	swait.ge [sflag:s29], $0x1000  }
0x7b: {  	[sflag:s29] =	ssyncset.done $0x0  }
0x7c: {  	[sflag:s29] =	ssyncadd.s32 $0xFFFFF000  }
0x7d: {  	[spmem:s19] =	stream.linear.scatter [tilespmem:s28], [sflag:$0x4], $0x1000, $0x38;
	[tilespmem:$0x1BC20] =	vst v63  }
0x7e: {  	_ =	swait.ge [sflag:s29], $0x1000  }
0x7f: {  	[sflag:s29] =	ssyncset.done $0x0  }
0x80: {  	[sflag:s29] =	ssyncadd.s32 $0xFFFFF000  }
0x81: {  	[spmem:s20] =	stream.linear.scatter [tilespmem:s28], [sflag:$0x4], $0xF00, $0x38;
	[tilespmem:$0x1BC20] =	vst v63  }
0x82: {  	_ =	swait.ge [sflag:s29], $0xF00  }
0x83: {  	[sflag:s29] =	ssyncset.done $0x0  }
0x84: {  	[sflag:s29] =	ssyncadd.s32 $0xFFFFF100  }
0x85: {  	[spmem:s10@s29], [sflag:s7] =	dma.strided [hbm:s21@s30], $0x9C4, s25, $0x4   }
0x86: {  	_ =	swait.ge [sflag:s29], $0x9C4  }
0x87: {  	[sflag:s29] =	ssyncset.done $0x0  }
0x88: {  	[sflag:s29] =	ssyncadd.s32 $0xFFFFF63C  }
0x89: {  	s11 =	simm.s32 $0x0;
	[bflag:$0x0] =	sbarrier.arrive $0xFFFF  }
0x8a: {  	[tilespmem:s0], [sflag:$0x1] =	stream.indirect.gather [spmem:s3], $0x20, s11, s31, $0xb8;
	[tilespmem:$0x1BC20] =	vst v63  }
0x8b: {  	_ = 	snop  }
0x8c: {  	[tilespmem:s2], [sflag:$0x2] =	stream.indirect.gather [spmem:s3], $0x20, s31, s31, $0xb8;
	[tilespmem:$0x1BC20] =	vst v63  }
0x8d: {  	_ =	swait.ge [sflag:s25], $0x1000  }
0x8e: {  	[sflag:s25] =	ssyncset.done $0x0  }
0x8f: {  	s12 =	simm.s32 $0x5000;
	[sflag:s25] =	ssyncadd.s32 $0xFFFFF000  }
0x90: {  	[spmem:s4] =	stream.indirect.scatter.add.f32 [tilespmem:s0], [sflag:$0x4], $0x20, s12, s31, $0xb8;
	[tilespmem:$0x1BC20] =	vst v63  }
0x91: {  	s7 =	smin.u32 s11, $0x9C;
	_ =	swait.ge [sflag:s29], $0x1000  }
0x92: {  	s13 =	sshll.u32 s7, $0x7;
	[sflag:s29] =	ssyncset.done $0x0  }
0x93: {  	s7 =	sadd.s32 $0x100, s13;
	[sflag:s29] =	ssyncadd.s32 $0xFFFFF000  }
0x94: {  	[tilespmem:s0], [sflag:$0x1] =	stream.indirect.gather [spmem:s3], $0x20, s7, s31, $0xb8;
	[tilespmem:$0x1BC20] =	vst v63  }
0x95: {  	_ =	swait.ge [sflag:s26], $0x1000  }
0x96: {  	[sflag:s26] =	ssyncset.done $0x0  }
0x97: {  	s14 =	simm.s32 $0x5080;
	[sflag:s26] =	ssyncadd.s32 $0xFFFFF000  }
0x98: {  	[spmem:s4] =	stream.indirect.scatter.add.f32 [tilespmem:s2], [sflag:$0x4], $0x20, s14, s31, $0xb8;
	[tilespmem:$0x1BC20] =	vst v63  }
0x99: {  	_ =	swait.ge [sflag:s29], $0x1000  }
0x9a: {  	s10 =	simm.s32 $0x5180;
	[sflag:s29] =	ssyncset.done $0x0  }
0x9b: {  	s11 =	sadd.s32 $0x180, s13;
	s7 =	simm.s32 $0x2;
	[sflag:s29] =	ssyncadd.s32 $0xFFFFF000  }
.LBB2_6:
0x9c: {  	[tilespmem:s2], [sflag:$0x2] =	stream.indirect.gather [spmem:s3], $0x20, s11, s31, $0xb8;
	[tilespmem:$0x1BC20] =	vst v63  }
0x9d: {  	s11 =	smov.u32 s7  }
0x9e: {  	p0 =	sne.s32 s7, $0x9E;
	s7 =	sadd.s32 $0x2, s7;
	_ =	swait.ge [sflag:s25], $0x1000  }
0x9f: {  	[sflag:s25] =	ssyncset.done $0x0  }
0xa0: {  	s12 =	sadd.s32 $0xFFFFFF80, s10;
	[sflag:s25] =	ssyncadd.s32 $0xFFFFF000  }
0xa1: {  	[spmem:s4] =	stream.indirect.scatter.add.f32 [tilespmem:s0], [sflag:$0x4], $0x20, s12, s31, $0xb8;
	[tilespmem:$0x1BC20] =	vst v63  }
0xa2: {  	s11 =	smin.u32 s11, $0x9C;
	_ =	swait.ge [sflag:s29], $0x1000  }
0xa3: {  	s11 =	sshll.u32 s11, $0x7;
	[sflag:s29] =	ssyncset.done $0x0  }
0xa4: {  	s12 =	sadd.s32 $0x100, s11;
	[sflag:s29] =	ssyncadd.s32 $0xFFFFF000  }
0xa5: {  	[tilespmem:s0], [sflag:$0x1] =	stream.indirect.gather [spmem:s3], $0x20, s12, s31, $0xb8;
	[tilespmem:$0x1BC20] =	vst v63  }
0xa6: {  	_ =	swait.ge [sflag:s26], $0x1000  }
0xa7: {  	[sflag:s26] =	ssyncset.done $0x0  }
.Ltmp2:
0xa8: {  	[sflag:s26] =	ssyncadd.s32 $0xFFFFF000;
	(pc) =	sbr.rel @p0 .LBB2_6-.Ltmp2, $4  }
0xa9: {  	[spmem:s4] =	stream.indirect.scatter.add.f32 [tilespmem:s2], [sflag:$0x4], $0x20, s10, s31, $0xb8;
	[tilespmem:$0x1BC20] =	vst v63  }
0xaa: {  	_ =	swait.ge [sflag:s29], $0x1000  }
0xab: {  	[sflag:s29] =	ssyncset.done $0x0  }
0xac: {  	s11 =	sadd.s32 $0x180, s11;
	s10 =	sadd.s32 $0x100, s10;
	[sflag:s29] =	ssyncadd.s32 $0xFFFFF000  }
0xad: {  	[tilespmem:s2], [sflag:$0x2] =	stream.indirect.gather [spmem:s3], $0x20, s11, s31, $0xb8;
	[tilespmem:$0x1BC20] =	vst v63  }
0xae: {  	_ =	swait.ge [sflag:s25], $0x1000  }
0xaf: {  	[sflag:s25] =	ssyncset.done $0x0  }
0xb0: {  	[sflag:s25] =	ssyncadd.s32 $0xFFFFF000  }
0xb1: {  	_ =	swait.ge [sflag:s26], $0x1000  }
0xb2: {  	[sflag:s26] =	ssyncset.done $0x0  }
0xb3: {  	[sflag:s26] =	ssyncadd.s32 $0xFFFFF000  }
0xb4: {  	s7 =	sshrl.u32 s16, $0x3;
	s6 =	sadd.s32 $0x1, s6;
	[bflag:$0x0] =	sbarrier.arrive $0xFFFF  }
0xb5: {  	[hbm:s22@s30], [sflag:s9] =	dma.strided [spmem:s7@s29], $0x9E0, s25, $0x4   }
0xb6: {  	p0 =	sne.s32 s6, s23;
	_ =	swait.ge [sflag:s24], $0x9E0  }
.Ltmp3:
0xb7: {  	[sflag:s24] =	ssyncset.done $0x0;
	(pc) =	sbr.rel @p0 .LBB2_1-.Ltmp3, $4  }
0xb8: {  	[sflag:s24] =	ssyncadd.s32 $0xFFFFF620  }
0xb9: {  	_ =	swait.ge [sflag:s24], $0x9E0  }
0xba: {  	[sflag:s24] =	ssyncset.done $0x0  }
0xbb: {  	[sflag:s24] =	ssyncadd.s32 $0xFFFFF620  }
0xbc: {  	_ =	sfence.sel $0x180000  }
0xbd: {  	[bflag:$0x0] =	sbarrier.arrive $0xFFFF  }
0xbe: {  	_ =	strace $0x9000004D  }
0xbf: {  	s0 =	stileid.u32;
	[bflag:$0x2] =	sbarrier.arrive $0xFFFF  }
0xc0: {  	p0 =	sne.s32 s0, $0x0;
	s0 =	rddreg [dreg:$0x5]  }
0xc1: {  	s0 =	sadd.s32 @!p0 $0x100000, s0  }
0xc2: {  	[sflag:s0] =	ssyncadd.tile.s32 @!p0 $0x1;
	_ =	shalt  }
.Lfunc_end2:
_tile_overlayer_lowered:
.L_overlay_start_2:
0xc3: {  	(tag) =	ssettag $0x2  }
0xc4: {  	s0 =	rddreg [dreg:$0x0];
	s2 =	stileid.u32  }
0xc5: {  	s1 =	rddreg [dreg:$0x1];
	p0 =	sne.s32 s2, $0x0  }
0xc6: {  	s3 =	rddreg [dreg:$0x2];
	[bflag:$0x3] =	sbarrier.arrive $0xFFFF;
	s2 =	simm.s32 @!p0 $0x1C04  }
0xc7: {  	[timem:s3], [sflag:s2] =	dma.local @!p0 [hbm:s0], s1  }
0xc8: {  	s0 =	simm.s32 @!p0 $0x4  }
0xc9: {  	_ =	swait.ge @!p0 [sflag:s0], s1  }
0xca: {  	s1 =	ssub.s32 @!p0 $0x0, s1;
	[sflag:s0] =	ssyncset.done @!p0 $0x0  }
0xcb: {  	[sflag:s0] =	ssyncadd.s32 @!p0 s1  }
0xcc: {  	[bflag:$0x3] =	sbarrier.arrive $0xFFFF  }
0xcd: {  	_ =	shalt  }

// kernel: kernel.9.cloned.1.call-start
scs
__scs_entry_jumppad:
0x0: {  	(pc) =	sbr.rel $0x88, $3  }
0x1: {  	(tag) =	ssettag $0x0;
	lr =	simm.s32 $0x1  }
0x2: {  	[smem:$0x3F99] =	sst lr;
	_ =	strace $0xD0000000  }
0x3: {  	_ = 	snop  }
0x4: {  	_ = 	snop  }
0x5: {  	_ = 	snop  }
0x6: {  	_ = 	snop  }
0x7: {  	_ = 	snop  }
__scs_overlays_trampoline_lowered:
0x8: {  	[smem:$0x3FA8] =	sst s0  }
0x9: {  	[smem:$0x3FA9] =	sst s1  }
0xa: {  	[smem:$0x3FAA] =	sst s2  }
0xb: {  	[smem:$0x3FAB] =	sst s3  }
0xc: {  	[smem:$0x3FAC] =	sst s4  }
0xd: {  	[smem:$0x3FAD] =	sst s5  }
0xe: {  	[smem:$0x3FAE] =	sst s6  }
0xf: {  	[smem:$0x3FAF] =	sst s7  }
0x10: {  	[smem:$0x3FB0] =	sst s8  }
0x11: {  	[smem:$0x3FB1] =	sst s9;
	s0 =	simm.s32 @!p0 $0x0  }
0x12: {  	s1 =	sld [smem:$0x3F97];
	s0 =	simm.s32 @p0 $0x1  }
0x13: {  	[smem:$0x3FB2] =	sst s0;
	s0 =	simm.s32 @!p1 $0x0  }
0x14: {  	s2 =	sld [smem:$0x3F96];
	s0 =	simm.s32 @p1 $0x1  }
0x15: {  	[smem:$0x3FB3] =	sst s0;
	s0 =	simm.s32 @!p2 $0x0  }
0x16: {  	s3 =	sld [smem:$0x3FDB];
	s0 =	simm.s32 @p2 $0x1  }
0x17: {  	s4 =	simm.s32 $0x1BF5;
	[smem:$0x3FB5] =	sst s0  }
0x18: {  	s0 =	sld [smem:$0x3F98];
	_ =	swait.ge [sflag:s4], $0x0  }
0x19: {  	s7 =	sld [smem:$0x3F99]  }
0x1a: {  	s8 =	sadd.s32 $0xFFFFE003, lr  }
0x1b: {  	s9 =	sadd.s32 $0xFFFFFEF7, lr;
	s5 =	simm.s32 $0xFFFFFFFF;
	p2 =	slt.u32 s8, $0xFFFFF086  }
0x1c: {  	p1 =	slt.u32 s9, $0xF7A;
	s5 =	simm.s32 @!p2 $0x0  }
0x1d: {  	s5 =	simm.s32 @p1 $0x1;
	p0 =	seq.s32 s7, s2  }
0x1e: {  	s7 =	smul.u32 @!p0 $0xF7A, s2;
	p2 =	seq.s32 @!p0 s5, $0x0  }
0x1f: {  	s9 =	smul.u32 $0xF7A, s1;
	s8 =	simm.s32 @!p0 $0x1BF5;
	p2 =	por !p2, p0  }
0x20: {  	[sflag:s8] =	ssyncset.s32 @!p0 $0xFFFFF086;
	s6 =	sadd.s32 @!p0 s3, s7;
	s7 =	simm.s32 @!p0 $0x108  }
0x21: {  	s3 =	sadd.s32 s3, s9;
	s6 =	sadd.s32 @!p0 $0x88, s6;
	s7 =	simm.s32 @p2 $0x1082  }
0x22: {  	[simem:s7], [sflag:s8] =	dma.local @!p0 [hbm:s6], $0xF7A  }
0x23: {  	s9 =	sor.u32 $0xD0000000, s2;
	s6 =	simm.s32 $0x108;
	_ =	swait.ge @!p0 [sflag:s8], $0x0  }
0x24: {  	s3 =	sadd.s32 $0x88, s3;
	s6 =	simm.s32 @!p1 $0x1082;
	[sflag:s4] =	ssyncset.s32 $0xFFFFF086  }
0x25: {  	[simem:s6], [sflag:s4] =	dma.local [hbm:s3], $0xF7A  }
0x26: {  	[smem:$0x3F99] =	sst s1;
	(tag) =	ssettag s2;
	_ =	strace s9  }
0x27: {  	s1 =	sld [smem:$0x3FA9]  }
0x28: {  	s2 =	sld [smem:$0x3FAA]  }
0x29: {  	s4 =	sld [smem:$0x3FAC]  }
0x2a: {  	p0 =	seq.s32 s5, $0x0;
	s5 =	sld [smem:$0x3FAD]  }
0x2b: {  	s6 =	sld [smem:$0x3FAE]  }
0x2c: {  	s7 =	sld [smem:$0x3FAF]  }
0x2d: {  	s3 =	simm.s32 $0x108;
	s8 =	sld [smem:$0x3FB0]  }
0x2e: {  	s3 =	simm.s32 @!p0 $0x1082;
	s9 =	sld [smem:$0x3FB1]  }
0x2f: {  	lr =	sadd.s32 s0, s3;
	s0 =	sld [smem:$0x3FA8]  }
0x30: {  	s3 =	sld [smem:$0x3FAB]  }
0x31: {  	[smem:$0x3FB4] =	sst s10  }
0x32: {  	s10 =	sld [smem:$0x3FB2];
	_ =	sdelay $0x3  }
0x33: {  	p0 =	seq.s32 s10, $0x1;
	s10 =	sld [smem:$0x3FB4];
	_ =	sdelay $0x3  }
0x34: {  	[smem:$0x3FB4] =	sst s10  }
0x35: {  	s10 =	sld [smem:$0x3FB3];
	_ =	sdelay $0x3  }
0x36: {  	p1 =	seq.s32 s10, $0x1;
	s10 =	sld [smem:$0x3FB4];
	_ =	sdelay $0x3  }
0x37: {  	[smem:$0x3FB4] =	sst s10  }
0x38: {  	s10 =	sld [smem:$0x3FB5]  }
0x39: {  	_ = 	snop;
	(pc) =	sbr.ind lr, $3  }
0x3a: {  	_ = 	snop  }
0x3b: {  	_ = 	snop  }
0x3c: {  	p2 =	seq.s32 s10, $0x1;
	s10 =	sld [smem:$0x3FB4]  }
0x3d: {  	_ =	shalt  }
0x3e: {  	_ =	shalt  }
0x3f: {  	_ =	shalt  }
0x40: {  	_ =	shalt  }
0x41: {  	_ =	shalt  }
0x42: {  	_ =	shalt  }
0x43: {  	_ =	shalt  }
0x44: {  	_ =	shalt  }
0x45: {  	_ =	shalt  }
0x46: {  	_ =	shalt  }
0x47: {  	_ =	shalt  }
0x48: {  	_ =	shalt  }
0x49: {  	_ =	shalt  }
0x4a: {  	_ =	shalt  }
0x4b: {  	_ =	shalt  }
0x4c: {  	_ =	shalt  }
0x4d: {  	_ =	shalt  }
0x4e: {  	_ =	shalt  }
0x4f: {  	_ =	shalt  }
0x50: {  	_ =	shalt  }
0x51: {  	_ =	shalt  }
0x52: {  	_ =	shalt  }
0x53: {  	_ =	shalt  }
0x54: {  	_ =	shalt  }
0x55: {  	_ =	shalt  }
0x56: {  	_ =	shalt  }
0x57: {  	_ =	shalt  }
0x58: {  	_ =	shalt  }
0x59: {  	_ =	shalt  }
0x5a: {  	_ =	shalt  }
0x5b: {  	_ =	shalt  }
0x5c: {  	_ =	shalt  }
0x5d: {  	_ =	shalt  }
0x5e: {  	_ =	shalt  }
0x5f: {  	_ =	shalt  }
0x60: {  	_ =	shalt  }
0x61: {  	_ =	shalt  }
0x62: {  	_ =	shalt  }
0x63: {  	_ =	shalt  }
0x64: {  	_ =	shalt  }
0x65: {  	_ =	shalt  }
0x66: {  	_ =	shalt  }
0x67: {  	_ =	shalt  }
0x68: {  	_ =	shalt  }
0x69: {  	_ =	shalt  }
0x6a: {  	_ =	shalt  }
0x6b: {  	_ =	shalt  }
0x6c: {  	_ =	shalt  }
0x6d: {  	_ =	shalt  }
0x6e: {  	_ =	shalt  }
0x6f: {  	_ =	shalt  }
0x70: {  	_ =	shalt  }
0x71: {  	_ =	shalt  }
0x72: {  	_ =	shalt  }
0x73: {  	_ =	shalt  }
0x74: {  	_ =	shalt  }
0x75: {  	_ =	shalt  }
0x76: {  	_ =	shalt  }
0x77: {  	_ =	shalt  }
0x78: {  	_ =	shalt  }
0x79: {  	_ =	shalt  }
0x7a: {  	_ =	shalt  }
0x7b: {  	_ =	shalt  }
0x7c: {  	_ =	shalt  }
0x7d: {  	_ =	shalt  }
0x7e: {  	_ =	shalt  }
0x7f: {  	_ =	shalt  }
0x80: {  	_ =	shalt  }
0x81: {  	_ =	shalt  }
0x82: {  	_ =	shalt  }
0x83: {  	_ =	shalt  }
0x84: {  	_ =	shalt  }
0x85: {  	_ =	shalt  }
0x86: {  	_ =	shalt  }
0x87: {  	_ =	shalt  }
.Lfunc_end0:
.L_simem_size_0:
called_computation_lowered:
.L_overlay_start_0:
0x88: {  	s2 =	sld [smem:$0x3FD9]  }
0x89: {  	s3 =	sld [smem:$0x3FFE];
	_ =	sdelay $0x1  }
0x8a: {  	s1 =	srdreg.scid  }
0x8b: {  	s0 =	sand.u32 $0x1, s1  }
0x8c: {  	s17 =	sshll.u32 s0, $0xA;
	s2 =	sadd.s32 s3, s2  }
0x8d: {  	s2 =	sadd.s32 s2, s17  }
0x8e: {  	[smem:$0x3FC0] =	sst s2  }
0x8f: {  	_ = 	snop  }
0x90: {  	s2 =	sld [smem:$0x3FD0];
	(tm) =	ssettm $0x1  }
0x91: {  	s18 =	sld [smem:$0x3FFB];
	_ =	sdelay $0x3  }
0x92: {  	_ =	strace s18  }
0x93: {  	s3 =	sld [smem:$0x3FFC];
	_ =	sdelay $0x3  }
0x94: {  	_ =	strace s3  }
0x95: {  	s3 =	sld [smem:$0x3FFD];
	_ =	sdelay $0x3  }
0x96: {  	_ =	strace s3  }
0x97: {  	_ =	strace $0x8FFFFFFF  }
0x98: {  	s19 =	sld [smem:$0x3FDB];
	_ =	sdelay $0x1  }
0x99: {  	s4 =	simm.s32 $_scs_section_size  }
0x9a: {  	s5 =	simm.s32 $_size__tile_overlayer_lowered;
	s6 =	simm.s32 $_tile_overlayer_lowered  }
0x9b: {  	s22 =	simm.s32 $0x1BFF;
	s21 =	sshll.u32 s6, $0x1;
	s3 =	sadd.s32 s4, s19  }
0x9c: {  	s7 =	simm.s32 $0x0;
	s20 =	sshll.u32 s5, $0x1;
	s5 =	sadd.s32 s21, s3  }
0x9d: {  	[timem:s7], [sflag:s22] =	dma.local [hbm:s5], s20  }
0x9e: {  	_ =	swait.ge [sflag:s22], s20  }
0x9f: {  	s4 =	ssub.s32 $0x0, s20;
	[sflag:s22] =	ssyncset.done $0x0  }
0xa0: {  	[sflag:s22] =	ssyncadd.s32 s4;
	_ =	sdelay $0x1  }
0xa1: {  	s23 =	simm.s32 $0x1B8B  }
0xa2: {  	_ =	swait.ge [sflag:s23], $0x1  }
0xa3: {  	[sflag:s23] =	ssyncset.done $0x0  }
0xa4: {  	s25 =	simm.s32 $0x1B8E;
	s24 =	sld [smem:$0x3FFE];
	[sflag:s23] =	ssyncadd.s32 $0xFFFFFFFF  }
0xa5: {  	s26 =	simm.s32 $execute0_lowered;
	[smem:$0x3FD2] =	sst s25  }
0xa6: {  	s5 =	sshll.u32 s26, $0x1;
	_ =	strace $0x80000046;
	[dreg:$0x1] =	wrdreg $0xFFFFFFFF  }
0xa7: {  	s28 =	simm.s32 $_size_execute0_lowered;
	s3 =	sadd.s32 s3, s5;
	[dreg:$0x0] =	wrdreg $0x0  }
0xa8: {  	s5 =	sshll.u32 s28, $0x1;
	[dreg:$0x2] =	wrdreg s3  }
0xa9: {  	[dreg:$0x3] =	wrdreg s5  }
0xaa: {  	[dreg:$0x4] =	wrdreg $0xC0  }
0xab: {  	_ =	task [dreg:s7], $0x5FFFF  }
0xac: {  	[dreg:$0x1] =	wrdreg $0xFFFFFFFF  }
0xad: {  	[dreg:$0x0] =	wrdreg $0x60  }
0xae: {  	[dreg:$0x2] =	wrdreg s24  }
0xaf: {  	[dreg:$0x3] =	wrdreg s2  }
0xb0: {  	[dreg:$0x4] =	wrdreg $0x9  }
0xb1: {  	_ =	task.clear_ibuf [dreg:s7], $0x5FFFF;
	_ =	strace $0x90000046  }
0xb2: {  	s29 =	simm.s32 $0x9;
	_ =	strace $0x80000048  }
0xb3: {  	_ =	swait.ge [sflag:s29], $0x1  }
0xb4: {  	[sflag:s29] =	ssyncadd.s32 $0xFFFFFFFF  }
0xb5: {  	_ =	strace $0x90000048  }
0xb6: {  	_ =	sfence  }
0xb7: {  	s30 =	sld [smem:$0x0];
	_ =	sdelay $0x2  }
0xb8: {  	s31 =	sshll.u32 s1, $0xD;
	s1 =	sshrl.u32 s1, $0x2  }
0xb9: {  	s3 =	sand.u32 $0x4000, s31;
	s1 =	sadd.s32 s1, s30  }
0xba: {  	s0 =	sor.u32 s3, s0;
	s1 =	sshll.u32 s1, $0x11  }
0xbb: {  	s0 =	sor.u32 s1, s0  }
0xbc: {  	s0 =	sadd.s32 $0x8F2B, s0  }
0xbd: {  	[sflag:s0] =	ssyncadd.remote.s32 $0x1  }
0xbe: {  	_ =	sfence.sel $0xFFFF  }
0xbf: {  	[dreg:$0x0] =	wrdreg $0xFFFFFFFF;
	(pc) =	sbr.abs _section_cstart, $3  }
0xc0: {  	[dreg:$0x1] =	wrdreg $0xFFFFFFFF  }
0xc1: {  	_ =	task.clear_ibuf [dreg:s7], $0x2FFFF;
	_ =	strace $0x9FFFFFFF  }
0xc2: {  	(tm) =	ssettm $0x7FFFFFFF  }
0xc3: {  	_ =	shalt  }
tec
execute0_lowered:
.L_overlay_start_1:
0x0: {  	(tag) =	ssettag $0x1  }
0x1: {  	s3 =	rddreg [dreg:$0x0]  }
0x2: {  	s1 =	srdreg.scid;
	s0 =	stileid.u32  }
0x3: {  	s4 =	rddreg [dreg:$0x1];
	s5 =	sand.u32 $0x1, s1;
	s2 =	sshll.u32 s0, $0x1  }
0x4: {  	s1 =	rddreg [dreg:$0x2];
	s6 =	sor.u32 s5, s2  }
0x5: {  	s2 =	simm.s32 $0x0;
	s5 =	ssub.s32 $0x2, s5;
	s7 =	smul.u32 $0x500, s6  }
0x6: {  	[smem:$0x7FF] =	sst s2;
	s8 =	sshrl.u32 s5, $0x1;
	s6 =	smul.u32 $0x4F0, s6  }
0x7: {  	_ =	strace $0x80000047;
	s5 =	ssub.s32 s5, s8;
	s8 =	simm.s32 $0x0  }
0x8: {  	s3 =	sadd.s32 s7, s3;
	s4 =	sadd.s32 s4, s6;
	s5 =	smax.u32 s5, $0x1  }
0x9: {  	v0 =	vimm.f32 $0.0e+00;
	v1 =	vimm.f32 $1.000000000e+00;
	s6 =	simm.s32 $0x1;
	s7 =	simm.s32 $0x2800;
	s3 =	sadd.s32 $0x3000, s3  }
.LBB2_1:
0xa: {  	[tilespmem:s2], [sflag:$0x1] =	stream.linear.gather [hbm4b:s3+s2], $0x2800, $0x38;
	[tilespmem:$0x4F80] =	vst v63  }
0xb: {  	_ =	swait.ge [sflag:s6], $0x2800  }
0xc: {  	[sflag:s6] =	ssyncset.done $0x0  }
0xd: {  	s9 =	simm.s32 $0x0;
	[sflag:s6] =	ssyncadd.s32 $0xFFFFD800  }
.LBB2_2:
0xe: {  	p0 =	sne.s32 s9, $0x9DC0  }
.Ltmp0:
0xf: {  	_ = 	snop;
	(pc) =	sbr.rel @p0 .LBB2_2-.Ltmp0, $3  }
0x10: {  	_ =	sdelay $0x1  }
0x11: {  	s10 =	sshra.s32 s9, $0x2  }
0x12: {  	s9 =	sadd.s32 $0x40, s9;
	[tilespmem:s10+$0x2800] =	vst v0  }
0x13: {  	s9 =	simm.s32 $0x0  }
0x14: {  	s10 =	sand.u32 $0x3FF0, s9;
	s9 =	simm.s32 $0x10  }
.LBB2_4:
0x15: {  	p0 =	sne.s32 s9, $0x27F0;
	v2 =	vld [tilespmem:s10+$0x0];
	_ =	sdelay $0x3  }
.Ltmp1:
0x16: {  	(pc) =	sbr.rel @p0 .LBB2_4-.Ltmp1, $2  }
0x17: {  	_ =	sdelay $0x2  }
0x18: {  	s10 =	sand.u32 $0x3FF0, s9;
	s9 =	sadd.s32 $0x10, s9;
	[tilespmem:v2+s7+$0x0] =	vst.idx.add.f32.msk $0xffff, v1  }
0x19: {  	v2 =	vld [tilespmem:s10+$0x0];
	_ =	sdelay $0x5  }
0x1a: {  	s8 =	sadd.s32 $0x1, s8  }
0x1b: {  	p0 =	sne.s32 s8, s5  }
.Ltmp2:
0x1c: {  	[tilespmem:v2+s7+$0x0] =	vst.idx.add.f32.msk $0xffff, v1;
	(pc) =	sbr.rel @p0 .LBB2_1-.Ltmp2, $4  }
0x1d: {  	[hbm4b:s4+s2] =	stream.linear.scatter [tilespmem:s7], [sflag:$0x1], $0x2780, $0x38;
	[tilespmem:$0x4F80] =	vst v63  }
0x1e: {  	_ =	swait.ge [sflag:s6], $0x2780  }
0x1f: {  	[sflag:s6] =	ssyncset.done $0x0  }
0x20: {  	[sflag:s6] =	ssyncadd.s32 $0xFFFFD880  }
0x21: {  	_ =	sfence.sel $0x180000  }
0x22: {  	[bflag:$0x0] =	sbarrier.arrive $0xFFFF  }
0x23: {  	p0 =	sne.s32 s0, $0x0;
	_ =	strace $0x90000047  }
0x24: {  	s0 =	sadd.s32 @!p0 $0x100000, s1;
	[bflag:$0x2] =	sbarrier.arrive $0xFFFF  }
0x25: {  	[sflag:s0] =	ssyncadd.tile.s32 @!p0 $0x1;
	_ =	shalt  }
.Lfunc_end2:
_tile_overlayer_lowered:
.L_overlay_start_2:
0x26: {  	(tag) =	ssettag $0x2  }
0x27: {  	s0 =	rddreg [dreg:$0x0];
	s2 =	stileid.u32  }
0x28: {  	s1 =	rddreg [dreg:$0x1];
	p0 =	sne.s32 s2, $0x0  }
0x29: {  	s3 =	rddreg [dreg:$0x2];
	[bflag:$0x3] =	sbarrier.arrive $0xFFFF;
	s2 =	simm.s32 @!p0 $0x1C01  }
0x2a: {  	[timem:s3], [sflag:s2] =	dma.local @!p0 [hbm:s0], s1  }
0x2b: {  	s0 =	simm.s32 @!p0 $0x1  }
0x2c: {  	_ =	swait.ge @!p0 [sflag:s0], s1  }
0x2d: {  	s1 =	ssub.s32 @!p0 $0x0, s1;
	[sflag:s0] =	ssyncset.done @!p0 $0x0  }
0x2e: {  	[sflag:s0] =	ssyncadd.s32 @!p0 s1  }
0x2f: {  	[bflag:$0x3] =	sbarrier.arrive $0xFFFF  }
0x30: {  	_ =	shalt  }

</sc_bundles>
